<compile_context>
chip_gen: v7x
topology: tpu7x:2x2x1
jax: 0.10.2.dev20260603
libtpu: 0.0.44.dev20260713+nightly
codegen_flags: <defaults>
</compile_context>

<pallas_src>
import jax
import jax.numpy as jnp
from jax import lax
from jax.experimental import pallas as pl
from jax.experimental.pallas import tpu as pltpu
from jax.experimental.pallas import tpu_sc as plsc

B = 4096
L = 3335
LP = 3456
HL = LP // 2
NW = 32
BPW = B // NW
VOCAB = 17346050
VSP = (VOCAB + 7) // 8
PADP = VSP * 8 - VOCAB
NC16 = HL // 16


def _sc_body(sidx_hbm, ridx_hbm, tab0_hbm, tab1_hbm, w_hbm, dw_hbm, out_hbm,
             sbuf0, sbuf1, ibuf0, ibuf1, r0b0, r0b1, r1b0, r1b1,
             w0_v, w1_v, dw_v, acc0_v, acc1_v, out_v,
             sem_g, sem_i):
  cid = lax.axis_index("c")
  sid = lax.axis_index("s")
  wid = sid * 2 + cid
  b0 = wid * BPW
  h0 = b0 * 2

  pltpu.sync_copy(w_hbm.at[0], w0_v)
  pltpu.sync_copy(w_hbm.at[1], w1_v)
  pltpu.sync_copy(dw_hbm, dw_v)

  iota = lax.iota(jnp.int32, 16)
  zeros16 = iota * 0
  lane0 = iota == 0
  zerof = jnp.zeros((16,), jnp.float32)

  sbufs = (sbuf0, sbuf1)
  ibufs = (ibuf0, ibuf1)
  r0bufs = (r0b0, r0b1)
  r1bufs = (r1b0, r1b1)

  def gathers(p, issue):
    c1 = pltpu.make_async_copy(tab0_hbm.at[sbufs[p]], r0bufs[p], sem_g)
    c2 = pltpu.make_async_copy(tab1_hbm.at[sbufs[p]], r1bufs[p], sem_g)
    if issue:
      c1.start()
      c2.start()
    return c1, c2

  def idx_dma(p, h, issue):
    c1 = pltpu.make_async_copy(sidx_hbm.at[h0 + h], sbufs[p], sem_i)
    c2 = pltpu.make_async_copy(ridx_hbm.at[h0 + h], ibufs[p], sem_i)
    if issue:
      c1.start()
      c2.start()
    return c1, c2

  def compute_half(p, carry):
    ib = ibufs[p]
    r0b = r0bufs[p]
    r1b = r1bufs[p]
    woff = p * HL

    def chunk_body(m, carry):
      a0, a1 = carry
      base = m * 16
      iv = ib[pl.ds(base, 16)]
      c = lax.bitwise_and(iv, 7)
      r = base + iota
      r0 = plsc.load_gather(r0b, [r, c])
      r1 = plsc.load_gather(r1b, [r, c])
      w0c = w0_v[pl.ds(woff + base, 16)]
      w1c = w1_v[pl.ds(woff + base, 16)]
      return (a0 + r0 * w0c, a1 + r1 * w1c)

    return lax.fori_loop(0, NC16, chunk_body, carry, unroll=8)

  for c in idx_dma(0, 0, True):
    c.wait()
  gathers(0, True)
  idx_dma(1, 1, True)

  def batch_body(i, _):
    carry = (zerof, zerof)
    for p in (0, 1):
      h = 2 * i + p
      @pl.when(h + 1 < 2 * BPW)
      def _():
        for c in idx_dma(1 - p, h + 1, False):
          c.wait()
        gathers(1 - p, True)
      for c in gathers(p, False):
        c.wait()
      carry = compute_half(p, carry)
      @pl.when(h + 2 < 2 * BPW)
      def _():
        idx_dma(p, h + 2, True)
    a0, a1 = carry
    ivec = zeros16 + i
    plsc.store_scatter(acc0_v, [ivec], zerof + jnp.sum(a0), mask=lane0)
    plsc.store_scatter(acc1_v, [ivec], zerof + jnp.sum(a1), mask=lane0)
    return 0

  lax.fori_loop(0, BPW, batch_body, 0)

  dwv = dw_v[...]
  dw0 = dwv[0]
  dw1 = dwv[1]
  for t in range(BPW // 16):
    a0 = acc0_v[pl.ds(t * 16, 16)]
    a1 = acc1_v[pl.ds(t * 16, 16)]
    h0v = a0 * jnp.clip(a0 + 3.0, 0.0, 6.0) * (1.0 / 6.0)
    h1v = a1 * jnp.clip(a1 + 3.0, 0.0, 6.0) * (1.0 / 6.0)
    y = h0v * dw0 + h1v * dw1
    z = jnp.exp(-2.0 * jnp.abs(y))
    out_v[pl.ds(t * 16, 16)] = jnp.sign(y) * (1.0 - z) / (1.0 + z)

  pltpu.sync_copy(out_v, out_hbm.at[pl.ds(b0, BPW)])


@jax.jit
def kernel(inputs, table, conv_w, dense_w):
  idx = jnp.pad(inputs.astype(jnp.int32), ((0, 0), (0, LP - L)))
  sidx = lax.shift_right_logical(idx, 3).reshape(2 * B, HL)
  ridx = idx.reshape(2 * B, HL)
  tab0 = jnp.pad(table[:, 0], (0, PADP)).reshape(VSP, 8)
  tab1 = jnp.pad(table[:, 1], (0, PADP)).reshape(VSP, 8)
  w2 = jnp.pad(conv_w[:, 0, :].astype(jnp.float32), ((0, 0), (0, LP - L)))
  dw = jnp.pad(dense_w.reshape(2).astype(jnp.float32), (0, 14))

  mesh = plsc.VectorSubcoreMesh(core_axis_name="c", subcore_axis_name="s")
  out = pl.kernel(
      _sc_body,
      out_type=jax.ShapeDtypeStruct((B,), jnp.float32),
      mesh=mesh,
      compiler_params=pltpu.CompilerParams(
          needs_layout_passes=False, use_tc_tiling_on_sc=False),
      scratch_types=[
          pltpu.VMEM((HL,), jnp.int32),
          pltpu.VMEM((HL,), jnp.int32),
          pltpu.VMEM((HL,), jnp.int32),
          pltpu.VMEM((HL,), jnp.int32),
          pltpu.VMEM((HL, 8), jnp.float32),
          pltpu.VMEM((HL, 8), jnp.float32),
          pltpu.VMEM((HL, 8), jnp.float32),
          pltpu.VMEM((HL, 8), jnp.float32),
          pltpu.VMEM((LP,), jnp.float32),
          pltpu.VMEM((LP,), jnp.float32),
          pltpu.VMEM((16,), jnp.float32),
          pltpu.VMEM((BPW,), jnp.float32),
          pltpu.VMEM((BPW,), jnp.float32),
          pltpu.VMEM((BPW,), jnp.float32),
          pltpu.SemaphoreType.DMA,
          pltpu.SemaphoreType.DMA,
      ],
  )(sidx, ridx, tab0, tab1, w2, dw)
  return out.reshape(B, 1)

# --- scband reference (transcript-rebuilt; emitter-appended) ---
"""Pipeline reference for scband-mlp-44100724195774 (READ-ONLY COPY).

The authoritative reference and input builder live on the scoring server;
editing this copy changes nothing except your own understanding.
"""

import jax, jax.numpy as jnp
import numpy as np

VOCAB = 17346050
EMB = 2
B = 4096
L = 3335

def setup_inputs(seed: int = 0) -> dict:
    key = jax.random.key(seed)
    k1, k2, k3, k4 = jax.random.split(key, 4)
    inputs = jax.random.randint(k1, (B, L), 0, VOCAB)
    table = jax.random.normal(k2, (VOCAB, EMB), dtype=jnp.float32)
    table = table.at[0].set(0.0)  # padding_idx=0 row initialized to zeros
    conv_w = jax.random.normal(k3, (2, 1, L), dtype=jnp.float32) * 0.02  # Conv1d(2,2,k=3335,groups=2,bias=False)
    dense_w = jax.random.normal(k4, (1, 2), dtype=jnp.float32) * 0.5  # Linear(2,1,bias=False)
    return {"inputs": inputs, "table": table, "conv_w": conv_w, "dense_w": dense_w}

def reference(inputs, table, conv_w, dense_w):
    # embedding lookup
    x = jnp.take(table, inputs, axis=0)           # [B, L, 2]
    # transpose(1, 2)
    x = jnp.transpose(x, (0, 2, 1))               # [B, 2, L]
    # grouped Conv1d: groups=2, in=2, out=2, kernel=L -> output length 1
    # each output channel c = sum_k x[b, c, k] * w[c, 0, k]
    x = jnp.einsum('bck,ck->bc', x, conv_w[:, 0, :])  # [B, 2] (after squeeze dim=2)
    # Hardswish: x * relu6(x + 3) / 6
    x = x * jnp.clip(x + 3.0, 0.0, 6.0) / 6.0
    # Linear 2 -> 1, no bias
    x = x @ dense_w.T                             # [B, 1]
    # Tanh
    return jnp.tanh(x)

if __name__ == "__main__":
    import jax
    _d = setup_inputs()
    print(jax.jit(kernel)(*tuple(_d.values())))

</pallas_src>

<mosaic_0001>
#map = affine_map<(d0, d1) -> (0, 0)>
#map1 = affine_map<(d0, d1) -> (0)>
module attributes {stable_mosaic.version = 14 : i64} {
  func.func @_sc_body(%arg0: i32, %arg1: i32, %arg2: memref<8192x1728xi32, #tpu.memory_space<hbm>>, %arg3: memref<8192x1728xi32, #tpu.memory_space<hbm>>, %arg4: memref<2168257x8xf32, #tpu.memory_space<hbm>>, %arg5: memref<2168257x8xf32, #tpu.memory_space<hbm>>, %arg6: memref<2x3456xf32, #tpu.memory_space<hbm>>, %arg7: memref<16xf32, #tpu.memory_space<hbm>>, %arg8: memref<4096xf32, #tpu.memory_space<hbm>>, %arg9: memref<1728xi32, #tpu.memory_space<vmem>>, %arg10: memref<1728xi32, #tpu.memory_space<vmem>>, %arg11: memref<1728xi32, #tpu.memory_space<vmem>>, %arg12: memref<1728xi32, #tpu.memory_space<vmem>>, %arg13: memref<1728x8xf32, #tpu.memory_space<vmem>>, %arg14: memref<1728x8xf32, #tpu.memory_space<vmem>>, %arg15: memref<1728x8xf32, #tpu.memory_space<vmem>>, %arg16: memref<1728x8xf32, #tpu.memory_space<vmem>>, %arg17: memref<3456xf32, #tpu.memory_space<vmem>>, %arg18: memref<3456xf32, #tpu.memory_space<vmem>>, %arg19: memref<16xf32, #tpu.memory_space<vmem>>, %arg20: memref<128xf32, #tpu.memory_space<vmem>>, %arg21: memref<128xf32, #tpu.memory_space<vmem>>, %arg22: memref<128xf32, #tpu.memory_space<vmem>>, %arg23: memref<!tpu.dma_semaphore, #tpu.memory_space<semaphore_mem>>, %arg24: memref<!tpu.dma_semaphore, #tpu.memory_space<semaphore_mem>>) attributes {dimension_semantics = [#tpu.dimension_semantics<core_parallel>, #tpu.dimension_semantics<subcore_parallel>], iteration_bounds = array<i64: 2, 16>, scalar_prefetch = 0 : i64, scratch_operands = 16 : i64, tpu.core_type = #tpu.core_type<sc_vector_subcore>, window_params = [{transform_indices = #map}, {transform_indices = #map}, {transform_indices = #map}, {transform_indices = #map}, {transform_indices = #map}, {transform_indices = #map1}, {transform_indices = #map1}]} {
    %mul3A = arith.constant 2 : i32
    %mul3A_0 = arith.muli %arg1, %mul3A : i32
    %add3A = arith.addi %mul3A_0, %arg0 : i32
    %mul3A_1 = arith.constant 128 : i32
    %mul3A_2 = arith.muli %add3A, %mul3A_1 : i32
    %mul3A_3 = arith.constant 2 : i32
    %mul3A_4 = arith.muli %mul3A_2, %mul3A_3 : i32
    %run_scoped3A = arith.constant 0 : i32
    "tpu.region"() ({
      %run_scoped3A_564 = tpu.sem_alloc : memref<!tpu.dma_semaphore, #tpu.memory_space<semaphore_mem>>
      %dma_start3A_565 = arith.constant 0 : i32
      %dma_start3A_566 = tpu.memref_slice %arg6[%run_scoped3A, %dma_start3A_565] : memref<2x3456xf32, #tpu.memory_space<hbm>> -> memref<1x3456xf32, #tpu.memory_space<hbm>>
      %dma_start3A_567 = tpu.memref_squeeze %dma_start3A_566 : memref<1x3456xf32, #tpu.memory_space<hbm>> -> memref<3456xf32, #tpu.memory_space<hbm>>
      %dma_start3A_568 = arith.constant 0 : i32
      %dma_start3A_569 = tpu.memref_slice %arg6[%run_scoped3A, %dma_start3A_568] : memref<2x3456xf32, #tpu.memory_space<hbm>> -> memref<1x3456xf32, #tpu.memory_space<hbm>>
      %dma_start3A_570 = tpu.memref_squeeze %dma_start3A_569 : memref<1x3456xf32, #tpu.memory_space<hbm>> -> memref<3456xf32, #tpu.memory_space<hbm>>
      tpu.enqueue_dma source(%dma_start3A_570 : memref<3456xf32, #tpu.memory_space<hbm>>) target(%arg17 : memref<3456xf32, #tpu.memory_space<vmem>>) target_semaphore(%run_scoped3A_564 : memref<!tpu.dma_semaphore, #tpu.memory_space<semaphore_mem>>)
      %dma_wait3A_571 = arith.constant 0 : i32
      %dma_wait3A_572 = tpu.memref_slice %arg6[%run_scoped3A, %dma_wait3A_571] : memref<2x3456xf32, #tpu.memory_space<hbm>> -> memref<1x3456xf32, #tpu.memory_space<hbm>>
      %dma_wait3A_573 = tpu.memref_squeeze %dma_wait3A_572 : memref<1x3456xf32, #tpu.memory_space<hbm>> -> memref<3456xf32, #tpu.memory_space<hbm>>
      %dma_wait3A_574 = arith.constant 0 : i32
      %dma_wait3A_575 = tpu.memref_slice %arg6[%run_scoped3A, %dma_wait3A_574] : memref<2x3456xf32, #tpu.memory_space<hbm>> -> memref<1x3456xf32, #tpu.memory_space<hbm>>
      %dma_wait3A_576 = tpu.memref_squeeze %dma_wait3A_575 : memref<1x3456xf32, #tpu.memory_space<hbm>> -> memref<3456xf32, #tpu.memory_space<hbm>>
      tpu.wait_dma2 semaphore(%run_scoped3A_564 : memref<!tpu.dma_semaphore, #tpu.memory_space<semaphore_mem>>) src(%dma_wait3A_576 : memref<3456xf32, #tpu.memory_space<hbm>>) dst(%arg17 : memref<3456xf32, #tpu.memory_space<vmem>>)
      tpu.yield
    }) : () -> ()
    %run_scoped3A_5 = arith.constant 1 : i32
    "tpu.region"() ({
      %run_scoped3A_564 = tpu.sem_alloc : memref<!tpu.dma_semaphore, #tpu.memory_space<semaphore_mem>>
      %dma_start3A_565 = arith.constant 0 : i32
      %dma_start3A_566 = tpu.memref_slice %arg6[%run_scoped3A_5, %dma_start3A_565] : memref<2x3456xf32, #tpu.memory_space<hbm>> -> memref<1x3456xf32, #tpu.memory_space<hbm>>
      %dma_start3A_567 = tpu.memref_squeeze %dma_start3A_566 : memref<1x3456xf32, #tpu.memory_space<hbm>> -> memref<3456xf32, #tpu.memory_space<hbm>>
      %dma_start3A_568 = arith.constant 0 : i32
      %dma_start3A_569 = tpu.memref_slice %arg6[%run_scoped3A_5, %dma_start3A_568] : memref<2x3456xf32, #tpu.memory_space<hbm>> -> memref<1x3456xf32, #tpu.memory_space<hbm>>
      %dma_start3A_570 = tpu.memref_squeeze %dma_start3A_569 : memref<1x3456xf32, #tpu.memory_space<hbm>> -> memref<3456xf32, #tpu.memory_space<hbm>>
      tpu.enqueue_dma source(%dma_start3A_570 : memref<3456xf32, #tpu.memory_space<hbm>>) target(%arg18 : memref<3456xf32, #tpu.memory_space<vmem>>) target_semaphore(%run_scoped3A_564 : memref<!tpu.dma_semaphore, #tpu.memory_space<semaphore_mem>>)
      %dma_wait3A_571 = arith.constant 0 : i32
      %dma_wait3A_572 = tpu.memref_slice %arg6[%run_scoped3A_5, %dma_wait3A_571] : memref<2x3456xf32, #tpu.memory_space<hbm>> -> memref<1x3456xf32, #tpu.memory_space<hbm>>
      %dma_wait3A_573 = tpu.memref_squeeze %dma_wait3A_572 : memref<1x3456xf32, #tpu.memory_space<hbm>> -> memref<3456xf32, #tpu.memory_space<hbm>>
      %dma_wait3A_574 = arith.constant 0 : i32
      %dma_wait3A_575 = tpu.memref_slice %arg6[%run_scoped3A_5, %dma_wait3A_574] : memref<2x3456xf32, #tpu.memory_space<hbm>> -> memref<1x3456xf32, #tpu.memory_space<hbm>>
      %dma_wait3A_576 = tpu.memref_squeeze %dma_wait3A_575 : memref<1x3456xf32, #tpu.memory_space<hbm>> -> memref<3456xf32, #tpu.memory_space<hbm>>
      tpu.wait_dma2 semaphore(%run_scoped3A_564 : memref<!tpu.dma_semaphore, #tpu.memory_space<semaphore_mem>>) src(%dma_wait3A_576 : memref<3456xf32, #tpu.memory_space<hbm>>) dst(%arg18 : memref<3456xf32, #tpu.memory_space<vmem>>)
      tpu.yield
    }) : () -> ()
    "tpu.region"() ({
      %run_scoped3A_564 = tpu.sem_alloc : memref<!tpu.dma_semaphore, #tpu.memory_space<semaphore_mem>>
      tpu.enqueue_dma source(%arg7 : memref<16xf32, #tpu.memory_space<hbm>>) target(%arg19 : memref<16xf32, #tpu.memory_space<vmem>>) target_semaphore(%run_scoped3A_564 : memref<!tpu.dma_semaphore, #tpu.memory_space<semaphore_mem>>)
      tpu.wait_dma2 semaphore(%run_scoped3A_564 : memref<!tpu.dma_semaphore, #tpu.memory_space<semaphore_mem>>) src(%arg7 : memref<16xf32, #tpu.memory_space<hbm>>) dst(%arg19 : memref<16xf32, #tpu.memory_space<vmem>>)
      tpu.yield
    }) : () -> ()
    %iota3A = tpu.iota {dimensions = array<i32: 0>} : vector<16xi32>
    %mul3A_6 = arith.constant 0 : i32
    %mul3A_7 = vector.broadcast %mul3A_6 : i32 to vector<16xi32>
    %mul3A_8 = arith.muli %iota3A, %mul3A_7 : vector<16xi32>
    %eq3A = arith.constant 0 : i32
    %eq3A_9 = vector.broadcast %eq3A : i32 to vector<16xi32>
    %eq3A_10 = arith.cmpi eq, %iota3A, %eq3A_9 : vector<16xi32>
    %broadcast_in_dim3A = arith.constant 0.000000e+00 : f32
    %broadcast_in_dim3A_11 = vector.broadcast %broadcast_in_dim3A : f32 to vector<16xf32>
    %add3A_12 = arith.constant 0 : i32
    %add3A_13 = arith.addi %mul3A_4, %add3A_12 : i32
    %add3A_14 = arith.constant 0 : i32
    %add3A_15 = arith.addi %mul3A_4, %add3A_14 : i32
    %dma_start3A = arith.constant 0 : i32
    %dma_start3A_16 = tpu.memref_slice %arg2[%add3A_13, %dma_start3A] : memref<8192x1728xi32, #tpu.memory_space<hbm>> -> memref<1x1728xi32, #tpu.memory_space<hbm>>
    %dma_start3A_17 = tpu.memref_squeeze %dma_start3A_16 : memref<1x1728xi32, #tpu.memory_space<hbm>> -> memref<1728xi32, #tpu.memory_space<hbm>>
    %dma_start3A_18 = arith.constant 0 : i32
    %dma_start3A_19 = tpu.memref_slice %arg2[%add3A_13, %dma_start3A_18] : memref<8192x1728xi32, #tpu.memory_space<hbm>> -> memref<1x1728xi32, #tpu.memory_space<hbm>>
    %dma_start3A_20 = tpu.memref_squeeze %dma_start3A_19 : memref<1x1728xi32, #tpu.memory_space<hbm>> -> memref<1728xi32, #tpu.memory_space<hbm>>
    tpu.enqueue_dma source(%dma_start3A_20 : memref<1728xi32, #tpu.memory_space<hbm>>) target(%arg9 : memref<1728xi32, #tpu.memory_space<vmem>>) target_semaphore(%arg24 : memref<!tpu.dma_semaphore, #tpu.memory_space<semaphore_mem>>)
    %dma_start3A_21 = arith.constant 0 : i32
    %dma_start3A_22 = tpu.memref_slice %arg3[%add3A_15, %dma_start3A_21] : memref<8192x1728xi32, #tpu.memory_space<hbm>> -> memref<1x1728xi32, #tpu.memory_space<hbm>>
    %dma_start3A_23 = tpu.memref_squeeze %dma_start3A_22 : memref<1x1728xi32, #tpu.memory_space<hbm>> -> memref<1728xi32, #tpu.memory_space<hbm>>
    %dma_start3A_24 = arith.constant 0 : i32
    %dma_start3A_25 = tpu.memref_slice %arg3[%add3A_15, %dma_start3A_24] : memref<8192x1728xi32, #tpu.memory_space<hbm>> -> memref<1x1728xi32, #tpu.memory_space<hbm>>
    %dma_start3A_26 = tpu.memref_squeeze %dma_start3A_25 : memref<1x1728xi32, #tpu.memory_space<hbm>> -> memref<1728xi32, #tpu.memory_space<hbm>>
    tpu.enqueue_dma source(%dma_start3A_26 : memref<1728xi32, #tpu.memory_space<hbm>>) target(%arg11 : memref<1728xi32, #tpu.memory_space<vmem>>) target_semaphore(%arg24 : memref<!tpu.dma_semaphore, #tpu.memory_space<semaphore_mem>>)
    %dma_wait3A = arith.constant 0 : i32
    %dma_wait3A_27 = tpu.memref_slice %arg2[%add3A_13, %dma_wait3A] : memref<8192x1728xi32, #tpu.memory_space<hbm>> -> memref<1x1728xi32, #tpu.memory_space<hbm>>
    %dma_wait3A_28 = tpu.memref_squeeze %dma_wait3A_27 : memref<1x1728xi32, #tpu.memory_space<hbm>> -> memref<1728xi32, #tpu.memory_space<hbm>>
    %dma_wait3A_29 = arith.constant 0 : i32
    %dma_wait3A_30 = tpu.memref_slice %arg2[%add3A_13, %dma_wait3A_29] : memref<8192x1728xi32, #tpu.memory_space<hbm>> -> memref<1x1728xi32, #tpu.memory_space<hbm>>
    %dma_wait3A_31 = tpu.memref_squeeze %dma_wait3A_30 : memref<1x1728xi32, #tpu.memory_space<hbm>> -> memref<1728xi32, #tpu.memory_space<hbm>>
    tpu.wait_dma2 semaphore(%arg24 : memref<!tpu.dma_semaphore, #tpu.memory_space<semaphore_mem>>) src(%dma_wait3A_31 : memref<1728xi32, #tpu.memory_space<hbm>>) dst(%arg9 : memref<1728xi32, #tpu.memory_space<vmem>>)
    %dma_wait3A_32 = arith.constant 0 : i32
    %dma_wait3A_33 = tpu.memref_slice %arg3[%add3A_15, %dma_wait3A_32] : memref<8192x1728xi32, #tpu.memory_space<hbm>> -> memref<1x1728xi32, #tpu.memory_space<hbm>>
    %dma_wait3A_34 = tpu.memref_squeeze %dma_wait3A_33 : memref<1x1728xi32, #tpu.memory_space<hbm>> -> memref<1728xi32, #tpu.memory_space<hbm>>
    %dma_wait3A_35 = arith.constant 0 : i32
    %dma_wait3A_36 = tpu.memref_slice %arg3[%add3A_15, %dma_wait3A_35] : memref<8192x1728xi32, #tpu.memory_space<hbm>> -> memref<1x1728xi32, #tpu.memory_space<hbm>>
    %dma_wait3A_37 = tpu.memref_squeeze %dma_wait3A_36 : memref<1x1728xi32, #tpu.memory_space<hbm>> -> memref<1728xi32, #tpu.memory_space<hbm>>
    tpu.wait_dma2 semaphore(%arg24 : memref<!tpu.dma_semaphore, #tpu.memory_space<semaphore_mem>>) src(%dma_wait3A_37 : memref<1728xi32, #tpu.memory_space<hbm>>) dst(%arg11 : memref<1728xi32, #tpu.memory_space<vmem>>)
    %dma_start3A_38 = arith.constant 0 : i32
    %dma_start3A_39 = arith.constant 0 : i32
    %dma_start3A_40 = tpu.memref_slice %arg4[%dma_start3A_38, %dma_start3A_39] : memref<2168257x8xf32, #tpu.memory_space<hbm>> -> memref<2168257x8xf32, #tpu.memory_space<hbm>>
    tpu.enqueue_indirect_dma source(%dma_start3A_40 : memref<2168257x8xf32, #tpu.memory_space<hbm>>) target(%arg13 : memref<1728x8xf32, #tpu.memory_space<vmem>>) offsets(%arg9 : memref<1728xi32, #tpu.memory_space<vmem>>) semaphore(%arg23 : memref<!tpu.dma_semaphore, #tpu.memory_space<semaphore_mem>>)
    %dma_start3A_41 = arith.constant 0 : i32
    %dma_start3A_42 = arith.constant 0 : i32
    %dma_start3A_43 = tpu.memref_slice %arg5[%dma_start3A_41, %dma_start3A_42] : memref<2168257x8xf32, #tpu.memory_space<hbm>> -> memref<2168257x8xf32, #tpu.memory_space<hbm>>
    tpu.enqueue_indirect_dma source(%dma_start3A_43 : memref<2168257x8xf32, #tpu.memory_space<hbm>>) target(%arg15 : memref<1728x8xf32, #tpu.memory_space<vmem>>) offsets(%arg9 : memref<1728xi32, #tpu.memory_space<vmem>>) semaphore(%arg23 : memref<!tpu.dma_semaphore, #tpu.memory_space<semaphore_mem>>)
    %add3A_44 = arith.constant 1 : i32
    %add3A_45 = arith.addi %mul3A_4, %add3A_44 : i32
    %add3A_46 = arith.constant 1 : i32
    %add3A_47 = arith.addi %mul3A_4, %add3A_46 : i32
    %dma_start3A_48 = arith.constant 0 : i32
    %dma_start3A_49 = tpu.memref_slice %arg2[%add3A_45, %dma_start3A_48] : memref<8192x1728xi32, #tpu.memory_space<hbm>> -> memref<1x1728xi32, #tpu.memory_space<hbm>>
    %dma_start3A_50 = tpu.memref_squeeze %dma_start3A_49 : memref<1x1728xi32, #tpu.memory_space<hbm>> -> memref<1728xi32, #tpu.memory_space<hbm>>
    %dma_start3A_51 = arith.constant 0 : i32
    %dma_start3A_52 = tpu.memref_slice %arg2[%add3A_45, %dma_start3A_51] : memref<8192x1728xi32, #tpu.memory_space<hbm>> -> memref<1x1728xi32, #tpu.memory_space<hbm>>
    %dma_start3A_53 = tpu.memref_squeeze %dma_start3A_52 : memref<1x1728xi32, #tpu.memory_space<hbm>> -> memref<1728xi32, #tpu.memory_space<hbm>>
    tpu.enqueue_dma source(%dma_start3A_53 : memref<1728xi32, #tpu.memory_space<hbm>>) target(%arg10 : memref<1728xi32, #tpu.memory_space<vmem>>) target_semaphore(%arg24 : memref<!tpu.dma_semaphore, #tpu.memory_space<semaphore_mem>>)
    %dma_start3A_54 = arith.constant 0 : i32
    %dma_start3A_55 = tpu.memref_slice %arg3[%add3A_47, %dma_start3A_54] : memref<8192x1728xi32, #tpu.memory_space<hbm>> -> memref<1x1728xi32, #tpu.memory_space<hbm>>
    %dma_start3A_56 = tpu.memref_squeeze %dma_start3A_55 : memref<1x1728xi32, #tpu.memory_space<hbm>> -> memref<1728xi32, #tpu.memory_space<hbm>>
    %dma_start3A_57 = arith.constant 0 : i32
    %dma_start3A_58 = tpu.memref_slice %arg3[%add3A_47, %dma_start3A_57] : memref<8192x1728xi32, #tpu.memory_space<hbm>> -> memref<1x1728xi32, #tpu.memory_space<hbm>>
    %dma_start3A_59 = tpu.memref_squeeze %dma_start3A_58 : memref<1x1728xi32, #tpu.memory_space<hbm>> -> memref<1728xi32, #tpu.memory_space<hbm>>
    tpu.enqueue_dma source(%dma_start3A_59 : memref<1728xi32, #tpu.memory_space<hbm>>) target(%arg12 : memref<1728xi32, #tpu.memory_space<vmem>>) target_semaphore(%arg24 : memref<!tpu.dma_semaphore, #tpu.memory_space<semaphore_mem>>)
    %scan3A = arith.constant 0 : i32
    %scan3A_60 = arith.constant 0 : i32
    %scan3A_61 = arith.constant 128 : i32
    %scan3A_62 = arith.addi %scan3A_60, %scan3A_61 : i32
    %scan3A_63 = arith.constant 1 : i32
    %scan3A_64 = scf.for %scan3A_564 = %scan3A_60 to %scan3A_62 step %scan3A_63 iter_args(%scan3A_565 = %scan3A) -> (i32)  : i32 {
      %mul3A_566 = arith.constant 2 : i32
      %mul3A_567 = arith.muli %mul3A_566, %scan3A_564 : i32
      %add3A_568 = arith.constant 0 : i32
      %add3A_569 = arith.addi %mul3A_567, %add3A_568 : i32
      %add3A_570 = arith.constant 1 : i32
      %add3A_571 = arith.addi %add3A_569, %add3A_570 : i32
      %lt3A = arith.constant 256 : i32
      %lt3A_572 = arith.cmpi slt, %add3A_571, %lt3A : i32
      %convert_element_type3A = arith.extui %lt3A_572 : i1 to i32
      %cond3A = arith.constant 0 : i32
      %cond3A_573 = arith.cmpi ne, %convert_element_type3A, %cond3A : i32
      scf.if %cond3A_573 {
        %add3A_835 = arith.constant 1 : i32
        %add3A_836 = arith.addi %add3A_569, %add3A_835 : i32
        %add3A_837 = arith.addi %mul3A_4, %add3A_836 : i32
        %add3A_838 = arith.addi %mul3A_4, %add3A_836 : i32
        %dma_wait3A_839 = arith.constant 0 : i32
        %dma_wait3A_840 = tpu.memref_slice %arg2[%add3A_837, %dma_wait3A_839] : memref<8192x1728xi32, #tpu.memory_space<hbm>> -> memref<1x1728xi32, #tpu.memory_space<hbm>>
        %dma_wait3A_841 = tpu.memref_squeeze %dma_wait3A_840 : memref<1x1728xi32, #tpu.memory_space<hbm>> -> memref<1728xi32, #tpu.memory_space<hbm>>
        %dma_wait3A_842 = arith.constant 0 : i32
        %dma_wait3A_843 = tpu.memref_slice %arg2[%add3A_837, %dma_wait3A_842] : memref<8192x1728xi32, #tpu.memory_space<hbm>> -> memref<1x1728xi32, #tpu.memory_space<hbm>>
        %dma_wait3A_844 = tpu.memref_squeeze %dma_wait3A_843 : memref<1x1728xi32, #tpu.memory_space<hbm>> -> memref<1728xi32, #tpu.memory_space<hbm>>
        tpu.wait_dma2 semaphore(%arg24 : memref<!tpu.dma_semaphore, #tpu.memory_space<semaphore_mem>>) src(%dma_wait3A_844 : memref<1728xi32, #tpu.memory_space<hbm>>) dst(%arg10 : memref<1728xi32, #tpu.memory_space<vmem>>)
        %dma_wait3A_845 = arith.constant 0 : i32
        %dma_wait3A_846 = tpu.memref_slice %arg3[%add3A_838, %dma_wait3A_845] : memref<8192x1728xi32, #tpu.memory_space<hbm>> -> memref<1x1728xi32, #tpu.memory_space<hbm>>
        %dma_wait3A_847 = tpu.memref_squeeze %dma_wait3A_846 : memref<1x1728xi32, #tpu.memory_space<hbm>> -> memref<1728xi32, #tpu.memory_space<hbm>>
        %dma_wait3A_848 = arith.constant 0 : i32
        %dma_wait3A_849 = tpu.memref_slice %arg3[%add3A_838, %dma_wait3A_848] : memref<8192x1728xi32, #tpu.memory_space<hbm>> -> memref<1x1728xi32, #tpu.memory_space<hbm>>
        %dma_wait3A_850 = tpu.memref_squeeze %dma_wait3A_849 : memref<1x1728xi32, #tpu.memory_space<hbm>> -> memref<1728xi32, #tpu.memory_space<hbm>>
        tpu.wait_dma2 semaphore(%arg24 : memref<!tpu.dma_semaphore, #tpu.memory_space<semaphore_mem>>) src(%dma_wait3A_850 : memref<1728xi32, #tpu.memory_space<hbm>>) dst(%arg12 : memref<1728xi32, #tpu.memory_space<vmem>>)
        %dma_start3A_851 = arith.constant 0 : i32
        %dma_start3A_852 = arith.constant 0 : i32
        %dma_start3A_853 = tpu.memref_slice %arg4[%dma_start3A_851, %dma_start3A_852] : memref<2168257x8xf32, #tpu.memory_space<hbm>> -> memref<2168257x8xf32, #tpu.memory_space<hbm>>
        tpu.enqueue_indirect_dma source(%dma_start3A_853 : memref<2168257x8xf32, #tpu.memory_space<hbm>>) target(%arg14 : memref<1728x8xf32, #tpu.memory_space<vmem>>) offsets(%arg10 : memref<1728xi32, #tpu.memory_space<vmem>>) semaphore(%arg23 : memref<!tpu.dma_semaphore, #tpu.memory_space<semaphore_mem>>)
        %dma_start3A_854 = arith.constant 0 : i32
        %dma_start3A_855 = arith.constant 0 : i32
        %dma_start3A_856 = tpu.memref_slice %arg5[%dma_start3A_854, %dma_start3A_855] : memref<2168257x8xf32, #tpu.memory_space<hbm>> -> memref<2168257x8xf32, #tpu.memory_space<hbm>>
        tpu.enqueue_indirect_dma source(%dma_start3A_856 : memref<2168257x8xf32, #tpu.memory_space<hbm>>) target(%arg16 : memref<1728x8xf32, #tpu.memory_space<vmem>>) offsets(%arg10 : memref<1728xi32, #tpu.memory_space<vmem>>) semaphore(%arg23 : memref<!tpu.dma_semaphore, #tpu.memory_space<semaphore_mem>>)
      } else {
      }
      %dma_wait3A_574 = arith.constant 0 : i32
      %dma_wait3A_575 = arith.constant 0 : i32
      %dma_wait3A_576 = tpu.memref_slice %arg4[%dma_wait3A_574, %dma_wait3A_575] : memref<2168257x8xf32, #tpu.memory_space<hbm>> -> memref<2168257x8xf32, #tpu.memory_space<hbm>>
      tpu.wait_indirect_dma semaphore(%arg23 : memref<!tpu.dma_semaphore, #tpu.memory_space<semaphore_mem>>) src(%dma_wait3A_576 : memref<2168257x8xf32, #tpu.memory_space<hbm>>) dst(%arg13 : memref<1728x8xf32, #tpu.memory_space<vmem>>)
      %dma_wait3A_577 = arith.constant 0 : i32
      %dma_wait3A_578 = arith.constant 0 : i32
      %dma_wait3A_579 = tpu.memref_slice %arg5[%dma_wait3A_577, %dma_wait3A_578] : memref<2168257x8xf32, #tpu.memory_space<hbm>> -> memref<2168257x8xf32, #tpu.memory_space<hbm>>
      tpu.wait_indirect_dma semaphore(%arg23 : memref<!tpu.dma_semaphore, #tpu.memory_space<semaphore_mem>>) src(%dma_wait3A_579 : memref<2168257x8xf32, #tpu.memory_space<hbm>>) dst(%arg15 : memref<1728x8xf32, #tpu.memory_space<vmem>>)
      %scan3A_580 = arith.constant 0 : i32
      %scan3A_581 = arith.constant 104 : i32
      %scan3A_582 = arith.addi %scan3A_580, %scan3A_581 : i32
      %scan3A_583 = arith.constant 8 : i32
      %scan3A_584:2 = scf.for %scan3A_835 = %scan3A_580 to %scan3A_582 step %scan3A_583 iter_args(%scan3A_836 = %broadcast_in_dim3A_11, %scan3A_837 = %broadcast_in_dim3A_11) -> (vector<16xf32>, vector<16xf32>)  : i32 {
        %mul3A_838 = arith.constant 16 : i32
        %mul3A_839 = arith.muli %scan3A_835, %mul3A_838 : i32
        %get3A_840 = arith.index_cast %mul3A_839 : i32 to index
        %get3A_841 = tpu.vector_load %arg11[%get3A_840] {strides = array<i32>} : memref<1728xi32, #tpu.memory_space<vmem>>, vector<16xi32>,
        %and3A_842 = arith.constant 7 : i32
        %and3A_843 = vector.broadcast %and3A_842 : i32 to vector<16xi32>
        %and3A_844 = arith.andi %get3A_841, %and3A_843 : vector<16xi32>
        %add3A_845 = vector.broadcast %mul3A_839 : i32 to vector<16xi32>
        %add3A_846 = arith.addi %add3A_845, %iota3A : vector<16xi32>
        %gather3A_847 = tpu.vector_load_idx %arg13[%add3A_846, %and3A_844] : memref<1728x8xf32, #tpu.memory_space<vmem>>[vector<16xi32>, vector<16xi32>], vector<16xf32>,
        %gather3A_848 = tpu.vector_load_idx %arg15[%add3A_846, %and3A_844] : memref<1728x8xf32, #tpu.memory_space<vmem>>[vector<16xi32>, vector<16xi32>], vector<16xf32>,
        %add3A_849 = arith.constant 0 : i32
        %add3A_850 = arith.addi %add3A_849, %mul3A_839 : i32
        %get3A_851 = arith.index_cast %add3A_850 : i32 to index
        %get3A_852 = tpu.vector_load %arg17[%get3A_851] {strides = array<i32>} : memref<3456xf32, #tpu.memory_space<vmem>>, vector<16xf32>,
        %add3A_853 = arith.constant 0 : i32
        %add3A_854 = arith.addi %add3A_853, %mul3A_839 : i32
        %get3A_855 = arith.index_cast %add3A_854 : i32 to index
        %get3A_856 = tpu.vector_load %arg18[%get3A_855] {strides = array<i32>} : memref<3456xf32, #tpu.memory_space<vmem>>, vector<16xf32>,
        %mul3A_857 = arith.mulf %gather3A_847, %get3A_852 : vector<16xf32>
        %add3A_858 = arith.addf %scan3A_836, %mul3A_857 : vector<16xf32>
        %mul3A_859 = arith.mulf %gather3A_848, %get3A_856 : vector<16xf32>
        %add3A_860 = arith.addf %scan3A_837, %mul3A_859 : vector<16xf32>
        %scan3A_861 = arith.constant 1 : i32
        %scan3A_862 = arith.addi %scan3A_835, %scan3A_861 : i32
        %mul3A_863 = arith.constant 16 : i32
        %mul3A_864 = arith.muli %scan3A_862, %mul3A_863 : i32
        %get3A_865 = arith.index_cast %mul3A_864 : i32 to index
        %get3A_866 = tpu.vector_load %arg11[%get3A_865] {strides = array<i32>} : memref<1728xi32, #tpu.memory_space<vmem>>, vector<16xi32>,
        %and3A_867 = arith.constant 7 : i32
        %and3A_868 = vector.broadcast %and3A_867 : i32 to vector<16xi32>
        %and3A_869 = arith.andi %get3A_866, %and3A_868 : vector<16xi32>
        %add3A_870 = vector.broadcast %mul3A_864 : i32 to vector<16xi32>
        %add3A_871 = arith.addi %add3A_870, %iota3A : vector<16xi32>
        %gather3A_872 = tpu.vector_load_idx %arg13[%add3A_871, %and3A_869] : memref<1728x8xf32, #tpu.memory_space<vmem>>[vector<16xi32>, vector<16xi32>], vector<16xf32>,
        %gather3A_873 = tpu.vector_load_idx %arg15[%add3A_871, %and3A_869] : memref<1728x8xf32, #tpu.memory_space<vmem>>[vector<16xi32>, vector<16xi32>], vector<16xf32>,
        %add3A_874 = arith.constant 0 : i32
        %add3A_875 = arith.addi %add3A_874, %mul3A_864 : i32
        %get3A_876 = arith.index_cast %add3A_875 : i32 to index
        %get3A_877 = tpu.vector_load %arg17[%get3A_876] {strides = array<i32>} : memref<3456xf32, #tpu.memory_space<vmem>>, vector<16xf32>,
        %add3A_878 = arith.constant 0 : i32
        %add3A_879 = arith.addi %add3A_878, %mul3A_864 : i32
        %get3A_880 = arith.index_cast %add3A_879 : i32 to index
        %get3A_881 = tpu.vector_load %arg18[%get3A_880] {strides = array<i32>} : memref<3456xf32, #tpu.memory_space<vmem>>, vector<16xf32>,
        %mul3A_882 = arith.mulf %gather3A_872, %get3A_877 : vector<16xf32>
        %add3A_883 = arith.addf %add3A_858, %mul3A_882 : vector<16xf32>
        %mul3A_884 = arith.mulf %gather3A_873, %get3A_881 : vector<16xf32>
        %add3A_885 = arith.addf %add3A_860, %mul3A_884 : vector<16xf32>
        %scan3A_886 = arith.constant 2 : i32
        %scan3A_887 = arith.addi %scan3A_835, %scan3A_886 : i32
        %mul3A_888 = arith.constant 16 : i32
        %mul3A_889 = arith.muli %scan3A_887, %mul3A_888 : i32
        %get3A_890 = arith.index_cast %mul3A_889 : i32 to index
        %get3A_891 = tpu.vector_load %arg11[%get3A_890] {strides = array<i32>} : memref<1728xi32, #tpu.memory_space<vmem>>, vector<16xi32>,
        %and3A_892 = arith.constant 7 : i32
        %and3A_893 = vector.broadcast %and3A_892 : i32 to vector<16xi32>
        %and3A_894 = arith.andi %get3A_891, %and3A_893 : vector<16xi32>
        %add3A_895 = vector.broadcast %mul3A_889 : i32 to vector<16xi32>
        %add3A_896 = arith.addi %add3A_895, %iota3A : vector<16xi32>
        %gather3A_897 = tpu.vector_load_idx %arg13[%add3A_896, %and3A_894] : memref<1728x8xf32, #tpu.memory_space<vmem>>[vector<16xi32>, vector<16xi32>], vector<16xf32>,
        %gather3A_898 = tpu.vector_load_idx %arg15[%add3A_896, %and3A_894] : memref<1728x8xf32, #tpu.memory_space<vmem>>[vector<16xi32>, vector<16xi32>], vector<16xf32>,
        %add3A_899 = arith.constant 0 : i32
        %add3A_900 = arith.addi %add3A_899, %mul3A_889 : i32
        %get3A_901 = arith.index_cast %add3A_900 : i32 to index
        %get3A_902 = tpu.vector_load %arg17[%get3A_901] {strides = array<i32>} : memref<3456xf32, #tpu.memory_space<vmem>>, vector<16xf32>,
        %add3A_903 = arith.constant 0 : i32
        %add3A_904 = arith.addi %add3A_903, %mul3A_889 : i32
        %get3A_905 = arith.index_cast %add3A_904 : i32 to index
        %get3A_906 = tpu.vector_load %arg18[%get3A_905] {strides = array<i32>} : memref<3456xf32, #tpu.memory_space<vmem>>, vector<16xf32>,
        %mul3A_907 = arith.mulf %gather3A_897, %get3A_902 : vector<16xf32>
        %add3A_908 = arith.addf %add3A_883, %mul3A_907 : vector<16xf32>
        %mul3A_909 = arith.mulf %gather3A_898, %get3A_906 : vector<16xf32>
        %add3A_910 = arith.addf %add3A_885, %mul3A_909 : vector<16xf32>
        %scan3A_911 = arith.constant 3 : i32
        %scan3A_912 = arith.addi %scan3A_835, %scan3A_911 : i32
        %mul3A_913 = arith.constant 16 : i32
        %mul3A_914 = arith.muli %scan3A_912, %mul3A_913 : i32
        %get3A_915 = arith.index_cast %mul3A_914 : i32 to index
        %get3A_916 = tpu.vector_load %arg11[%get3A_915] {strides = array<i32>} : memref<1728xi32, #tpu.memory_space<vmem>>, vector<16xi32>,
        %and3A_917 = arith.constant 7 : i32
        %and3A_918 = vector.broadcast %and3A_917 : i32 to vector<16xi32>
        %and3A_919 = arith.andi %get3A_916, %and3A_918 : vector<16xi32>
        %add3A_920 = vector.broadcast %mul3A_914 : i32 to vector<16xi32>
        %add3A_921 = arith.addi %add3A_920, %iota3A : vector<16xi32>
        %gather3A_922 = tpu.vector_load_idx %arg13[%add3A_921, %and3A_919] : memref<1728x8xf32, #tpu.memory_space<vmem>>[vector<16xi32>, vector<16xi32>], vector<16xf32>,
        %gather3A_923 = tpu.vector_load_idx %arg15[%add3A_921, %and3A_919] : memref<1728x8xf32, #tpu.memory_space<vmem>>[vector<16xi32>, vector<16xi32>], vector<16xf32>,
        %add3A_924 = arith.constant 0 : i32
        %add3A_925 = arith.addi %add3A_924, %mul3A_914 : i32
        %get3A_926 = arith.index_cast %add3A_925 : i32 to index
        %get3A_927 = tpu.vector_load %arg17[%get3A_926] {strides = array<i32>} : memref<3456xf32, #tpu.memory_space<vmem>>, vector<16xf32>,
        %add3A_928 = arith.constant 0 : i32
        %add3A_929 = arith.addi %add3A_928, %mul3A_914 : i32
        %get3A_930 = arith.index_cast %add3A_929 : i32 to index
        %get3A_931 = tpu.vector_load %arg18[%get3A_930] {strides = array<i32>} : memref<3456xf32, #tpu.memory_space<vmem>>, vector<16xf32>,
        %mul3A_932 = arith.mulf %gather3A_922, %get3A_927 : vector<16xf32>
        %add3A_933 = arith.addf %add3A_908, %mul3A_932 : vector<16xf32>
        %mul3A_934 = arith.mulf %gather3A_923, %get3A_931 : vector<16xf32>
        %add3A_935 = arith.addf %add3A_910, %mul3A_934 : vector<16xf32>
        %scan3A_936 = arith.constant 4 : i32
        %scan3A_937 = arith.addi %scan3A_835, %scan3A_936 : i32
        %mul3A_938 = arith.constant 16 : i32
        %mul3A_939 = arith.muli %scan3A_937, %mul3A_938 : i32
        %get3A_940 = arith.index_cast %mul3A_939 : i32 to index
        %get3A_941 = tpu.vector_load %arg11[%get3A_940] {strides = array<i32>} : memref<1728xi32, #tpu.memory_space<vmem>>, vector<16xi32>,
        %and3A_942 = arith.constant 7 : i32
        %and3A_943 = vector.broadcast %and3A_942 : i32 to vector<16xi32>
        %and3A_944 = arith.andi %get3A_941, %and3A_943 : vector<16xi32>
        %add3A_945 = vector.broadcast %mul3A_939 : i32 to vector<16xi32>
        %add3A_946 = arith.addi %add3A_945, %iota3A : vector<16xi32>
        %gather3A_947 = tpu.vector_load_idx %arg13[%add3A_946, %and3A_944] : memref<1728x8xf32, #tpu.memory_space<vmem>>[vector<16xi32>, vector<16xi32>], vector<16xf32>,
        %gather3A_948 = tpu.vector_load_idx %arg15[%add3A_946, %and3A_944] : memref<1728x8xf32, #tpu.memory_space<vmem>>[vector<16xi32>, vector<16xi32>], vector<16xf32>,
        %add3A_949 = arith.constant 0 : i32
        %add3A_950 = arith.addi %add3A_949, %mul3A_939 : i32
        %get3A_951 = arith.index_cast %add3A_950 : i32 to index
        %get3A_952 = tpu.vector_load %arg17[%get3A_951] {strides = array<i32>} : memref<3456xf32, #tpu.memory_space<vmem>>, vector<16xf32>,
        %add3A_953 = arith.constant 0 : i32
        %add3A_954 = arith.addi %add3A_953, %mul3A_939 : i32
        %get3A_955 = arith.index_cast %add3A_954 : i32 to index
        %get3A_956 = tpu.vector_load %arg18[%get3A_955] {strides = array<i32>} : memref<3456xf32, #tpu.memory_space<vmem>>, vector<16xf32>,
        %mul3A_957 = arith.mulf %gather3A_947, %get3A_952 : vector<16xf32>
        %add3A_958 = arith.addf %add3A_933, %mul3A_957 : vector<16xf32>
        %mul3A_959 = arith.mulf %gather3A_948, %get3A_956 : vector<16xf32>
        %add3A_960 = arith.addf %add3A_935, %mul3A_959 : vector<16xf32>
        %scan3A_961 = arith.constant 5 : i32
        %scan3A_962 = arith.addi %scan3A_835, %scan3A_961 : i32
        %mul3A_963 = arith.constant 16 : i32
        %mul3A_964 = arith.muli %scan3A_962, %mul3A_963 : i32
        %get3A_965 = arith.index_cast %mul3A_964 : i32 to index
        %get3A_966 = tpu.vector_load %arg11[%get3A_965] {strides = array<i32>} : memref<1728xi32, #tpu.memory_space<vmem>>, vector<16xi32>,
        %and3A_967 = arith.constant 7 : i32
        %and3A_968 = vector.broadcast %and3A_967 : i32 to vector<16xi32>
        %and3A_969 = arith.andi %get3A_966, %and3A_968 : vector<16xi32>
        %add3A_970 = vector.broadcast %mul3A_964 : i32 to vector<16xi32>
        %add3A_971 = arith.addi %add3A_970, %iota3A : vector<16xi32>
        %gather3A_972 = tpu.vector_load_idx %arg13[%add3A_971, %and3A_969] : memref<1728x8xf32, #tpu.memory_space<vmem>>[vector<16xi32>, vector<16xi32>], vector<16xf32>,
        %gather3A_973 = tpu.vector_load_idx %arg15[%add3A_971, %and3A_969] : memref<1728x8xf32, #tpu.memory_space<vmem>>[vector<16xi32>, vector<16xi32>], vector<16xf32>,
        %add3A_974 = arith.constant 0 : i32
        %add3A_975 = arith.addi %add3A_974, %mul3A_964 : i32
        %get3A_976 = arith.index_cast %add3A_975 : i32 to index
        %get3A_977 = tpu.vector_load %arg17[%get3A_976] {strides = array<i32>} : memref<3456xf32, #tpu.memory_space<vmem>>, vector<16xf32>,
        %add3A_978 = arith.constant 0 : i32
        %add3A_979 = arith.addi %add3A_978, %mul3A_964 : i32
        %get3A_980 = arith.index_cast %add3A_979 : i32 to index
        %get3A_981 = tpu.vector_load %arg18[%get3A_980] {strides = array<i32>} : memref<3456xf32, #tpu.memory_space<vmem>>, vector<16xf32>,
        %mul3A_982 = arith.mulf %gather3A_972, %get3A_977 : vector<16xf32>
        %add3A_983 = arith.addf %add3A_958, %mul3A_982 : vector<16xf32>
        %mul3A_984 = arith.mulf %gather3A_973, %get3A_981 : vector<16xf32>
        %add3A_985 = arith.addf %add3A_960, %mul3A_984 : vector<16xf32>
        %scan3A_986 = arith.constant 6 : i32
        %scan3A_987 = arith.addi %scan3A_835, %scan3A_986 : i32
        %mul3A_988 = arith.constant 16 : i32
        %mul3A_989 = arith.muli %scan3A_987, %mul3A_988 : i32
        %get3A_990 = arith.index_cast %mul3A_989 : i32 to index
        %get3A_991 = tpu.vector_load %arg11[%get3A_990] {strides = array<i32>} : memref<1728xi32, #tpu.memory_space<vmem>>, vector<16xi32>,
        %and3A_992 = arith.constant 7 : i32
        %and3A_993 = vector.broadcast %and3A_992 : i32 to vector<16xi32>
        %and3A_994 = arith.andi %get3A_991, %and3A_993 : vector<16xi32>
        %add3A_995 = vector.broadcast %mul3A_989 : i32 to vector<16xi32>
        %add3A_996 = arith.addi %add3A_995, %iota3A : vector<16xi32>
        %gather3A_997 = tpu.vector_load_idx %arg13[%add3A_996, %and3A_994] : memref<1728x8xf32, #tpu.memory_space<vmem>>[vector<16xi32>, vector<16xi32>], vector<16xf32>,
        %gather3A_998 = tpu.vector_load_idx %arg15[%add3A_996, %and3A_994] : memref<1728x8xf32, #tpu.memory_space<vmem>>[vector<16xi32>, vector<16xi32>], vector<16xf32>,
        %add3A_999 = arith.constant 0 : i32
        %add3A_1000 = arith.addi %add3A_999, %mul3A_989 : i32
        %get3A_1001 = arith.index_cast %add3A_1000 : i32 to index
        %get3A_1002 = tpu.vector_load %arg17[%get3A_1001] {strides = array<i32>} : memref<3456xf32, #tpu.memory_space<vmem>>, vector<16xf32>,
        %add3A_1003 = arith.constant 0 : i32
        %add3A_1004 = arith.addi %add3A_1003, %mul3A_989 : i32
        %get3A_1005 = arith.index_cast %add3A_1004 : i32 to index
        %get3A_1006 = tpu.vector_load %arg18[%get3A_1005] {strides = array<i32>} : memref<3456xf32, #tpu.memory_space<vmem>>, vector<16xf32>,
        %mul3A_1007 = arith.mulf %gather3A_997, %get3A_1002 : vector<16xf32>
        %add3A_1008 = arith.addf %add3A_983, %mul3A_1007 : vector<16xf32>
        %mul3A_1009 = arith.mulf %gather3A_998, %get3A_1006 : vector<16xf32>
        %add3A_1010 = arith.addf %add3A_985, %mul3A_1009 : vector<16xf32>
        %scan3A_1011 = arith.constant 7 : i32
        %scan3A_1012 = arith.addi %scan3A_835, %scan3A_1011 : i32
        %mul3A_1013 = arith.constant 16 : i32
        %mul3A_1014 = arith.muli %scan3A_1012, %mul3A_1013 : i32
        %get3A_1015 = arith.index_cast %mul3A_1014 : i32 to index
        %get3A_1016 = tpu.vector_load %arg11[%get3A_1015] {strides = array<i32>} : memref<1728xi32, #tpu.memory_space<vmem>>, vector<16xi32>,
        %and3A_1017 = arith.constant 7 : i32
        %and3A_1018 = vector.broadcast %and3A_1017 : i32 to vector<16xi32>
        %and3A_1019 = arith.andi %get3A_1016, %and3A_1018 : vector<16xi32>
        %add3A_1020 = vector.broadcast %mul3A_1014 : i32 to vector<16xi32>
        %add3A_1021 = arith.addi %add3A_1020, %iota3A : vector<16xi32>
        %gather3A_1022 = tpu.vector_load_idx %arg13[%add3A_1021, %and3A_1019] : memref<1728x8xf32, #tpu.memory_space<vmem>>[vector<16xi32>, vector<16xi32>], vector<16xf32>,
        %gather3A_1023 = tpu.vector_load_idx %arg15[%add3A_1021, %and3A_1019] : memref<1728x8xf32, #tpu.memory_space<vmem>>[vector<16xi32>, vector<16xi32>], vector<16xf32>,
        %add3A_1024 = arith.constant 0 : i32
        %add3A_1025 = arith.addi %add3A_1024, %mul3A_1014 : i32
        %get3A_1026 = arith.index_cast %add3A_1025 : i32 to index
        %get3A_1027 = tpu.vector_load %arg17[%get3A_1026] {strides = array<i32>} : memref<3456xf32, #tpu.memory_space<vmem>>, vector<16xf32>,
        %add3A_1028 = arith.constant 0 : i32
        %add3A_1029 = arith.addi %add3A_1028, %mul3A_1014 : i32
        %get3A_1030 = arith.index_cast %add3A_1029 : i32 to index
        %get3A_1031 = tpu.vector_load %arg18[%get3A_1030] {strides = array<i32>} : memref<3456xf32, #tpu.memory_space<vmem>>, vector<16xf32>,
        %mul3A_1032 = arith.mulf %gather3A_1022, %get3A_1027 : vector<16xf32>
        %add3A_1033 = arith.addf %add3A_1008, %mul3A_1032 : vector<16xf32>
        %mul3A_1034 = arith.mulf %gather3A_1023, %get3A_1031 : vector<16xf32>
        %add3A_1035 = arith.addf %add3A_1010, %mul3A_1034 : vector<16xf32>
        scf.yield %add3A_1033, %add3A_1035 : vector<16xf32>, vector<16xf32>
      }
      %scan3A_585 = arith.constant 104 : i32
      %scan3A_586 = arith.addi %scan3A_580, %scan3A_585 : i32
      %mul3A_587 = arith.constant 16 : i32
      %mul3A_588 = arith.muli %scan3A_586, %mul3A_587 : i32
      %get3A_589 = arith.index_cast %mul3A_588 : i32 to index
      %get3A_590 = tpu.vector_load %arg11[%get3A_589] {strides = array<i32>} : memref<1728xi32, #tpu.memory_space<vmem>>, vector<16xi32>,
      %and3A = arith.constant 7 : i32
      %and3A_591 = vector.broadcast %and3A : i32 to vector<16xi32>
      %and3A_592 = arith.andi %get3A_590, %and3A_591 : vector<16xi32>
      %add3A_593 = vector.broadcast %mul3A_588 : i32 to vector<16xi32>
      %add3A_594 = arith.addi %add3A_593, %iota3A : vector<16xi32>
      %gather3A = tpu.vector_load_idx %arg13[%add3A_594, %and3A_592] : memref<1728x8xf32, #tpu.memory_space<vmem>>[vector<16xi32>, vector<16xi32>], vector<16xf32>,
      %gather3A_595 = tpu.vector_load_idx %arg15[%add3A_594, %and3A_592] : memref<1728x8xf32, #tpu.memory_space<vmem>>[vector<16xi32>, vector<16xi32>], vector<16xf32>,
      %add3A_596 = arith.constant 0 : i32
      %add3A_597 = arith.addi %add3A_596, %mul3A_588 : i32
      %get3A_598 = arith.index_cast %add3A_597 : i32 to index
      %get3A_599 = tpu.vector_load %arg17[%get3A_598] {strides = array<i32>} : memref<3456xf32, #tpu.memory_space<vmem>>, vector<16xf32>,
      %add3A_600 = arith.constant 0 : i32
      %add3A_601 = arith.addi %add3A_600, %mul3A_588 : i32
      %get3A_602 = arith.index_cast %add3A_601 : i32 to index
      %get3A_603 = tpu.vector_load %arg18[%get3A_602] {strides = array<i32>} : memref<3456xf32, #tpu.memory_space<vmem>>, vector<16xf32>,
      %mul3A_604 = arith.mulf %gather3A, %get3A_599 : vector<16xf32>
      %add3A_605 = arith.addf %scan3A_584#0, %mul3A_604 : vector<16xf32>
      %mul3A_606 = arith.mulf %gather3A_595, %get3A_603 : vector<16xf32>
      %add3A_607 = arith.addf %scan3A_584#1, %mul3A_606 : vector<16xf32>
      %scan3A_608 = arith.constant 105 : i32
      %scan3A_609 = arith.addi %scan3A_580, %scan3A_608 : i32
      %mul3A_610 = arith.constant 16 : i32
      %mul3A_611 = arith.muli %scan3A_609, %mul3A_610 : i32
      %get3A_612 = arith.index_cast %mul3A_611 : i32 to index
      %get3A_613 = tpu.vector_load %arg11[%get3A_612] {strides = array<i32>} : memref<1728xi32, #tpu.memory_space<vmem>>, vector<16xi32>,
      %and3A_614 = arith.constant 7 : i32
      %and3A_615 = vector.broadcast %and3A_614 : i32 to vector<16xi32>
      %and3A_616 = arith.andi %get3A_613, %and3A_615 : vector<16xi32>
      %add3A_617 = vector.broadcast %mul3A_611 : i32 to vector<16xi32>
      %add3A_618 = arith.addi %add3A_617, %iota3A : vector<16xi32>
      %gather3A_619 = tpu.vector_load_idx %arg13[%add3A_618, %and3A_616] : memref<1728x8xf32, #tpu.memory_space<vmem>>[vector<16xi32>, vector<16xi32>], vector<16xf32>,
      %gather3A_620 = tpu.vector_load_idx %arg15[%add3A_618, %and3A_616] : memref<1728x8xf32, #tpu.memory_space<vmem>>[vector<16xi32>, vector<16xi32>], vector<16xf32>,
      %add3A_621 = arith.constant 0 : i32
      %add3A_622 = arith.addi %add3A_621, %mul3A_611 : i32
      %get3A_623 = arith.index_cast %add3A_622 : i32 to index
      %get3A_624 = tpu.vector_load %arg17[%get3A_623] {strides = array<i32>} : memref<3456xf32, #tpu.memory_space<vmem>>, vector<16xf32>,
      %add3A_625 = arith.constant 0 : i32
      %add3A_626 = arith.addi %add3A_625, %mul3A_611 : i32
      %get3A_627 = arith.index_cast %add3A_626 : i32 to index
      %get3A_628 = tpu.vector_load %arg18[%get3A_627] {strides = array<i32>} : memref<3456xf32, #tpu.memory_space<vmem>>, vector<16xf32>,
      %mul3A_629 = arith.mulf %gather3A_619, %get3A_624 : vector<16xf32>
      %add3A_630 = arith.addf %add3A_605, %mul3A_629 : vector<16xf32>
      %mul3A_631 = arith.mulf %gather3A_620, %get3A_628 : vector<16xf32>
      %add3A_632 = arith.addf %add3A_607, %mul3A_631 : vector<16xf32>
      %scan3A_633 = arith.constant 106 : i32
      %scan3A_634 = arith.addi %scan3A_580, %scan3A_633 : i32
      %mul3A_635 = arith.constant 16 : i32
      %mul3A_636 = arith.muli %scan3A_634, %mul3A_635 : i32
      %get3A_637 = arith.index_cast %mul3A_636 : i32 to index
      %get3A_638 = tpu.vector_load %arg11[%get3A_637] {strides = array<i32>} : memref<1728xi32, #tpu.memory_space<vmem>>, vector<16xi32>,
      %and3A_639 = arith.constant 7 : i32
      %and3A_640 = vector.broadcast %and3A_639 : i32 to vector<16xi32>
      %and3A_641 = arith.andi %get3A_638, %and3A_640 : vector<16xi32>
      %add3A_642 = vector.broadcast %mul3A_636 : i32 to vector<16xi32>
      %add3A_643 = arith.addi %add3A_642, %iota3A : vector<16xi32>
      %gather3A_644 = tpu.vector_load_idx %arg13[%add3A_643, %and3A_641] : memref<1728x8xf32, #tpu.memory_space<vmem>>[vector<16xi32>, vector<16xi32>], vector<16xf32>,
      %gather3A_645 = tpu.vector_load_idx %arg15[%add3A_643, %and3A_641] : memref<1728x8xf32, #tpu.memory_space<vmem>>[vector<16xi32>, vector<16xi32>], vector<16xf32>,
      %add3A_646 = arith.constant 0 : i32
      %add3A_647 = arith.addi %add3A_646, %mul3A_636 : i32
      %get3A_648 = arith.index_cast %add3A_647 : i32 to index
      %get3A_649 = tpu.vector_load %arg17[%get3A_648] {strides = array<i32>} : memref<3456xf32, #tpu.memory_space<vmem>>, vector<16xf32>,
      %add3A_650 = arith.constant 0 : i32
      %add3A_651 = arith.addi %add3A_650, %mul3A_636 : i32
      %get3A_652 = arith.index_cast %add3A_651 : i32 to index
      %get3A_653 = tpu.vector_load %arg18[%get3A_652] {strides = array<i32>} : memref<3456xf32, #tpu.memory_space<vmem>>, vector<16xf32>,
      %mul3A_654 = arith.mulf %gather3A_644, %get3A_649 : vector<16xf32>
      %add3A_655 = arith.addf %add3A_630, %mul3A_654 : vector<16xf32>
      %mul3A_656 = arith.mulf %gather3A_645, %get3A_653 : vector<16xf32>
      %add3A_657 = arith.addf %add3A_632, %mul3A_656 : vector<16xf32>
      %scan3A_658 = arith.constant 107 : i32
      %scan3A_659 = arith.addi %scan3A_580, %scan3A_658 : i32
      %mul3A_660 = arith.constant 16 : i32
      %mul3A_661 = arith.muli %scan3A_659, %mul3A_660 : i32
      %get3A_662 = arith.index_cast %mul3A_661 : i32 to index
      %get3A_663 = tpu.vector_load %arg11[%get3A_662] {strides = array<i32>} : memref<1728xi32, #tpu.memory_space<vmem>>, vector<16xi32>,
      %and3A_664 = arith.constant 7 : i32
      %and3A_665 = vector.broadcast %and3A_664 : i32 to vector<16xi32>
      %and3A_666 = arith.andi %get3A_663, %and3A_665 : vector<16xi32>
      %add3A_667 = vector.broadcast %mul3A_661 : i32 to vector<16xi32>
      %add3A_668 = arith.addi %add3A_667, %iota3A : vector<16xi32>
      %gather3A_669 = tpu.vector_load_idx %arg13[%add3A_668, %and3A_666] : memref<1728x8xf32, #tpu.memory_space<vmem>>[vector<16xi32>, vector<16xi32>], vector<16xf32>,
      %gather3A_670 = tpu.vector_load_idx %arg15[%add3A_668, %and3A_666] : memref<1728x8xf32, #tpu.memory_space<vmem>>[vector<16xi32>, vector<16xi32>], vector<16xf32>,
      %add3A_671 = arith.constant 0 : i32
      %add3A_672 = arith.addi %add3A_671, %mul3A_661 : i32
      %get3A_673 = arith.index_cast %add3A_672 : i32 to index
      %get3A_674 = tpu.vector_load %arg17[%get3A_673] {strides = array<i32>} : memref<3456xf32, #tpu.memory_space<vmem>>, vector<16xf32>,
      %add3A_675 = arith.constant 0 : i32
      %add3A_676 = arith.addi %add3A_675, %mul3A_661 : i32
      %get3A_677 = arith.index_cast %add3A_676 : i32 to index
      %get3A_678 = tpu.vector_load %arg18[%get3A_677] {strides = array<i32>} : memref<3456xf32, #tpu.memory_space<vmem>>, vector<16xf32>,
      %mul3A_679 = arith.mulf %gather3A_669, %get3A_674 : vector<16xf32>
      %add3A_680 = arith.addf %add3A_655, %mul3A_679 : vector<16xf32>
      %mul3A_681 = arith.mulf %gather3A_670, %get3A_678 : vector<16xf32>
      %add3A_682 = arith.addf %add3A_657, %mul3A_681 : vector<16xf32>
      %scan3A_683 = arith.constant 108 : i32
      %add3A_684 = arith.constant 2 : i32
      %add3A_685 = arith.addi %add3A_569, %add3A_684 : i32
      %lt3A_686 = arith.constant 256 : i32
      %lt3A_687 = arith.cmpi slt, %add3A_685, %lt3A_686 : i32
      %convert_element_type3A_688 = arith.extui %lt3A_687 : i1 to i32
      %cond3A_689 = arith.constant 0 : i32
      %cond3A_690 = arith.cmpi ne, %convert_element_type3A_688, %cond3A_689 : i32
      scf.if %cond3A_690 {
        %add3A_835 = arith.constant 2 : i32
        %add3A_836 = arith.addi %add3A_569, %add3A_835 : i32
        %add3A_837 = arith.addi %mul3A_4, %add3A_836 : i32
        %add3A_838 = arith.addi %mul3A_4, %add3A_836 : i32
        %dma_start3A_839 = arith.constant 0 : i32
        %dma_start3A_840 = tpu.memref_slice %arg2[%add3A_837, %dma_start3A_839] : memref<8192x1728xi32, #tpu.memory_space<hbm>> -> memref<1x1728xi32, #tpu.memory_space<hbm>>
        %dma_start3A_841 = tpu.memref_squeeze %dma_start3A_840 : memref<1x1728xi32, #tpu.memory_space<hbm>> -> memref<1728xi32, #tpu.memory_space<hbm>>
        %dma_start3A_842 = arith.constant 0 : i32
        %dma_start3A_843 = tpu.memref_slice %arg2[%add3A_837, %dma_start3A_842] : memref<8192x1728xi32, #tpu.memory_space<hbm>> -> memref<1x1728xi32, #tpu.memory_space<hbm>>
        %dma_start3A_844 = tpu.memref_squeeze %dma_start3A_843 : memref<1x1728xi32, #tpu.memory_space<hbm>> -> memref<1728xi32, #tpu.memory_space<hbm>>
        tpu.enqueue_dma source(%dma_start3A_844 : memref<1728xi32, #tpu.memory_space<hbm>>) target(%arg9 : memref<1728xi32, #tpu.memory_space<vmem>>) target_semaphore(%arg24 : memref<!tpu.dma_semaphore, #tpu.memory_space<semaphore_mem>>)
        %dma_start3A_845 = arith.constant 0 : i32
        %dma_start3A_846 = tpu.memref_slice %arg3[%add3A_838, %dma_start3A_845] : memref<8192x1728xi32, #tpu.memory_space<hbm>> -> memref<1x1728xi32, #tpu.memory_space<hbm>>
        %dma_start3A_847 = tpu.memref_squeeze %dma_start3A_846 : memref<1x1728xi32, #tpu.memory_space<hbm>> -> memref<1728xi32, #tpu.memory_space<hbm>>
        %dma_start3A_848 = arith.constant 0 : i32
        %dma_start3A_849 = tpu.memref_slice %arg3[%add3A_838, %dma_start3A_848] : memref<8192x1728xi32, #tpu.memory_space<hbm>> -> memref<1x1728xi32, #tpu.memory_space<hbm>>
        %dma_start3A_850 = tpu.memref_squeeze %dma_start3A_849 : memref<1x1728xi32, #tpu.memory_space<hbm>> -> memref<1728xi32, #tpu.memory_space<hbm>>
        tpu.enqueue_dma source(%dma_start3A_850 : memref<1728xi32, #tpu.memory_space<hbm>>) target(%arg11 : memref<1728xi32, #tpu.memory_space<vmem>>) target_semaphore(%arg24 : memref<!tpu.dma_semaphore, #tpu.memory_space<semaphore_mem>>)
      } else {
      }
      %mul3A_691 = arith.constant 2 : i32
      %mul3A_692 = arith.muli %mul3A_691, %scan3A_564 : i32
      %add3A_693 = arith.constant 1 : i32
      %add3A_694 = arith.addi %mul3A_692, %add3A_693 : i32
      %add3A_695 = arith.constant 1 : i32
      %add3A_696 = arith.addi %add3A_694, %add3A_695 : i32
      %lt3A_697 = arith.constant 256 : i32
      %lt3A_698 = arith.cmpi slt, %add3A_696, %lt3A_697 : i32
      %convert_element_type3A_699 = arith.extui %lt3A_698 : i1 to i32
      %cond3A_700 = arith.constant 0 : i32
      %cond3A_701 = arith.cmpi ne, %convert_element_type3A_699, %cond3A_700 : i32
      scf.if %cond3A_701 {
        %add3A_835 = arith.constant 1 : i32
        %add3A_836 = arith.addi %add3A_694, %add3A_835 : i32
        %add3A_837 = arith.addi %mul3A_4, %add3A_836 : i32
        %add3A_838 = arith.addi %mul3A_4, %add3A_836 : i32
        %dma_wait3A_839 = arith.constant 0 : i32
        %dma_wait3A_840 = tpu.memref_slice %arg2[%add3A_837, %dma_wait3A_839] : memref<8192x1728xi32, #tpu.memory_space<hbm>> -> memref<1x1728xi32, #tpu.memory_space<hbm>>
        %dma_wait3A_841 = tpu.memref_squeeze %dma_wait3A_840 : memref<1x1728xi32, #tpu.memory_space<hbm>> -> memref<1728xi32, #tpu.memory_space<hbm>>
        %dma_wait3A_842 = arith.constant 0 : i32
        %dma_wait3A_843 = tpu.memref_slice %arg2[%add3A_837, %dma_wait3A_842] : memref<8192x1728xi32, #tpu.memory_space<hbm>> -> memref<1x1728xi32, #tpu.memory_space<hbm>>
        %dma_wait3A_844 = tpu.memref_squeeze %dma_wait3A_843 : memref<1x1728xi32, #tpu.memory_space<hbm>> -> memref<1728xi32, #tpu.memory_space<hbm>>
        tpu.wait_dma2 semaphore(%arg24 : memref<!tpu.dma_semaphore, #tpu.memory_space<semaphore_mem>>) src(%dma_wait3A_844 : memref<1728xi32, #tpu.memory_space<hbm>>) dst(%arg9 : memref<1728xi32, #tpu.memory_space<vmem>>)
        %dma_wait3A_845 = arith.constant 0 : i32
        %dma_wait3A_846 = tpu.memref_slice %arg3[%add3A_838, %dma_wait3A_845] : memref<8192x1728xi32, #tpu.memory_space<hbm>> -> memref<1x1728xi32, #tpu.memory_space<hbm>>
        %dma_wait3A_847 = tpu.memref_squeeze %dma_wait3A_846 : memref<1x1728xi32, #tpu.memory_space<hbm>> -> memref<1728xi32, #tpu.memory_space<hbm>>
        %dma_wait3A_848 = arith.constant 0 : i32
        %dma_wait3A_849 = tpu.memref_slice %arg3[%add3A_838, %dma_wait3A_848] : memref<8192x1728xi32, #tpu.memory_space<hbm>> -> memref<1x1728xi32, #tpu.memory_space<hbm>>
        %dma_wait3A_850 = tpu.memref_squeeze %dma_wait3A_849 : memref<1x1728xi32, #tpu.memory_space<hbm>> -> memref<1728xi32, #tpu.memory_space<hbm>>
        tpu.wait_dma2 semaphore(%arg24 : memref<!tpu.dma_semaphore, #tpu.memory_space<semaphore_mem>>) src(%dma_wait3A_850 : memref<1728xi32, #tpu.memory_space<hbm>>) dst(%arg11 : memref<1728xi32, #tpu.memory_space<vmem>>)
        %dma_start3A_851 = arith.constant 0 : i32
        %dma_start3A_852 = arith.constant 0 : i32
        %dma_start3A_853 = tpu.memref_slice %arg4[%dma_start3A_851, %dma_start3A_852] : memref<2168257x8xf32, #tpu.memory_space<hbm>> -> memref<2168257x8xf32, #tpu.memory_space<hbm>>
        tpu.enqueue_indirect_dma source(%dma_start3A_853 : memref<2168257x8xf32, #tpu.memory_space<hbm>>) target(%arg13 : memref<1728x8xf32, #tpu.memory_space<vmem>>) offsets(%arg9 : memref<1728xi32, #tpu.memory_space<vmem>>) semaphore(%arg23 : memref<!tpu.dma_semaphore, #tpu.memory_space<semaphore_mem>>)
        %dma_start3A_854 = arith.constant 0 : i32
        %dma_start3A_855 = arith.constant 0 : i32
        %dma_start3A_856 = tpu.memref_slice %arg5[%dma_start3A_854, %dma_start3A_855] : memref<2168257x8xf32, #tpu.memory_space<hbm>> -> memref<2168257x8xf32, #tpu.memory_space<hbm>>
        tpu.enqueue_indirect_dma source(%dma_start3A_856 : memref<2168257x8xf32, #tpu.memory_space<hbm>>) target(%arg15 : memref<1728x8xf32, #tpu.memory_space<vmem>>) offsets(%arg9 : memref<1728xi32, #tpu.memory_space<vmem>>) semaphore(%arg23 : memref<!tpu.dma_semaphore, #tpu.memory_space<semaphore_mem>>)
      } else {
      }
      %dma_wait3A_702 = arith.constant 0 : i32
      %dma_wait3A_703 = arith.constant 0 : i32
      %dma_wait3A_704 = tpu.memref_slice %arg4[%dma_wait3A_702, %dma_wait3A_703] : memref<2168257x8xf32, #tpu.memory_space<hbm>> -> memref<2168257x8xf32, #tpu.memory_space<hbm>>
      tpu.wait_indirect_dma semaphore(%arg23 : memref<!tpu.dma_semaphore, #tpu.memory_space<semaphore_mem>>) src(%dma_wait3A_704 : memref<2168257x8xf32, #tpu.memory_space<hbm>>) dst(%arg14 : memref<1728x8xf32, #tpu.memory_space<vmem>>)
      %dma_wait3A_705 = arith.constant 0 : i32
      %dma_wait3A_706 = arith.constant 0 : i32
      %dma_wait3A_707 = tpu.memref_slice %arg5[%dma_wait3A_705, %dma_wait3A_706] : memref<2168257x8xf32, #tpu.memory_space<hbm>> -> memref<2168257x8xf32, #tpu.memory_space<hbm>>
      tpu.wait_indirect_dma semaphore(%arg23 : memref<!tpu.dma_semaphore, #tpu.memory_space<semaphore_mem>>) src(%dma_wait3A_707 : memref<2168257x8xf32, #tpu.memory_space<hbm>>) dst(%arg16 : memref<1728x8xf32, #tpu.memory_space<vmem>>)
      %scan3A_708 = arith.constant 0 : i32
      %scan3A_709 = arith.constant 104 : i32
      %scan3A_710 = arith.addi %scan3A_708, %scan3A_709 : i32
      %scan3A_711 = arith.constant 8 : i32
      %scan3A_712:2 = scf.for %scan3A_835 = %scan3A_708 to %scan3A_710 step %scan3A_711 iter_args(%scan3A_836 = %add3A_680, %scan3A_837 = %add3A_682) -> (vector<16xf32>, vector<16xf32>)  : i32 {
        %mul3A_838 = arith.constant 16 : i32
        %mul3A_839 = arith.muli %scan3A_835, %mul3A_838 : i32
        %get3A_840 = arith.index_cast %mul3A_839 : i32 to index
        %get3A_841 = tpu.vector_load %arg12[%get3A_840] {strides = array<i32>} : memref<1728xi32, #tpu.memory_space<vmem>>, vector<16xi32>,
        %and3A_842 = arith.constant 7 : i32
        %and3A_843 = vector.broadcast %and3A_842 : i32 to vector<16xi32>
        %and3A_844 = arith.andi %get3A_841, %and3A_843 : vector<16xi32>
        %add3A_845 = vector.broadcast %mul3A_839 : i32 to vector<16xi32>
        %add3A_846 = arith.addi %add3A_845, %iota3A : vector<16xi32>
        %gather3A_847 = tpu.vector_load_idx %arg14[%add3A_846, %and3A_844] : memref<1728x8xf32, #tpu.memory_space<vmem>>[vector<16xi32>, vector<16xi32>], vector<16xf32>,
        %gather3A_848 = tpu.vector_load_idx %arg16[%add3A_846, %and3A_844] : memref<1728x8xf32, #tpu.memory_space<vmem>>[vector<16xi32>, vector<16xi32>], vector<16xf32>,
        %add3A_849 = arith.constant 1728 : i32
        %add3A_850 = arith.addi %add3A_849, %mul3A_839 : i32
        %get3A_851 = arith.index_cast %add3A_850 : i32 to index
        %get3A_852 = tpu.vector_load %arg17[%get3A_851] {strides = array<i32>} : memref<3456xf32, #tpu.memory_space<vmem>>, vector<16xf32>,
        %add3A_853 = arith.constant 1728 : i32
        %add3A_854 = arith.addi %add3A_853, %mul3A_839 : i32
        %get3A_855 = arith.index_cast %add3A_854 : i32 to index
        %get3A_856 = tpu.vector_load %arg18[%get3A_855] {strides = array<i32>} : memref<3456xf32, #tpu.memory_space<vmem>>, vector<16xf32>,
        %mul3A_857 = arith.mulf %gather3A_847, %get3A_852 : vector<16xf32>
        %add3A_858 = arith.addf %scan3A_836, %mul3A_857 : vector<16xf32>
        %mul3A_859 = arith.mulf %gather3A_848, %get3A_856 : vector<16xf32>
        %add3A_860 = arith.addf %scan3A_837, %mul3A_859 : vector<16xf32>
        %scan3A_861 = arith.constant 1 : i32
        %scan3A_862 = arith.addi %scan3A_835, %scan3A_861 : i32
        %mul3A_863 = arith.constant 16 : i32
        %mul3A_864 = arith.muli %scan3A_862, %mul3A_863 : i32
        %get3A_865 = arith.index_cast %mul3A_864 : i32 to index
        %get3A_866 = tpu.vector_load %arg12[%get3A_865] {strides = array<i32>} : memref<1728xi32, #tpu.memory_space<vmem>>, vector<16xi32>,
        %and3A_867 = arith.constant 7 : i32
        %and3A_868 = vector.broadcast %and3A_867 : i32 to vector<16xi32>
        %and3A_869 = arith.andi %get3A_866, %and3A_868 : vector<16xi32>
        %add3A_870 = vector.broadcast %mul3A_864 : i32 to vector<16xi32>
        %add3A_871 = arith.addi %add3A_870, %iota3A : vector<16xi32>
        %gather3A_872 = tpu.vector_load_idx %arg14[%add3A_871, %and3A_869] : memref<1728x8xf32, #tpu.memory_space<vmem>>[vector<16xi32>, vector<16xi32>], vector<16xf32>,
        %gather3A_873 = tpu.vector_load_idx %arg16[%add3A_871, %and3A_869] : memref<1728x8xf32, #tpu.memory_space<vmem>>[vector<16xi32>, vector<16xi32>], vector<16xf32>,
        %add3A_874 = arith.constant 1728 : i32
        %add3A_875 = arith.addi %add3A_874, %mul3A_864 : i32
        %get3A_876 = arith.index_cast %add3A_875 : i32 to index
        %get3A_877 = tpu.vector_load %arg17[%get3A_876] {strides = array<i32>} : memref<3456xf32, #tpu.memory_space<vmem>>, vector<16xf32>,
        %add3A_878 = arith.constant 1728 : i32
        %add3A_879 = arith.addi %add3A_878, %mul3A_864 : i32
        %get3A_880 = arith.index_cast %add3A_879 : i32 to index
        %get3A_881 = tpu.vector_load %arg18[%get3A_880] {strides = array<i32>} : memref<3456xf32, #tpu.memory_space<vmem>>, vector<16xf32>,
        %mul3A_882 = arith.mulf %gather3A_872, %get3A_877 : vector<16xf32>
        %add3A_883 = arith.addf %add3A_858, %mul3A_882 : vector<16xf32>
        %mul3A_884 = arith.mulf %gather3A_873, %get3A_881 : vector<16xf32>
        %add3A_885 = arith.addf %add3A_860, %mul3A_884 : vector<16xf32>
        %scan3A_886 = arith.constant 2 : i32
        %scan3A_887 = arith.addi %scan3A_835, %scan3A_886 : i32
        %mul3A_888 = arith.constant 16 : i32
        %mul3A_889 = arith.muli %scan3A_887, %mul3A_888 : i32
        %get3A_890 = arith.index_cast %mul3A_889 : i32 to index
        %get3A_891 = tpu.vector_load %arg12[%get3A_890] {strides = array<i32>} : memref<1728xi32, #tpu.memory_space<vmem>>, vector<16xi32>,
        %and3A_892 = arith.constant 7 : i32
        %and3A_893 = vector.broadcast %and3A_892 : i32 to vector<16xi32>
        %and3A_894 = arith.andi %get3A_891, %and3A_893 : vector<16xi32>
        %add3A_895 = vector.broadcast %mul3A_889 : i32 to vector<16xi32>
        %add3A_896 = arith.addi %add3A_895, %iota3A : vector<16xi32>
        %gather3A_897 = tpu.vector_load_idx %arg14[%add3A_896, %and3A_894] : memref<1728x8xf32, #tpu.memory_space<vmem>>[vector<16xi32>, vector<16xi32>], vector<16xf32>,
        %gather3A_898 = tpu.vector_load_idx %arg16[%add3A_896, %and3A_894] : memref<1728x8xf32, #tpu.memory_space<vmem>>[vector<16xi32>, vector<16xi32>], vector<16xf32>,
        %add3A_899 = arith.constant 1728 : i32
        %add3A_900 = arith.addi %add3A_899, %mul3A_889 : i32
        %get3A_901 = arith.index_cast %add3A_900 : i32 to index
        %get3A_902 = tpu.vector_load %arg17[%get3A_901] {strides = array<i32>} : memref<3456xf32, #tpu.memory_space<vmem>>, vector<16xf32>,
        %add3A_903 = arith.constant 1728 : i32
        %add3A_904 = arith.addi %add3A_903, %mul3A_889 : i32
        %get3A_905 = arith.index_cast %add3A_904 : i32 to index
        %get3A_906 = tpu.vector_load %arg18[%get3A_905] {strides = array<i32>} : memref<3456xf32, #tpu.memory_space<vmem>>, vector<16xf32>,
        %mul3A_907 = arith.mulf %gather3A_897, %get3A_902 : vector<16xf32>
        %add3A_908 = arith.addf %add3A_883, %mul3A_907 : vector<16xf32>
        %mul3A_909 = arith.mulf %gather3A_898, %get3A_906 : vector<16xf32>
        %add3A_910 = arith.addf %add3A_885, %mul3A_909 : vector<16xf32>
        %scan3A_911 = arith.constant 3 : i32
        %scan3A_912 = arith.addi %scan3A_835, %scan3A_911 : i32
        %mul3A_913 = arith.constant 16 : i32
        %mul3A_914 = arith.muli %scan3A_912, %mul3A_913 : i32
        %get3A_915 = arith.index_cast %mul3A_914 : i32 to index
        %get3A_916 = tpu.vector_load %arg12[%get3A_915] {strides = array<i32>} : memref<1728xi32, #tpu.memory_space<vmem>>, vector<16xi32>,
        %and3A_917 = arith.constant 7 : i32
        %and3A_918 = vector.broadcast %and3A_917 : i32 to vector<16xi32>
        %and3A_919 = arith.andi %get3A_916, %and3A_918 : vector<16xi32>
        %add3A_920 = vector.broadcast %mul3A_914 : i32 to vector<16xi32>
        %add3A_921 = arith.addi %add3A_920, %iota3A : vector<16xi32>
        %gather3A_922 = tpu.vector_load_idx %arg14[%add3A_921, %and3A_919] : memref<1728x8xf32, #tpu.memory_space<vmem>>[vector<16xi32>, vector<16xi32>], vector<16xf32>,
        %gather3A_923 = tpu.vector_load_idx %arg16[%add3A_921, %and3A_919] : memref<1728x8xf32, #tpu.memory_space<vmem>>[vector<16xi32>, vector<16xi32>], vector<16xf32>,
        %add3A_924 = arith.constant 1728 : i32
        %add3A_925 = arith.addi %add3A_924, %mul3A_914 : i32
        %get3A_926 = arith.index_cast %add3A_925 : i32 to index
        %get3A_927 = tpu.vector_load %arg17[%get3A_926] {strides = array<i32>} : memref<3456xf32, #tpu.memory_space<vmem>>, vector<16xf32>,
        %add3A_928 = arith.constant 1728 : i32
        %add3A_929 = arith.addi %add3A_928, %mul3A_914 : i32
        %get3A_930 = arith.index_cast %add3A_929 : i32 to index
        %get3A_931 = tpu.vector_load %arg18[%get3A_930] {strides = array<i32>} : memref<3456xf32, #tpu.memory_space<vmem>>, vector<16xf32>,
        %mul3A_932 = arith.mulf %gather3A_922, %get3A_927 : vector<16xf32>
        %add3A_933 = arith.addf %add3A_908, %mul3A_932 : vector<16xf32>
        %mul3A_934 = arith.mulf %gather3A_923, %get3A_931 : vector<16xf32>
        %add3A_935 = arith.addf %add3A_910, %mul3A_934 : vector<16xf32>
        %scan3A_936 = arith.constant 4 : i32
        %scan3A_937 = arith.addi %scan3A_835, %scan3A_936 : i32
        %mul3A_938 = arith.constant 16 : i32
        %mul3A_939 = arith.muli %scan3A_937, %mul3A_938 : i32
        %get3A_940 = arith.index_cast %mul3A_939 : i32 to index
        %get3A_941 = tpu.vector_load %arg12[%get3A_940] {strides = array<i32>} : memref<1728xi32, #tpu.memory_space<vmem>>, vector<16xi32>,
        %and3A_942 = arith.constant 7 : i32
        %and3A_943 = vector.broadcast %and3A_942 : i32 to vector<16xi32>
        %and3A_944 = arith.andi %get3A_941, %and3A_943 : vector<16xi32>
        %add3A_945 = vector.broadcast %mul3A_939 : i32 to vector<16xi32>
        %add3A_946 = arith.addi %add3A_945, %iota3A : vector<16xi32>
        %gather3A_947 = tpu.vector_load_idx %arg14[%add3A_946, %and3A_944] : memref<1728x8xf32, #tpu.memory_space<vmem>>[vector<16xi32>, vector<16xi32>], vector<16xf32>,
        %gather3A_948 = tpu.vector_load_idx %arg16[%add3A_946, %and3A_944] : memref<1728x8xf32, #tpu.memory_space<vmem>>[vector<16xi32>, vector<16xi32>], vector<16xf32>,
        %add3A_949 = arith.constant 1728 : i32
        %add3A_950 = arith.addi %add3A_949, %mul3A_939 : i32
        %get3A_951 = arith.index_cast %add3A_950 : i32 to index
        %get3A_952 = tpu.vector_load %arg17[%get3A_951] {strides = array<i32>} : memref<3456xf32, #tpu.memory_space<vmem>>, vector<16xf32>,
        %add3A_953 = arith.constant 1728 : i32
        %add3A_954 = arith.addi %add3A_953, %mul3A_939 : i32
        %get3A_955 = arith.index_cast %add3A_954 : i32 to index
        %get3A_956 = tpu.vector_load %arg18[%get3A_955] {strides = array<i32>} : memref<3456xf32, #tpu.memory_space<vmem>>, vector<16xf32>,
        %mul3A_957 = arith.mulf %gather3A_947, %get3A_952 : vector<16xf32>
        %add3A_958 = arith.addf %add3A_933, %mul3A_957 : vector<16xf32>
        %mul3A_959 = arith.mulf %gather3A_948, %get3A_956 : vector<16xf32>
        %add3A_960 = arith.addf %add3A_935, %mul3A_959 : vector<16xf32>
        %scan3A_961 = arith.constant 5 : i32
        %scan3A_962 = arith.addi %scan3A_835, %scan3A_961 : i32
        %mul3A_963 = arith.constant 16 : i32
        %mul3A_964 = arith.muli %scan3A_962, %mul3A_963 : i32
        %get3A_965 = arith.index_cast %mul3A_964 : i32 to index
        %get3A_966 = tpu.vector_load %arg12[%get3A_965] {strides = array<i32>} : memref<1728xi32, #tpu.memory_space<vmem>>, vector<16xi32>,
        %and3A_967 = arith.constant 7 : i32
        %and3A_968 = vector.broadcast %and3A_967 : i32 to vector<16xi32>
        %and3A_969 = arith.andi %get3A_966, %and3A_968 : vector<16xi32>
        %add3A_970 = vector.broadcast %mul3A_964 : i32 to vector<16xi32>
        %add3A_971 = arith.addi %add3A_970, %iota3A : vector<16xi32>
        %gather3A_972 = tpu.vector_load_idx %arg14[%add3A_971, %and3A_969] : memref<1728x8xf32, #tpu.memory_space<vmem>>[vector<16xi32>, vector<16xi32>], vector<16xf32>,
        %gather3A_973 = tpu.vector_load_idx %arg16[%add3A_971, %and3A_969] : memref<1728x8xf32, #tpu.memory_space<vmem>>[vector<16xi32>, vector<16xi32>], vector<16xf32>,
        %add3A_974 = arith.constant 1728 : i32
        %add3A_975 = arith.addi %add3A_974, %mul3A_964 : i32
        %get3A_976 = arith.index_cast %add3A_975 : i32 to index
        %get3A_977 = tpu.vector_load %arg17[%get3A_976] {strides = array<i32>} : memref<3456xf32, #tpu.memory_space<vmem>>, vector<16xf32>,
        %add3A_978 = arith.constant 1728 : i32
        %add3A_979 = arith.addi %add3A_978, %mul3A_964 : i32
        %get3A_980 = arith.index_cast %add3A_979 : i32 to index
        %get3A_981 = tpu.vector_load %arg18[%get3A_980] {strides = array<i32>} : memref<3456xf32, #tpu.memory_space<vmem>>, vector<16xf32>,
        %mul3A_982 = arith.mulf %gather3A_972, %get3A_977 : vector<16xf32>
        %add3A_983 = arith.addf %add3A_958, %mul3A_982 : vector<16xf32>
        %mul3A_984 = arith.mulf %gather3A_973, %get3A_981 : vector<16xf32>
        %add3A_985 = arith.addf %add3A_960, %mul3A_984 : vector<16xf32>
        %scan3A_986 = arith.constant 6 : i32
        %scan3A_987 = arith.addi %scan3A_835, %scan3A_986 : i32
        %mul3A_988 = arith.constant 16 : i32
        %mul3A_989 = arith.muli %scan3A_987, %mul3A_988 : i32
        %get3A_990 = arith.index_cast %mul3A_989 : i32 to index
        %get3A_991 = tpu.vector_load %arg12[%get3A_990] {strides = array<i32>} : memref<1728xi32, #tpu.memory_space<vmem>>, vector<16xi32>,
        %and3A_992 = arith.constant 7 : i32
        %and3A_993 = vector.broadcast %and3A_992 : i32 to vector<16xi32>
        %and3A_994 = arith.andi %get3A_991, %and3A_993 : vector<16xi32>
        %add3A_995 = vector.broadcast %mul3A_989 : i32 to vector<16xi32>
        %add3A_996 = arith.addi %add3A_995, %iota3A : vector<16xi32>
        %gather3A_997 = tpu.vector_load_idx %arg14[%add3A_996, %and3A_994] : memref<1728x8xf32, #tpu.memory_space<vmem>>[vector<16xi32>, vector<16xi32>], vector<16xf32>,
        %gather3A_998 = tpu.vector_load_idx %arg16[%add3A_996, %and3A_994] : memref<1728x8xf32, #tpu.memory_space<vmem>>[vector<16xi32>, vector<16xi32>], vector<16xf32>,
        %add3A_999 = arith.constant 1728 : i32
        %add3A_1000 = arith.addi %add3A_999, %mul3A_989 : i32
        %get3A_1001 = arith.index_cast %add3A_1000 : i32 to index
        %get3A_1002 = tpu.vector_load %arg17[%get3A_1001] {strides = array<i32>} : memref<3456xf32, #tpu.memory_space<vmem>>, vector<16xf32>,
        %add3A_1003 = arith.constant 1728 : i32
        %add3A_1004 = arith.addi %add3A_1003, %mul3A_989 : i32
        %get3A_1005 = arith.index_cast %add3A_1004 : i32 to index
        %get3A_1006 = tpu.vector_load %arg18[%get3A_1005] {strides = array<i32>} : memref<3456xf32, #tpu.memory_space<vmem>>, vector<16xf32>,
        %mul3A_1007 = arith.mulf %gather3A_997, %get3A_1002 : vector<16xf32>
        %add3A_1008 = arith.addf %add3A_983, %mul3A_1007 : vector<16xf32>
        %mul3A_1009 = arith.mulf %gather3A_998, %get3A_1006 : vector<16xf32>
        %add3A_1010 = arith.addf %add3A_985, %mul3A_1009 : vector<16xf32>
        %scan3A_1011 = arith.constant 7 : i32
        %scan3A_1012 = arith.addi %scan3A_835, %scan3A_1011 : i32
        %mul3A_1013 = arith.constant 16 : i32
        %mul3A_1014 = arith.muli %scan3A_1012, %mul3A_1013 : i32
        %get3A_1015 = arith.index_cast %mul3A_1014 : i32 to index
        %get3A_1016 = tpu.vector_load %arg12[%get3A_1015] {strides = array<i32>} : memref<1728xi32, #tpu.memory_space<vmem>>, vector<16xi32>,
        %and3A_1017 = arith.constant 7 : i32
        %and3A_1018 = vector.broadcast %and3A_1017 : i32 to vector<16xi32>
        %and3A_1019 = arith.andi %get3A_1016, %and3A_1018 : vector<16xi32>
        %add3A_1020 = vector.broadcast %mul3A_1014 : i32 to vector<16xi32>
        %add3A_1021 = arith.addi %add3A_1020, %iota3A : vector<16xi32>
        %gather3A_1022 = tpu.vector_load_idx %arg14[%add3A_1021, %and3A_1019] : memref<1728x8xf32, #tpu.memory_space<vmem>>[vector<16xi32>, vector<16xi32>], vector<16xf32>,
        %gather3A_1023 = tpu.vector_load_idx %arg16[%add3A_1021, %and3A_1019] : memref<1728x8xf32, #tpu.memory_space<vmem>>[vector<16xi32>, vector<16xi32>], vector<16xf32>,
        %add3A_1024 = arith.constant 1728 : i32
        %add3A_1025 = arith.addi %add3A_1024, %mul3A_1014 : i32
        %get3A_1026 = arith.index_cast %add3A_1025 : i32 to index
        %get3A_1027 = tpu.vector_load %arg17[%get3A_1026] {strides = array<i32>} : memref<3456xf32, #tpu.memory_space<vmem>>, vector<16xf32>,
        %add3A_1028 = arith.constant 1728 : i32
        %add3A_1029 = arith.addi %add3A_1028, %mul3A_1014 : i32
        %get3A_1030 = arith.index_cast %add3A_1029 : i32 to index
        %get3A_1031 = tpu.vector_load %arg18[%get3A_1030] {strides = array<i32>} : memref<3456xf32, #tpu.memory_space<vmem>>, vector<16xf32>,
        %mul3A_1032 = arith.mulf %gather3A_1022, %get3A_1027 : vector<16xf32>
        %add3A_1033 = arith.addf %add3A_1008, %mul3A_1032 : vector<16xf32>
        %mul3A_1034 = arith.mulf %gather3A_1023, %get3A_1031 : vector<16xf32>
        %add3A_1035 = arith.addf %add3A_1010, %mul3A_1034 : vector<16xf32>
        scf.yield %add3A_1033, %add3A_1035 : vector<16xf32>, vector<16xf32>
      }
      %scan3A_713 = arith.constant 104 : i32
      %scan3A_714 = arith.addi %scan3A_708, %scan3A_713 : i32
      %mul3A_715 = arith.constant 16 : i32
      %mul3A_716 = arith.muli %scan3A_714, %mul3A_715 : i32
      %get3A_717 = arith.index_cast %mul3A_716 : i32 to index
      %get3A_718 = tpu.vector_load %arg12[%get3A_717] {strides = array<i32>} : memref<1728xi32, #tpu.memory_space<vmem>>, vector<16xi32>,
      %and3A_719 = arith.constant 7 : i32
      %and3A_720 = vector.broadcast %and3A_719 : i32 to vector<16xi32>
      %and3A_721 = arith.andi %get3A_718, %and3A_720 : vector<16xi32>
      %add3A_722 = vector.broadcast %mul3A_716 : i32 to vector<16xi32>
      %add3A_723 = arith.addi %add3A_722, %iota3A : vector<16xi32>
      %gather3A_724 = tpu.vector_load_idx %arg14[%add3A_723, %and3A_721] : memref<1728x8xf32, #tpu.memory_space<vmem>>[vector<16xi32>, vector<16xi32>], vector<16xf32>,
      %gather3A_725 = tpu.vector_load_idx %arg16[%add3A_723, %and3A_721] : memref<1728x8xf32, #tpu.memory_space<vmem>>[vector<16xi32>, vector<16xi32>], vector<16xf32>,
      %add3A_726 = arith.constant 1728 : i32
      %add3A_727 = arith.addi %add3A_726, %mul3A_716 : i32
      %get3A_728 = arith.index_cast %add3A_727 : i32 to index
      %get3A_729 = tpu.vector_load %arg17[%get3A_728] {strides = array<i32>} : memref<3456xf32, #tpu.memory_space<vmem>>, vector<16xf32>,
      %add3A_730 = arith.constant 1728 : i32
      %add3A_731 = arith.addi %add3A_730, %mul3A_716 : i32
      %get3A_732 = arith.index_cast %add3A_731 : i32 to index
      %get3A_733 = tpu.vector_load %arg18[%get3A_732] {strides = array<i32>} : memref<3456xf32, #tpu.memory_space<vmem>>, vector<16xf32>,
      %mul3A_734 = arith.mulf %gather3A_724, %get3A_729 : vector<16xf32>
      %add3A_735 = arith.addf %scan3A_712#0, %mul3A_734 : vector<16xf32>
      %mul3A_736 = arith.mulf %gather3A_725, %get3A_733 : vector<16xf32>
      %add3A_737 = arith.addf %scan3A_712#1, %mul3A_736 : vector<16xf32>
      %scan3A_738 = arith.constant 105 : i32
      %scan3A_739 = arith.addi %scan3A_708, %scan3A_738 : i32
      %mul3A_740 = arith.constant 16 : i32
      %mul3A_741 = arith.muli %scan3A_739, %mul3A_740 : i32
      %get3A_742 = arith.index_cast %mul3A_741 : i32 to index
      %get3A_743 = tpu.vector_load %arg12[%get3A_742] {strides = array<i32>} : memref<1728xi32, #tpu.memory_space<vmem>>, vector<16xi32>,
      %and3A_744 = arith.constant 7 : i32
      %and3A_745 = vector.broadcast %and3A_744 : i32 to vector<16xi32>
      %and3A_746 = arith.andi %get3A_743, %and3A_745 : vector<16xi32>
      %add3A_747 = vector.broadcast %mul3A_741 : i32 to vector<16xi32>
      %add3A_748 = arith.addi %add3A_747, %iota3A : vector<16xi32>
      %gather3A_749 = tpu.vector_load_idx %arg14[%add3A_748, %and3A_746] : memref<1728x8xf32, #tpu.memory_space<vmem>>[vector<16xi32>, vector<16xi32>], vector<16xf32>,
      %gather3A_750 = tpu.vector_load_idx %arg16[%add3A_748, %and3A_746] : memref<1728x8xf32, #tpu.memory_space<vmem>>[vector<16xi32>, vector<16xi32>], vector<16xf32>,
      %add3A_751 = arith.constant 1728 : i32
      %add3A_752 = arith.addi %add3A_751, %mul3A_741 : i32
      %get3A_753 = arith.index_cast %add3A_752 : i32 to index
      %get3A_754 = tpu.vector_load %arg17[%get3A_753] {strides = array<i32>} : memref<3456xf32, #tpu.memory_space<vmem>>, vector<16xf32>,
      %add3A_755 = arith.constant 1728 : i32
      %add3A_756 = arith.addi %add3A_755, %mul3A_741 : i32
      %get3A_757 = arith.index_cast %add3A_756 : i32 to index
      %get3A_758 = tpu.vector_load %arg18[%get3A_757] {strides = array<i32>} : memref<3456xf32, #tpu.memory_space<vmem>>, vector<16xf32>,
      %mul3A_759 = arith.mulf %gather3A_749, %get3A_754 : vector<16xf32>
      %add3A_760 = arith.addf %add3A_735, %mul3A_759 : vector<16xf32>
      %mul3A_761 = arith.mulf %gather3A_750, %get3A_758 : vector<16xf32>
      %add3A_762 = arith.addf %add3A_737, %mul3A_761 : vector<16xf32>
      %scan3A_763 = arith.constant 106 : i32
      %scan3A_764 = arith.addi %scan3A_708, %scan3A_763 : i32
      %mul3A_765 = arith.constant 16 : i32
      %mul3A_766 = arith.muli %scan3A_764, %mul3A_765 : i32
      %get3A_767 = arith.index_cast %mul3A_766 : i32 to index
      %get3A_768 = tpu.vector_load %arg12[%get3A_767] {strides = array<i32>} : memref<1728xi32, #tpu.memory_space<vmem>>, vector<16xi32>,
      %and3A_769 = arith.constant 7 : i32
      %and3A_770 = vector.broadcast %and3A_769 : i32 to vector<16xi32>
      %and3A_771 = arith.andi %get3A_768, %and3A_770 : vector<16xi32>
      %add3A_772 = vector.broadcast %mul3A_766 : i32 to vector<16xi32>
      %add3A_773 = arith.addi %add3A_772, %iota3A : vector<16xi32>
      %gather3A_774 = tpu.vector_load_idx %arg14[%add3A_773, %and3A_771] : memref<1728x8xf32, #tpu.memory_space<vmem>>[vector<16xi32>, vector<16xi32>], vector<16xf32>,
      %gather3A_775 = tpu.vector_load_idx %arg16[%add3A_773, %and3A_771] : memref<1728x8xf32, #tpu.memory_space<vmem>>[vector<16xi32>, vector<16xi32>], vector<16xf32>,
      %add3A_776 = arith.constant 1728 : i32
      %add3A_777 = arith.addi %add3A_776, %mul3A_766 : i32
      %get3A_778 = arith.index_cast %add3A_777 : i32 to index
      %get3A_779 = tpu.vector_load %arg17[%get3A_778] {strides = array<i32>} : memref<3456xf32, #tpu.memory_space<vmem>>, vector<16xf32>,
      %add3A_780 = arith.constant 1728 : i32
      %add3A_781 = arith.addi %add3A_780, %mul3A_766 : i32
      %get3A_782 = arith.index_cast %add3A_781 : i32 to index
      %get3A_783 = tpu.vector_load %arg18[%get3A_782] {strides = array<i32>} : memref<3456xf32, #tpu.memory_space<vmem>>, vector<16xf32>,
      %mul3A_784 = arith.mulf %gather3A_774, %get3A_779 : vector<16xf32>
      %add3A_785 = arith.addf %add3A_760, %mul3A_784 : vector<16xf32>
      %mul3A_786 = arith.mulf %gather3A_775, %get3A_783 : vector<16xf32>
      %add3A_787 = arith.addf %add3A_762, %mul3A_786 : vector<16xf32>
      %scan3A_788 = arith.constant 107 : i32
      %scan3A_789 = arith.addi %scan3A_708, %scan3A_788 : i32
      %mul3A_790 = arith.constant 16 : i32
      %mul3A_791 = arith.muli %scan3A_789, %mul3A_790 : i32
      %get3A_792 = arith.index_cast %mul3A_791 : i32 to index
      %get3A_793 = tpu.vector_load %arg12[%get3A_792] {strides = array<i32>} : memref<1728xi32, #tpu.memory_space<vmem>>, vector<16xi32>,
      %and3A_794 = arith.constant 7 : i32
      %and3A_795 = vector.broadcast %and3A_794 : i32 to vector<16xi32>
      %and3A_796 = arith.andi %get3A_793, %and3A_795 : vector<16xi32>
      %add3A_797 = vector.broadcast %mul3A_791 : i32 to vector<16xi32>
      %add3A_798 = arith.addi %add3A_797, %iota3A : vector<16xi32>
      %gather3A_799 = tpu.vector_load_idx %arg14[%add3A_798, %and3A_796] : memref<1728x8xf32, #tpu.memory_space<vmem>>[vector<16xi32>, vector<16xi32>], vector<16xf32>,
      %gather3A_800 = tpu.vector_load_idx %arg16[%add3A_798, %and3A_796] : memref<1728x8xf32, #tpu.memory_space<vmem>>[vector<16xi32>, vector<16xi32>], vector<16xf32>,
      %add3A_801 = arith.constant 1728 : i32
      %add3A_802 = arith.addi %add3A_801, %mul3A_791 : i32
      %get3A_803 = arith.index_cast %add3A_802 : i32 to index
      %get3A_804 = tpu.vector_load %arg17[%get3A_803] {strides = array<i32>} : memref<3456xf32, #tpu.memory_space<vmem>>, vector<16xf32>,
      %add3A_805 = arith.constant 1728 : i32
      %add3A_806 = arith.addi %add3A_805, %mul3A_791 : i32
      %get3A_807 = arith.index_cast %add3A_806 : i32 to index
      %get3A_808 = tpu.vector_load %arg18[%get3A_807] {strides = array<i32>} : memref<3456xf32, #tpu.memory_space<vmem>>, vector<16xf32>,
      %mul3A_809 = arith.mulf %gather3A_799, %get3A_804 : vector<16xf32>
      %add3A_810 = arith.addf %add3A_785, %mul3A_809 : vector<16xf32>
      %mul3A_811 = arith.mulf %gather3A_800, %get3A_808 : vector<16xf32>
      %add3A_812 = arith.addf %add3A_787, %mul3A_811 : vector<16xf32>
      %scan3A_813 = arith.constant 108 : i32
      %add3A_814 = arith.constant 2 : i32
      %add3A_815 = arith.addi %add3A_694, %add3A_814 : i32
      %lt3A_816 = arith.constant 256 : i32
      %lt3A_817 = arith.cmpi slt, %add3A_815, %lt3A_816 : i32
      %convert_element_type3A_818 = arith.extui %lt3A_817 : i1 to i32
      %cond3A_819 = arith.constant 0 : i32
      %cond3A_820 = arith.cmpi ne, %convert_element_type3A_818, %cond3A_819 : i32
      scf.if %cond3A_820 {
        %add3A_835 = arith.constant 2 : i32
        %add3A_836 = arith.addi %add3A_694, %add3A_835 : i32
        %add3A_837 = arith.addi %mul3A_4, %add3A_836 : i32
        %add3A_838 = arith.addi %mul3A_4, %add3A_836 : i32
        %dma_start3A_839 = arith.constant 0 : i32
        %dma_start3A_840 = tpu.memref_slice %arg2[%add3A_837, %dma_start3A_839] : memref<8192x1728xi32, #tpu.memory_space<hbm>> -> memref<1x1728xi32, #tpu.memory_space<hbm>>
        %dma_start3A_841 = tpu.memref_squeeze %dma_start3A_840 : memref<1x1728xi32, #tpu.memory_space<hbm>> -> memref<1728xi32, #tpu.memory_space<hbm>>
        %dma_start3A_842 = arith.constant 0 : i32
        %dma_start3A_843 = tpu.memref_slice %arg2[%add3A_837, %dma_start3A_842] : memref<8192x1728xi32, #tpu.memory_space<hbm>> -> memref<1x1728xi32, #tpu.memory_space<hbm>>
        %dma_start3A_844 = tpu.memref_squeeze %dma_start3A_843 : memref<1x1728xi32, #tpu.memory_space<hbm>> -> memref<1728xi32, #tpu.memory_space<hbm>>
        tpu.enqueue_dma source(%dma_start3A_844 : memref<1728xi32, #tpu.memory_space<hbm>>) target(%arg10 : memref<1728xi32, #tpu.memory_space<vmem>>) target_semaphore(%arg24 : memref<!tpu.dma_semaphore, #tpu.memory_space<semaphore_mem>>)
        %dma_start3A_845 = arith.constant 0 : i32
        %dma_start3A_846 = tpu.memref_slice %arg3[%add3A_838, %dma_start3A_845] : memref<8192x1728xi32, #tpu.memory_space<hbm>> -> memref<1x1728xi32, #tpu.memory_space<hbm>>
        %dma_start3A_847 = tpu.memref_squeeze %dma_start3A_846 : memref<1x1728xi32, #tpu.memory_space<hbm>> -> memref<1728xi32, #tpu.memory_space<hbm>>
        %dma_start3A_848 = arith.constant 0 : i32
        %dma_start3A_849 = tpu.memref_slice %arg3[%add3A_838, %dma_start3A_848] : memref<8192x1728xi32, #tpu.memory_space<hbm>> -> memref<1x1728xi32, #tpu.memory_space<hbm>>
        %dma_start3A_850 = tpu.memref_squeeze %dma_start3A_849 : memref<1x1728xi32, #tpu.memory_space<hbm>> -> memref<1728xi32, #tpu.memory_space<hbm>>
        tpu.enqueue_dma source(%dma_start3A_850 : memref<1728xi32, #tpu.memory_space<hbm>>) target(%arg12 : memref<1728xi32, #tpu.memory_space<vmem>>) target_semaphore(%arg24 : memref<!tpu.dma_semaphore, #tpu.memory_space<semaphore_mem>>)
      } else {
      }
      %add3A_821 = vector.broadcast %scan3A_564 : i32 to vector<16xi32>
      %add3A_822 = arith.addi %mul3A_8, %add3A_821 : vector<16xi32>
      %reduce_sum3A = arith.constant true
      %reduce_sum3A_823 = vector.broadcast %reduce_sum3A : i1 to vector<16xi1>
      %reduce_sum3A_824 = tpu.scan <sum>, %add3A_810 masked %reduce_sum3A_823 : vector<16xf32>, vector<16xi1> -> vector<16xf32>
      %reduce_sum3A_825 = vector.extract %reduce_sum3A_824[15] : f32 from vector<16xf32>
      %add3A_826 = vector.broadcast %reduce_sum3A_825 : f32 to vector<16xf32>
      %add3A_827 = arith.addf %broadcast_in_dim3A_11, %add3A_826 : vector<16xf32>
      tpu.vector_store_idx %arg20[%add3A_822], %add3A_827 masked %eq3A_10 : memref<128xf32, #tpu.memory_space<vmem>>[vector<16xi32>], vector<16xf32>, vector<16xi1>
      %reduce_sum3A_828 = arith.constant true
      %reduce_sum3A_829 = vector.broadcast %reduce_sum3A_828 : i1 to vector<16xi1>
      %reduce_sum3A_830 = tpu.scan <sum>, %add3A_812 masked %reduce_sum3A_829 : vector<16xf32>, vector<16xi1> -> vector<16xf32>
      %reduce_sum3A_831 = vector.extract %reduce_sum3A_830[15] : f32 from vector<16xf32>
      %add3A_832 = vector.broadcast %reduce_sum3A_831 : f32 to vector<16xf32>
      %add3A_833 = arith.addf %broadcast_in_dim3A_11, %add3A_832 : vector<16xf32>
      tpu.vector_store_idx %arg21[%add3A_822], %add3A_833 masked %eq3A_10 : memref<128xf32, #tpu.memory_space<vmem>>[vector<16xi32>], vector<16xf32>, vector<16xi1>
      %scan3A_834 = arith.constant 0 : i32
      scf.yield %scan3A_834 : i32
    }
    %scan3A_65 = arith.constant 128 : i32
    %get3A = arith.constant 0 : index
    %get3A_66 = tpu.vector_load %arg19[%get3A] {strides = array<i32>} : memref<16xf32, #tpu.memory_space<vmem>>, vector<16xf32>,
    %slice3A = vector.extract_strided_slice %get3A_66 {offsets = [0], sizes = [1], strides = [1]} : vector<16xf32> to vector<1xf32>
    %squeeze3A = vector.extract %slice3A[0] : f32 from vector<1xf32>
    %slice3A_67 = vector.extract_strided_slice %get3A_66 {offsets = [1], sizes = [1], strides = [1]} : vector<16xf32> to vector<1xf32>
    %squeeze3A_68 = vector.extract %slice3A_67[0] : f32 from vector<1xf32>
    %get3A_69 = arith.constant 0 : index
    %get3A_70 = tpu.vector_load %arg20[%get3A_69] {strides = array<i32>} : memref<128xf32, #tpu.memory_space<vmem>>, vector<16xf32>,
    %get3A_71 = arith.constant 0 : index
    %get3A_72 = tpu.vector_load %arg21[%get3A_71] {strides = array<i32>} : memref<128xf32, #tpu.memory_space<vmem>>, vector<16xf32>,
    %add3A_73 = arith.constant 3.000000e+00 : f32
    %add3A_74 = vector.broadcast %add3A_73 : f32 to vector<16xf32>
    %add3A_75 = arith.addf %get3A_70, %add3A_74 : vector<16xf32>
    %jit3A = arith.constant 0.000000e+00 : f32
    %jit3A_76 = arith.constant 6.000000e+00 : f32
    %max3A = vector.broadcast %jit3A : f32 to vector<16xf32>
    %max3A_77 = arith.maximumf %max3A, %add3A_75 : vector<16xf32>
    %min3A = vector.broadcast %jit3A_76 : f32 to vector<16xf32>
    %min3A_78 = arith.minimumf %min3A, %max3A_77 : vector<16xf32>
    %mul3A_79 = arith.mulf %get3A_70, %min3A_78 : vector<16xf32>
    %mul3A_80 = arith.constant 0.166666672 : f32
    %mul3A_81 = vector.broadcast %mul3A_80 : f32 to vector<16xf32>
    %mul3A_82 = arith.mulf %mul3A_79, %mul3A_81 : vector<16xf32>
    %add3A_83 = arith.constant 3.000000e+00 : f32
    %add3A_84 = vector.broadcast %add3A_83 : f32 to vector<16xf32>
    %add3A_85 = arith.addf %get3A_72, %add3A_84 : vector<16xf32>
    %jit3A_86 = arith.constant 0.000000e+00 : f32
    %jit3A_87 = arith.constant 6.000000e+00 : f32
    %max3A_88 = vector.broadcast %jit3A_86 : f32 to vector<16xf32>
    %max3A_89 = arith.maximumf %max3A_88, %add3A_85 : vector<16xf32>
    %min3A_90 = vector.broadcast %jit3A_87 : f32 to vector<16xf32>
    %min3A_91 = arith.minimumf %min3A_90, %max3A_89 : vector<16xf32>
    %mul3A_92 = arith.mulf %get3A_72, %min3A_91 : vector<16xf32>
    %mul3A_93 = arith.constant 0.166666672 : f32
    %mul3A_94 = vector.broadcast %mul3A_93 : f32 to vector<16xf32>
    %mul3A_95 = arith.mulf %mul3A_92, %mul3A_94 : vector<16xf32>
    %mul3A_96 = vector.broadcast %squeeze3A : f32 to vector<16xf32>
    %mul3A_97 = arith.mulf %mul3A_82, %mul3A_96 : vector<16xf32>
    %mul3A_98 = vector.broadcast %squeeze3A_68 : f32 to vector<16xf32>
    %mul3A_99 = arith.mulf %mul3A_95, %mul3A_98 : vector<16xf32>
    %add3A_100 = arith.addf %mul3A_97, %mul3A_99 : vector<16xf32>
    %abs3A = math.absf %add3A_100 : vector<16xf32>
    %mul3A_101 = arith.constant -2.000000e+00 : f32
    %mul3A_102 = vector.broadcast %mul3A_101 : f32 to vector<16xf32>
    %mul3A_103 = arith.mulf %mul3A_102, %abs3A : vector<16xf32>
    %exp3A = math.exp %mul3A_103 : vector<16xf32>
    %sign3A = tpu.bitcast %add3A_100 : vector<16xf32> -> vector<16xi32>
    %sign3A_104 = arith.constant -2147483648 : i32
    %sign3A_105 = vector.broadcast %sign3A_104 : i32 to vector<16xi32>
    %sign3A_106 = arith.andi %sign3A, %sign3A_105 : vector<16xi32>
    %sign3A_107 = arith.constant 1065353216 : i32
    %sign3A_108 = vector.broadcast %sign3A_107 : i32 to vector<16xi32>
    %sign3A_109 = arith.ori %sign3A_108, %sign3A_106 : vector<16xi32>
    %sign3A_110 = tpu.bitcast %sign3A_109 : vector<16xi32> -> vector<16xf32>
    %sign3A_111 = math.absf %add3A_100 : vector<16xf32>
    %sign3A_112 = arith.constant 0.000000e+00 : f32
    %sign3A_113 = vector.broadcast %sign3A_112 : f32 to vector<16xf32>
    %sign3A_114 = arith.cmpf ogt, %sign3A_111, %sign3A_113 : vector<16xf32>
    %sign3A_115 = arith.select %sign3A_114, %sign3A_110, %add3A_100 : vector<16xi1>, vector<16xf32>
    %sub3A = arith.constant 1.000000e+00 : f32
    %sub3A_116 = vector.broadcast %sub3A : f32 to vector<16xf32>
    %sub3A_117 = arith.subf %sub3A_116, %exp3A : vector<16xf32>
    %mul3A_118 = arith.mulf %sign3A_115, %sub3A_117 : vector<16xf32>
    %add3A_119 = arith.constant 1.000000e+00 : f32
    %add3A_120 = vector.broadcast %add3A_119 : f32 to vector<16xf32>
    %add3A_121 = arith.addf %add3A_120, %exp3A : vector<16xf32>
    %div3A = arith.divf %mul3A_118, %add3A_121 : vector<16xf32>
    %swap3A = arith.constant 0 : index
    %swap3A_122 = tpu.vector_load %arg22[%swap3A] {strides = array<i32>} : memref<128xf32, #tpu.memory_space<vmem>>, vector<16xf32>,
    tpu.vector_store %arg22[%swap3A], %div3A {strides = array<i32>} : memref<128xf32, #tpu.memory_space<vmem>>, vector<16xf32>,
    %get3A_123 = arith.constant 16 : index
    %get3A_124 = tpu.vector_load %arg20[%get3A_123] {strides = array<i32>} : memref<128xf32, #tpu.memory_space<vmem>>, vector<16xf32>,
    %get3A_125 = arith.constant 16 : index
    %get3A_126 = tpu.vector_load %arg21[%get3A_125] {strides = array<i32>} : memref<128xf32, #tpu.memory_space<vmem>>, vector<16xf32>,
    %add3A_127 = arith.constant 3.000000e+00 : f32
    %add3A_128 = vector.broadcast %add3A_127 : f32 to vector<16xf32>
    %add3A_129 = arith.addf %get3A_124, %add3A_128 : vector<16xf32>
    %jit3A_130 = arith.constant 0.000000e+00 : f32
    %jit3A_131 = arith.constant 6.000000e+00 : f32
    %max3A_132 = vector.broadcast %jit3A_130 : f32 to vector<16xf32>
    %max3A_133 = arith.maximumf %max3A_132, %add3A_129 : vector<16xf32>
    %min3A_134 = vector.broadcast %jit3A_131 : f32 to vector<16xf32>
    %min3A_135 = arith.minimumf %min3A_134, %max3A_133 : vector<16xf32>
    %mul3A_136 = arith.mulf %get3A_124, %min3A_135 : vector<16xf32>
    %mul3A_137 = arith.constant 0.166666672 : f32
    %mul3A_138 = vector.broadcast %mul3A_137 : f32 to vector<16xf32>
    %mul3A_139 = arith.mulf %mul3A_136, %mul3A_138 : vector<16xf32>
    %add3A_140 = arith.constant 3.000000e+00 : f32
    %add3A_141 = vector.broadcast %add3A_140 : f32 to vector<16xf32>
    %add3A_142 = arith.addf %get3A_126, %add3A_141 : vector<16xf32>
    %jit3A_143 = arith.constant 0.000000e+00 : f32
    %jit3A_144 = arith.constant 6.000000e+00 : f32
    %max3A_145 = vector.broadcast %jit3A_143 : f32 to vector<16xf32>
    %max3A_146 = arith.maximumf %max3A_145, %add3A_142 : vector<16xf32>
    %min3A_147 = vector.broadcast %jit3A_144 : f32 to vector<16xf32>
    %min3A_148 = arith.minimumf %min3A_147, %max3A_146 : vector<16xf32>
    %mul3A_149 = arith.mulf %get3A_126, %min3A_148 : vector<16xf32>
    %mul3A_150 = arith.constant 0.166666672 : f32
    %mul3A_151 = vector.broadcast %mul3A_150 : f32 to vector<16xf32>
    %mul3A_152 = arith.mulf %mul3A_149, %mul3A_151 : vector<16xf32>
    %mul3A_153 = vector.broadcast %squeeze3A : f32 to vector<16xf32>
    %mul3A_154 = arith.mulf %mul3A_139, %mul3A_153 : vector<16xf32>
    %mul3A_155 = vector.broadcast %squeeze3A_68 : f32 to vector<16xf32>
    %mul3A_156 = arith.mulf %mul3A_152, %mul3A_155 : vector<16xf32>
    %add3A_157 = arith.addf %mul3A_154, %mul3A_156 : vector<16xf32>
    %abs3A_158 = math.absf %add3A_157 : vector<16xf32>
    %mul3A_159 = arith.constant -2.000000e+00 : f32
    %mul3A_160 = vector.broadcast %mul3A_159 : f32 to vector<16xf32>
    %mul3A_161 = arith.mulf %mul3A_160, %abs3A_158 : vector<16xf32>
    %exp3A_162 = math.exp %mul3A_161 : vector<16xf32>
    %sign3A_163 = tpu.bitcast %add3A_157 : vector<16xf32> -> vector<16xi32>
    %sign3A_164 = arith.constant -2147483648 : i32
    %sign3A_165 = vector.broadcast %sign3A_164 : i32 to vector<16xi32>
    %sign3A_166 = arith.andi %sign3A_163, %sign3A_165 : vector<16xi32>
    %sign3A_167 = arith.constant 1065353216 : i32
    %sign3A_168 = vector.broadcast %sign3A_167 : i32 to vector<16xi32>
    %sign3A_169 = arith.ori %sign3A_168, %sign3A_166 : vector<16xi32>
    %sign3A_170 = tpu.bitcast %sign3A_169 : vector<16xi32> -> vector<16xf32>
    %sign3A_171 = math.absf %add3A_157 : vector<16xf32>
    %sign3A_172 = arith.constant 0.000000e+00 : f32
    %sign3A_173 = vector.broadcast %sign3A_172 : f32 to vector<16xf32>
    %sign3A_174 = arith.cmpf ogt, %sign3A_171, %sign3A_173 : vector<16xf32>
    %sign3A_175 = arith.select %sign3A_174, %sign3A_170, %add3A_157 : vector<16xi1>, vector<16xf32>
    %sub3A_176 = arith.constant 1.000000e+00 : f32
    %sub3A_177 = vector.broadcast %sub3A_176 : f32 to vector<16xf32>
    %sub3A_178 = arith.subf %sub3A_177, %exp3A_162 : vector<16xf32>
    %mul3A_179 = arith.mulf %sign3A_175, %sub3A_178 : vector<16xf32>
    %add3A_180 = arith.constant 1.000000e+00 : f32
    %add3A_181 = vector.broadcast %add3A_180 : f32 to vector<16xf32>
    %add3A_182 = arith.addf %add3A_181, %exp3A_162 : vector<16xf32>
    %div3A_183 = arith.divf %mul3A_179, %add3A_182 : vector<16xf32>
    %swap3A_184 = arith.constant 16 : index
    %swap3A_185 = tpu.vector_load %arg22[%swap3A_184] {strides = array<i32>} : memref<128xf32, #tpu.memory_space<vmem>>, vector<16xf32>,
    tpu.vector_store %arg22[%swap3A_184], %div3A_183 {strides = array<i32>} : memref<128xf32, #tpu.memory_space<vmem>>, vector<16xf32>,
    %get3A_186 = arith.constant 32 : index
    %get3A_187 = tpu.vector_load %arg20[%get3A_186] {strides = array<i32>} : memref<128xf32, #tpu.memory_space<vmem>>, vector<16xf32>,
    %get3A_188 = arith.constant 32 : index
    %get3A_189 = tpu.vector_load %arg21[%get3A_188] {strides = array<i32>} : memref<128xf32, #tpu.memory_space<vmem>>, vector<16xf32>,
    %add3A_190 = arith.constant 3.000000e+00 : f32
    %add3A_191 = vector.broadcast %add3A_190 : f32 to vector<16xf32>
    %add3A_192 = arith.addf %get3A_187, %add3A_191 : vector<16xf32>
    %jit3A_193 = arith.constant 0.000000e+00 : f32
    %jit3A_194 = arith.constant 6.000000e+00 : f32
    %max3A_195 = vector.broadcast %jit3A_193 : f32 to vector<16xf32>
    %max3A_196 = arith.maximumf %max3A_195, %add3A_192 : vector<16xf32>
    %min3A_197 = vector.broadcast %jit3A_194 : f32 to vector<16xf32>
    %min3A_198 = arith.minimumf %min3A_197, %max3A_196 : vector<16xf32>
    %mul3A_199 = arith.mulf %get3A_187, %min3A_198 : vector<16xf32>
    %mul3A_200 = arith.constant 0.166666672 : f32
    %mul3A_201 = vector.broadcast %mul3A_200 : f32 to vector<16xf32>
    %mul3A_202 = arith.mulf %mul3A_199, %mul3A_201 : vector<16xf32>
    %add3A_203 = arith.constant 3.000000e+00 : f32
    %add3A_204 = vector.broadcast %add3A_203 : f32 to vector<16xf32>
    %add3A_205 = arith.addf %get3A_189, %add3A_204 : vector<16xf32>
    %jit3A_206 = arith.constant 0.000000e+00 : f32
    %jit3A_207 = arith.constant 6.000000e+00 : f32
    %max3A_208 = vector.broadcast %jit3A_206 : f32 to vector<16xf32>
    %max3A_209 = arith.maximumf %max3A_208, %add3A_205 : vector<16xf32>
    %min3A_210 = vector.broadcast %jit3A_207 : f32 to vector<16xf32>
    %min3A_211 = arith.minimumf %min3A_210, %max3A_209 : vector<16xf32>
    %mul3A_212 = arith.mulf %get3A_189, %min3A_211 : vector<16xf32>
    %mul3A_213 = arith.constant 0.166666672 : f32
    %mul3A_214 = vector.broadcast %mul3A_213 : f32 to vector<16xf32>
    %mul3A_215 = arith.mulf %mul3A_212, %mul3A_214 : vector<16xf32>
    %mul3A_216 = vector.broadcast %squeeze3A : f32 to vector<16xf32>
    %mul3A_217 = arith.mulf %mul3A_202, %mul3A_216 : vector<16xf32>
    %mul3A_218 = vector.broadcast %squeeze3A_68 : f32 to vector<16xf32>
    %mul3A_219 = arith.mulf %mul3A_215, %mul3A_218 : vector<16xf32>
    %add3A_220 = arith.addf %mul3A_217, %mul3A_219 : vector<16xf32>
    %abs3A_221 = math.absf %add3A_220 : vector<16xf32>
    %mul3A_222 = arith.constant -2.000000e+00 : f32
    %mul3A_223 = vector.broadcast %mul3A_222 : f32 to vector<16xf32>
    %mul3A_224 = arith.mulf %mul3A_223, %abs3A_221 : vector<16xf32>
    %exp3A_225 = math.exp %mul3A_224 : vector<16xf32>
    %sign3A_226 = tpu.bitcast %add3A_220 : vector<16xf32> -> vector<16xi32>
    %sign3A_227 = arith.constant -2147483648 : i32
    %sign3A_228 = vector.broadcast %sign3A_227 : i32 to vector<16xi32>
    %sign3A_229 = arith.andi %sign3A_226, %sign3A_228 : vector<16xi32>
    %sign3A_230 = arith.constant 1065353216 : i32
    %sign3A_231 = vector.broadcast %sign3A_230 : i32 to vector<16xi32>
    %sign3A_232 = arith.ori %sign3A_231, %sign3A_229 : vector<16xi32>
    %sign3A_233 = tpu.bitcast %sign3A_232 : vector<16xi32> -> vector<16xf32>
    %sign3A_234 = math.absf %add3A_220 : vector<16xf32>
    %sign3A_235 = arith.constant 0.000000e+00 : f32
    %sign3A_236 = vector.broadcast %sign3A_235 : f32 to vector<16xf32>
    %sign3A_237 = arith.cmpf ogt, %sign3A_234, %sign3A_236 : vector<16xf32>
    %sign3A_238 = arith.select %sign3A_237, %sign3A_233, %add3A_220 : vector<16xi1>, vector<16xf32>
    %sub3A_239 = arith.constant 1.000000e+00 : f32
    %sub3A_240 = vector.broadcast %sub3A_239 : f32 to vector<16xf32>
    %sub3A_241 = arith.subf %sub3A_240, %exp3A_225 : vector<16xf32>
    %mul3A_242 = arith.mulf %sign3A_238, %sub3A_241 : vector<16xf32>
    %add3A_243 = arith.constant 1.000000e+00 : f32
    %add3A_244 = vector.broadcast %add3A_243 : f32 to vector<16xf32>
    %add3A_245 = arith.addf %add3A_244, %exp3A_225 : vector<16xf32>
    %div3A_246 = arith.divf %mul3A_242, %add3A_245 : vector<16xf32>
    %swap3A_247 = arith.constant 32 : index
    %swap3A_248 = tpu.vector_load %arg22[%swap3A_247] {strides = array<i32>} : memref<128xf32, #tpu.memory_space<vmem>>, vector<16xf32>,
    tpu.vector_store %arg22[%swap3A_247], %div3A_246 {strides = array<i32>} : memref<128xf32, #tpu.memory_space<vmem>>, vector<16xf32>,
    %get3A_249 = arith.constant 48 : index
    %get3A_250 = tpu.vector_load %arg20[%get3A_249] {strides = array<i32>} : memref<128xf32, #tpu.memory_space<vmem>>, vector<16xf32>,
    %get3A_251 = arith.constant 48 : index
    %get3A_252 = tpu.vector_load %arg21[%get3A_251] {strides = array<i32>} : memref<128xf32, #tpu.memory_space<vmem>>, vector<16xf32>,
    %add3A_253 = arith.constant 3.000000e+00 : f32
    %add3A_254 = vector.broadcast %add3A_253 : f32 to vector<16xf32>
    %add3A_255 = arith.addf %get3A_250, %add3A_254 : vector<16xf32>
    %jit3A_256 = arith.constant 0.000000e+00 : f32
    %jit3A_257 = arith.constant 6.000000e+00 : f32
    %max3A_258 = vector.broadcast %jit3A_256 : f32 to vector<16xf32>
    %max3A_259 = arith.maximumf %max3A_258, %add3A_255 : vector<16xf32>
    %min3A_260 = vector.broadcast %jit3A_257 : f32 to vector<16xf32>
    %min3A_261 = arith.minimumf %min3A_260, %max3A_259 : vector<16xf32>
    %mul3A_262 = arith.mulf %get3A_250, %min3A_261 : vector<16xf32>
    %mul3A_263 = arith.constant 0.166666672 : f32
    %mul3A_264 = vector.broadcast %mul3A_263 : f32 to vector<16xf32>
    %mul3A_265 = arith.mulf %mul3A_262, %mul3A_264 : vector<16xf32>
    %add3A_266 = arith.constant 3.000000e+00 : f32
    %add3A_267 = vector.broadcast %add3A_266 : f32 to vector<16xf32>
    %add3A_268 = arith.addf %get3A_252, %add3A_267 : vector<16xf32>
    %jit3A_269 = arith.constant 0.000000e+00 : f32
    %jit3A_270 = arith.constant 6.000000e+00 : f32
    %max3A_271 = vector.broadcast %jit3A_269 : f32 to vector<16xf32>
    %max3A_272 = arith.maximumf %max3A_271, %add3A_268 : vector<16xf32>
    %min3A_273 = vector.broadcast %jit3A_270 : f32 to vector<16xf32>
    %min3A_274 = arith.minimumf %min3A_273, %max3A_272 : vector<16xf32>
    %mul3A_275 = arith.mulf %get3A_252, %min3A_274 : vector<16xf32>
    %mul3A_276 = arith.constant 0.166666672 : f32
    %mul3A_277 = vector.broadcast %mul3A_276 : f32 to vector<16xf32>
    %mul3A_278 = arith.mulf %mul3A_275, %mul3A_277 : vector<16xf32>
    %mul3A_279 = vector.broadcast %squeeze3A : f32 to vector<16xf32>
    %mul3A_280 = arith.mulf %mul3A_265, %mul3A_279 : vector<16xf32>
    %mul3A_281 = vector.broadcast %squeeze3A_68 : f32 to vector<16xf32>
    %mul3A_282 = arith.mulf %mul3A_278, %mul3A_281 : vector<16xf32>
    %add3A_283 = arith.addf %mul3A_280, %mul3A_282 : vector<16xf32>
    %abs3A_284 = math.absf %add3A_283 : vector<16xf32>
    %mul3A_285 = arith.constant -2.000000e+00 : f32
    %mul3A_286 = vector.broadcast %mul3A_285 : f32 to vector<16xf32>
    %mul3A_287 = arith.mulf %mul3A_286, %abs3A_284 : vector<16xf32>
    %exp3A_288 = math.exp %mul3A_287 : vector<16xf32>
    %sign3A_289 = tpu.bitcast %add3A_283 : vector<16xf32> -> vector<16xi32>
    %sign3A_290 = arith.constant -2147483648 : i32
    %sign3A_291 = vector.broadcast %sign3A_290 : i32 to vector<16xi32>
    %sign3A_292 = arith.andi %sign3A_289, %sign3A_291 : vector<16xi32>
    %sign3A_293 = arith.constant 1065353216 : i32
    %sign3A_294 = vector.broadcast %sign3A_293 : i32 to vector<16xi32>
    %sign3A_295 = arith.ori %sign3A_294, %sign3A_292 : vector<16xi32>
    %sign3A_296 = tpu.bitcast %sign3A_295 : vector<16xi32> -> vector<16xf32>
    %sign3A_297 = math.absf %add3A_283 : vector<16xf32>
    %sign3A_298 = arith.constant 0.000000e+00 : f32
    %sign3A_299 = vector.broadcast %sign3A_298 : f32 to vector<16xf32>
    %sign3A_300 = arith.cmpf ogt, %sign3A_297, %sign3A_299 : vector<16xf32>
    %sign3A_301 = arith.select %sign3A_300, %sign3A_296, %add3A_283 : vector<16xi1>, vector<16xf32>
    %sub3A_302 = arith.constant 1.000000e+00 : f32
    %sub3A_303 = vector.broadcast %sub3A_302 : f32 to vector<16xf32>
    %sub3A_304 = arith.subf %sub3A_303, %exp3A_288 : vector<16xf32>
    %mul3A_305 = arith.mulf %sign3A_301, %sub3A_304 : vector<16xf32>
    %add3A_306 = arith.constant 1.000000e+00 : f32
    %add3A_307 = vector.broadcast %add3A_306 : f32 to vector<16xf32>
    %add3A_308 = arith.addf %add3A_307, %exp3A_288 : vector<16xf32>
    %div3A_309 = arith.divf %mul3A_305, %add3A_308 : vector<16xf32>
    %swap3A_310 = arith.constant 48 : index
    %swap3A_311 = tpu.vector_load %arg22[%swap3A_310] {strides = array<i32>} : memref<128xf32, #tpu.memory_space<vmem>>, vector<16xf32>,
    tpu.vector_store %arg22[%swap3A_310], %div3A_309 {strides = array<i32>} : memref<128xf32, #tpu.memory_space<vmem>>, vector<16xf32>,
    %get3A_312 = arith.constant 64 : index
    %get3A_313 = tpu.vector_load %arg20[%get3A_312] {strides = array<i32>} : memref<128xf32, #tpu.memory_space<vmem>>, vector<16xf32>,
    %get3A_314 = arith.constant 64 : index
    %get3A_315 = tpu.vector_load %arg21[%get3A_314] {strides = array<i32>} : memref<128xf32, #tpu.memory_space<vmem>>, vector<16xf32>,
    %add3A_316 = arith.constant 3.000000e+00 : f32
    %add3A_317 = vector.broadcast %add3A_316 : f32 to vector<16xf32>
    %add3A_318 = arith.addf %get3A_313, %add3A_317 : vector<16xf32>
    %jit3A_319 = arith.constant 0.000000e+00 : f32
    %jit3A_320 = arith.constant 6.000000e+00 : f32
    %max3A_321 = vector.broadcast %jit3A_319 : f32 to vector<16xf32>
    %max3A_322 = arith.maximumf %max3A_321, %add3A_318 : vector<16xf32>
    %min3A_323 = vector.broadcast %jit3A_320 : f32 to vector<16xf32>
    %min3A_324 = arith.minimumf %min3A_323, %max3A_322 : vector<16xf32>
    %mul3A_325 = arith.mulf %get3A_313, %min3A_324 : vector<16xf32>
    %mul3A_326 = arith.constant 0.166666672 : f32
    %mul3A_327 = vector.broadcast %mul3A_326 : f32 to vector<16xf32>
    %mul3A_328 = arith.mulf %mul3A_325, %mul3A_327 : vector<16xf32>
    %add3A_329 = arith.constant 3.000000e+00 : f32
    %add3A_330 = vector.broadcast %add3A_329 : f32 to vector<16xf32>
    %add3A_331 = arith.addf %get3A_315, %add3A_330 : vector<16xf32>
    %jit3A_332 = arith.constant 0.000000e+00 : f32
    %jit3A_333 = arith.constant 6.000000e+00 : f32
    %max3A_334 = vector.broadcast %jit3A_332 : f32 to vector<16xf32>
    %max3A_335 = arith.maximumf %max3A_334, %add3A_331 : vector<16xf32>
    %min3A_336 = vector.broadcast %jit3A_333 : f32 to vector<16xf32>
    %min3A_337 = arith.minimumf %min3A_336, %max3A_335 : vector<16xf32>
    %mul3A_338 = arith.mulf %get3A_315, %min3A_337 : vector<16xf32>
    %mul3A_339 = arith.constant 0.166666672 : f32
    %mul3A_340 = vector.broadcast %mul3A_339 : f32 to vector<16xf32>
    %mul3A_341 = arith.mulf %mul3A_338, %mul3A_340 : vector<16xf32>
    %mul3A_342 = vector.broadcast %squeeze3A : f32 to vector<16xf32>
    %mul3A_343 = arith.mulf %mul3A_328, %mul3A_342 : vector<16xf32>
    %mul3A_344 = vector.broadcast %squeeze3A_68 : f32 to vector<16xf32>
    %mul3A_345 = arith.mulf %mul3A_341, %mul3A_344 : vector<16xf32>
    %add3A_346 = arith.addf %mul3A_343, %mul3A_345 : vector<16xf32>
    %abs3A_347 = math.absf %add3A_346 : vector<16xf32>
    %mul3A_348 = arith.constant -2.000000e+00 : f32
    %mul3A_349 = vector.broadcast %mul3A_348 : f32 to vector<16xf32>
    %mul3A_350 = arith.mulf %mul3A_349, %abs3A_347 : vector<16xf32>
    %exp3A_351 = math.exp %mul3A_350 : vector<16xf32>
    %sign3A_352 = tpu.bitcast %add3A_346 : vector<16xf32> -> vector<16xi32>
    %sign3A_353 = arith.constant -2147483648 : i32
    %sign3A_354 = vector.broadcast %sign3A_353 : i32 to vector<16xi32>
    %sign3A_355 = arith.andi %sign3A_352, %sign3A_354 : vector<16xi32>
    %sign3A_356 = arith.constant 1065353216 : i32
    %sign3A_357 = vector.broadcast %sign3A_356 : i32 to vector<16xi32>
    %sign3A_358 = arith.ori %sign3A_357, %sign3A_355 : vector<16xi32>
    %sign3A_359 = tpu.bitcast %sign3A_358 : vector<16xi32> -> vector<16xf32>
    %sign3A_360 = math.absf %add3A_346 : vector<16xf32>
    %sign3A_361 = arith.constant 0.000000e+00 : f32
    %sign3A_362 = vector.broadcast %sign3A_361 : f32 to vector<16xf32>
    %sign3A_363 = arith.cmpf ogt, %sign3A_360, %sign3A_362 : vector<16xf32>
    %sign3A_364 = arith.select %sign3A_363, %sign3A_359, %add3A_346 : vector<16xi1>, vector<16xf32>
    %sub3A_365 = arith.constant 1.000000e+00 : f32
    %sub3A_366 = vector.broadcast %sub3A_365 : f32 to vector<16xf32>
    %sub3A_367 = arith.subf %sub3A_366, %exp3A_351 : vector<16xf32>
    %mul3A_368 = arith.mulf %sign3A_364, %sub3A_367 : vector<16xf32>
    %add3A_369 = arith.constant 1.000000e+00 : f32
    %add3A_370 = vector.broadcast %add3A_369 : f32 to vector<16xf32>
    %add3A_371 = arith.addf %add3A_370, %exp3A_351 : vector<16xf32>
    %div3A_372 = arith.divf %mul3A_368, %add3A_371 : vector<16xf32>
    %swap3A_373 = arith.constant 64 : index
    %swap3A_374 = tpu.vector_load %arg22[%swap3A_373] {strides = array<i32>} : memref<128xf32, #tpu.memory_space<vmem>>, vector<16xf32>,
    tpu.vector_store %arg22[%swap3A_373], %div3A_372 {strides = array<i32>} : memref<128xf32, #tpu.memory_space<vmem>>, vector<16xf32>,
    %get3A_375 = arith.constant 80 : index
    %get3A_376 = tpu.vector_load %arg20[%get3A_375] {strides = array<i32>} : memref<128xf32, #tpu.memory_space<vmem>>, vector<16xf32>,
    %get3A_377 = arith.constant 80 : index
    %get3A_378 = tpu.vector_load %arg21[%get3A_377] {strides = array<i32>} : memref<128xf32, #tpu.memory_space<vmem>>, vector<16xf32>,
    %add3A_379 = arith.constant 3.000000e+00 : f32
    %add3A_380 = vector.broadcast %add3A_379 : f32 to vector<16xf32>
    %add3A_381 = arith.addf %get3A_376, %add3A_380 : vector<16xf32>
    %jit3A_382 = arith.constant 0.000000e+00 : f32
    %jit3A_383 = arith.constant 6.000000e+00 : f32
    %max3A_384 = vector.broadcast %jit3A_382 : f32 to vector<16xf32>
    %max3A_385 = arith.maximumf %max3A_384, %add3A_381 : vector<16xf32>
    %min3A_386 = vector.broadcast %jit3A_383 : f32 to vector<16xf32>
    %min3A_387 = arith.minimumf %min3A_386, %max3A_385 : vector<16xf32>
    %mul3A_388 = arith.mulf %get3A_376, %min3A_387 : vector<16xf32>
    %mul3A_389 = arith.constant 0.166666672 : f32
    %mul3A_390 = vector.broadcast %mul3A_389 : f32 to vector<16xf32>
    %mul3A_391 = arith.mulf %mul3A_388, %mul3A_390 : vector<16xf32>
    %add3A_392 = arith.constant 3.000000e+00 : f32
    %add3A_393 = vector.broadcast %add3A_392 : f32 to vector<16xf32>
    %add3A_394 = arith.addf %get3A_378, %add3A_393 : vector<16xf32>
    %jit3A_395 = arith.constant 0.000000e+00 : f32
    %jit3A_396 = arith.constant 6.000000e+00 : f32
    %max3A_397 = vector.broadcast %jit3A_395 : f32 to vector<16xf32>
    %max3A_398 = arith.maximumf %max3A_397, %add3A_394 : vector<16xf32>
    %min3A_399 = vector.broadcast %jit3A_396 : f32 to vector<16xf32>
    %min3A_400 = arith.minimumf %min3A_399, %max3A_398 : vector<16xf32>
    %mul3A_401 = arith.mulf %get3A_378, %min3A_400 : vector<16xf32>
    %mul3A_402 = arith.constant 0.166666672 : f32
    %mul3A_403 = vector.broadcast %mul3A_402 : f32 to vector<16xf32>
    %mul3A_404 = arith.mulf %mul3A_401, %mul3A_403 : vector<16xf32>
    %mul3A_405 = vector.broadcast %squeeze3A : f32 to vector<16xf32>
    %mul3A_406 = arith.mulf %mul3A_391, %mul3A_405 : vector<16xf32>
    %mul3A_407 = vector.broadcast %squeeze3A_68 : f32 to vector<16xf32>
    %mul3A_408 = arith.mulf %mul3A_404, %mul3A_407 : vector<16xf32>
    %add3A_409 = arith.addf %mul3A_406, %mul3A_408 : vector<16xf32>
    %abs3A_410 = math.absf %add3A_409 : vector<16xf32>
    %mul3A_411 = arith.constant -2.000000e+00 : f32
    %mul3A_412 = vector.broadcast %mul3A_411 : f32 to vector<16xf32>
    %mul3A_413 = arith.mulf %mul3A_412, %abs3A_410 : vector<16xf32>
    %exp3A_414 = math.exp %mul3A_413 : vector<16xf32>
    %sign3A_415 = tpu.bitcast %add3A_409 : vector<16xf32> -> vector<16xi32>
    %sign3A_416 = arith.constant -2147483648 : i32
    %sign3A_417 = vector.broadcast %sign3A_416 : i32 to vector<16xi32>
    %sign3A_418 = arith.andi %sign3A_415, %sign3A_417 : vector<16xi32>
    %sign3A_419 = arith.constant 1065353216 : i32
    %sign3A_420 = vector.broadcast %sign3A_419 : i32 to vector<16xi32>
    %sign3A_421 = arith.ori %sign3A_420, %sign3A_418 : vector<16xi32>
    %sign3A_422 = tpu.bitcast %sign3A_421 : vector<16xi32> -> vector<16xf32>
    %sign3A_423 = math.absf %add3A_409 : vector<16xf32>
    %sign3A_424 = arith.constant 0.000000e+00 : f32
    %sign3A_425 = vector.broadcast %sign3A_424 : f32 to vector<16xf32>
    %sign3A_426 = arith.cmpf ogt, %sign3A_423, %sign3A_425 : vector<16xf32>
    %sign3A_427 = arith.select %sign3A_426, %sign3A_422, %add3A_409 : vector<16xi1>, vector<16xf32>
    %sub3A_428 = arith.constant 1.000000e+00 : f32
    %sub3A_429 = vector.broadcast %sub3A_428 : f32 to vector<16xf32>
    %sub3A_430 = arith.subf %sub3A_429, %exp3A_414 : vector<16xf32>
    %mul3A_431 = arith.mulf %sign3A_427, %sub3A_430 : vector<16xf32>
    %add3A_432 = arith.constant 1.000000e+00 : f32
    %add3A_433 = vector.broadcast %add3A_432 : f32 to vector<16xf32>
    %add3A_434 = arith.addf %add3A_433, %exp3A_414 : vector<16xf32>
    %div3A_435 = arith.divf %mul3A_431, %add3A_434 : vector<16xf32>
    %swap3A_436 = arith.constant 80 : index
    %swap3A_437 = tpu.vector_load %arg22[%swap3A_436] {strides = array<i32>} : memref<128xf32, #tpu.memory_space<vmem>>, vector<16xf32>,
    tpu.vector_store %arg22[%swap3A_436], %div3A_435 {strides = array<i32>} : memref<128xf32, #tpu.memory_space<vmem>>, vector<16xf32>,
    %get3A_438 = arith.constant 96 : index
    %get3A_439 = tpu.vector_load %arg20[%get3A_438] {strides = array<i32>} : memref<128xf32, #tpu.memory_space<vmem>>, vector<16xf32>,
    %get3A_440 = arith.constant 96 : index
    %get3A_441 = tpu.vector_load %arg21[%get3A_440] {strides = array<i32>} : memref<128xf32, #tpu.memory_space<vmem>>, vector<16xf32>,
    %add3A_442 = arith.constant 3.000000e+00 : f32
    %add3A_443 = vector.broadcast %add3A_442 : f32 to vector<16xf32>
    %add3A_444 = arith.addf %get3A_439, %add3A_443 : vector<16xf32>
    %jit3A_445 = arith.constant 0.000000e+00 : f32
    %jit3A_446 = arith.constant 6.000000e+00 : f32
    %max3A_447 = vector.broadcast %jit3A_445 : f32 to vector<16xf32>
    %max3A_448 = arith.maximumf %max3A_447, %add3A_444 : vector<16xf32>
    %min3A_449 = vector.broadcast %jit3A_446 : f32 to vector<16xf32>
    %min3A_450 = arith.minimumf %min3A_449, %max3A_448 : vector<16xf32>
    %mul3A_451 = arith.mulf %get3A_439, %min3A_450 : vector<16xf32>
    %mul3A_452 = arith.constant 0.166666672 : f32
    %mul3A_453 = vector.broadcast %mul3A_452 : f32 to vector<16xf32>
    %mul3A_454 = arith.mulf %mul3A_451, %mul3A_453 : vector<16xf32>
    %add3A_455 = arith.constant 3.000000e+00 : f32
    %add3A_456 = vector.broadcast %add3A_455 : f32 to vector<16xf32>
    %add3A_457 = arith.addf %get3A_441, %add3A_456 : vector<16xf32>
    %jit3A_458 = arith.constant 0.000000e+00 : f32
    %jit3A_459 = arith.constant 6.000000e+00 : f32
    %max3A_460 = vector.broadcast %jit3A_458 : f32 to vector<16xf32>
    %max3A_461 = arith.maximumf %max3A_460, %add3A_457 : vector<16xf32>
    %min3A_462 = vector.broadcast %jit3A_459 : f32 to vector<16xf32>
    %min3A_463 = arith.minimumf %min3A_462, %max3A_461 : vector<16xf32>
    %mul3A_464 = arith.mulf %get3A_441, %min3A_463 : vector<16xf32>
    %mul3A_465 = arith.constant 0.166666672 : f32
    %mul3A_466 = vector.broadcast %mul3A_465 : f32 to vector<16xf32>
    %mul3A_467 = arith.mulf %mul3A_464, %mul3A_466 : vector<16xf32>
    %mul3A_468 = vector.broadcast %squeeze3A : f32 to vector<16xf32>
    %mul3A_469 = arith.mulf %mul3A_454, %mul3A_468 : vector<16xf32>
    %mul3A_470 = vector.broadcast %squeeze3A_68 : f32 to vector<16xf32>
    %mul3A_471 = arith.mulf %mul3A_467, %mul3A_470 : vector<16xf32>
    %add3A_472 = arith.addf %mul3A_469, %mul3A_471 : vector<16xf32>
    %abs3A_473 = math.absf %add3A_472 : vector<16xf32>
    %mul3A_474 = arith.constant -2.000000e+00 : f32
    %mul3A_475 = vector.broadcast %mul3A_474 : f32 to vector<16xf32>
    %mul3A_476 = arith.mulf %mul3A_475, %abs3A_473 : vector<16xf32>
    %exp3A_477 = math.exp %mul3A_476 : vector<16xf32>
    %sign3A_478 = tpu.bitcast %add3A_472 : vector<16xf32> -> vector<16xi32>
    %sign3A_479 = arith.constant -2147483648 : i32
    %sign3A_480 = vector.broadcast %sign3A_479 : i32 to vector<16xi32>
    %sign3A_481 = arith.andi %sign3A_478, %sign3A_480 : vector<16xi32>
    %sign3A_482 = arith.constant 1065353216 : i32
    %sign3A_483 = vector.broadcast %sign3A_482 : i32 to vector<16xi32>
    %sign3A_484 = arith.ori %sign3A_483, %sign3A_481 : vector<16xi32>
    %sign3A_485 = tpu.bitcast %sign3A_484 : vector<16xi32> -> vector<16xf32>
    %sign3A_486 = math.absf %add3A_472 : vector<16xf32>
    %sign3A_487 = arith.constant 0.000000e+00 : f32
    %sign3A_488 = vector.broadcast %sign3A_487 : f32 to vector<16xf32>
    %sign3A_489 = arith.cmpf ogt, %sign3A_486, %sign3A_488 : vector<16xf32>
    %sign3A_490 = arith.select %sign3A_489, %sign3A_485, %add3A_472 : vector<16xi1>, vector<16xf32>
    %sub3A_491 = arith.constant 1.000000e+00 : f32
    %sub3A_492 = vector.broadcast %sub3A_491 : f32 to vector<16xf32>
    %sub3A_493 = arith.subf %sub3A_492, %exp3A_477 : vector<16xf32>
    %mul3A_494 = arith.mulf %sign3A_490, %sub3A_493 : vector<16xf32>
    %add3A_495 = arith.constant 1.000000e+00 : f32
    %add3A_496 = vector.broadcast %add3A_495 : f32 to vector<16xf32>
    %add3A_497 = arith.addf %add3A_496, %exp3A_477 : vector<16xf32>
    %div3A_498 = arith.divf %mul3A_494, %add3A_497 : vector<16xf32>
    %swap3A_499 = arith.constant 96 : index
    %swap3A_500 = tpu.vector_load %arg22[%swap3A_499] {strides = array<i32>} : memref<128xf32, #tpu.memory_space<vmem>>, vector<16xf32>,
    tpu.vector_store %arg22[%swap3A_499], %div3A_498 {strides = array<i32>} : memref<128xf32, #tpu.memory_space<vmem>>, vector<16xf32>,
    %get3A_501 = arith.constant 112 : index
    %get3A_502 = tpu.vector_load %arg20[%get3A_501] {strides = array<i32>} : memref<128xf32, #tpu.memory_space<vmem>>, vector<16xf32>,
    %get3A_503 = arith.constant 112 : index
    %get3A_504 = tpu.vector_load %arg21[%get3A_503] {strides = array<i32>} : memref<128xf32, #tpu.memory_space<vmem>>, vector<16xf32>,
    %add3A_505 = arith.constant 3.000000e+00 : f32
    %add3A_506 = vector.broadcast %add3A_505 : f32 to vector<16xf32>
    %add3A_507 = arith.addf %get3A_502, %add3A_506 : vector<16xf32>
    %jit3A_508 = arith.constant 0.000000e+00 : f32
    %jit3A_509 = arith.constant 6.000000e+00 : f32
    %max3A_510 = vector.broadcast %jit3A_508 : f32 to vector<16xf32>
    %max3A_511 = arith.maximumf %max3A_510, %add3A_507 : vector<16xf32>
    %min3A_512 = vector.broadcast %jit3A_509 : f32 to vector<16xf32>
    %min3A_513 = arith.minimumf %min3A_512, %max3A_511 : vector<16xf32>
    %mul3A_514 = arith.mulf %get3A_502, %min3A_513 : vector<16xf32>
    %mul3A_515 = arith.constant 0.166666672 : f32
    %mul3A_516 = vector.broadcast %mul3A_515 : f32 to vector<16xf32>
    %mul3A_517 = arith.mulf %mul3A_514, %mul3A_516 : vector<16xf32>
    %add3A_518 = arith.constant 3.000000e+00 : f32
    %add3A_519 = vector.broadcast %add3A_518 : f32 to vector<16xf32>
    %add3A_520 = arith.addf %get3A_504, %add3A_519 : vector<16xf32>
    %jit3A_521 = arith.constant 0.000000e+00 : f32
    %jit3A_522 = arith.constant 6.000000e+00 : f32
    %max3A_523 = vector.broadcast %jit3A_521 : f32 to vector<16xf32>
    %max3A_524 = arith.maximumf %max3A_523, %add3A_520 : vector<16xf32>
    %min3A_525 = vector.broadcast %jit3A_522 : f32 to vector<16xf32>
    %min3A_526 = arith.minimumf %min3A_525, %max3A_524 : vector<16xf32>
    %mul3A_527 = arith.mulf %get3A_504, %min3A_526 : vector<16xf32>
    %mul3A_528 = arith.constant 0.166666672 : f32
    %mul3A_529 = vector.broadcast %mul3A_528 : f32 to vector<16xf32>
    %mul3A_530 = arith.mulf %mul3A_527, %mul3A_529 : vector<16xf32>
    %mul3A_531 = vector.broadcast %squeeze3A : f32 to vector<16xf32>
    %mul3A_532 = arith.mulf %mul3A_517, %mul3A_531 : vector<16xf32>
    %mul3A_533 = vector.broadcast %squeeze3A_68 : f32 to vector<16xf32>
    %mul3A_534 = arith.mulf %mul3A_530, %mul3A_533 : vector<16xf32>
    %add3A_535 = arith.addf %mul3A_532, %mul3A_534 : vector<16xf32>
    %abs3A_536 = math.absf %add3A_535 : vector<16xf32>
    %mul3A_537 = arith.constant -2.000000e+00 : f32
    %mul3A_538 = vector.broadcast %mul3A_537 : f32 to vector<16xf32>
    %mul3A_539 = arith.mulf %mul3A_538, %abs3A_536 : vector<16xf32>
    %exp3A_540 = math.exp %mul3A_539 : vector<16xf32>
    %sign3A_541 = tpu.bitcast %add3A_535 : vector<16xf32> -> vector<16xi32>
    %sign3A_542 = arith.constant -2147483648 : i32
    %sign3A_543 = vector.broadcast %sign3A_542 : i32 to vector<16xi32>
    %sign3A_544 = arith.andi %sign3A_541, %sign3A_543 : vector<16xi32>
    %sign3A_545 = arith.constant 1065353216 : i32
    %sign3A_546 = vector.broadcast %sign3A_545 : i32 to vector<16xi32>
    %sign3A_547 = arith.ori %sign3A_546, %sign3A_544 : vector<16xi32>
    %sign3A_548 = tpu.bitcast %sign3A_547 : vector<16xi32> -> vector<16xf32>
    %sign3A_549 = math.absf %add3A_535 : vector<16xf32>
    %sign3A_550 = arith.constant 0.000000e+00 : f32
    %sign3A_551 = vector.broadcast %sign3A_550 : f32 to vector<16xf32>
    %sign3A_552 = arith.cmpf ogt, %sign3A_549, %sign3A_551 : vector<16xf32>
    %sign3A_553 = arith.select %sign3A_552, %sign3A_548, %add3A_535 : vector<16xi1>, vector<16xf32>
    %sub3A_554 = arith.constant 1.000000e+00 : f32
    %sub3A_555 = vector.broadcast %sub3A_554 : f32 to vector<16xf32>
    %sub3A_556 = arith.subf %sub3A_555, %exp3A_540 : vector<16xf32>
    %mul3A_557 = arith.mulf %sign3A_553, %sub3A_556 : vector<16xf32>
    %add3A_558 = arith.constant 1.000000e+00 : f32
    %add3A_559 = vector.broadcast %add3A_558 : f32 to vector<16xf32>
    %add3A_560 = arith.addf %add3A_559, %exp3A_540 : vector<16xf32>
    %div3A_561 = arith.divf %mul3A_557, %add3A_560 : vector<16xf32>
    %swap3A_562 = arith.constant 112 : index
    %swap3A_563 = tpu.vector_load %arg22[%swap3A_562] {strides = array<i32>} : memref<128xf32, #tpu.memory_space<vmem>>, vector<16xf32>,
    tpu.vector_store %arg22[%swap3A_562], %div3A_561 {strides = array<i32>} : memref<128xf32, #tpu.memory_space<vmem>>, vector<16xf32>,
    "tpu.region"() ({
      %run_scoped3A_564 = tpu.sem_alloc : memref<!tpu.dma_semaphore, #tpu.memory_space<semaphore_mem>>
      %dma_start3A_565 = tpu.memref_slice %arg8[%mul3A_2] : memref<4096xf32, #tpu.memory_space<hbm>> -> memref<128xf32, #tpu.memory_space<hbm>>
      %dma_start3A_566 = tpu.memref_slice %arg8[%mul3A_2] : memref<4096xf32, #tpu.memory_space<hbm>> -> memref<128xf32, #tpu.memory_space<hbm>>
      tpu.enqueue_dma source(%arg22 : memref<128xf32, #tpu.memory_space<vmem>>) target(%dma_start3A_566 : memref<128xf32, #tpu.memory_space<hbm>>) target_semaphore(%run_scoped3A_564 : memref<!tpu.dma_semaphore, #tpu.memory_space<semaphore_mem>>)
      %dma_wait3A_567 = tpu.memref_slice %arg8[%mul3A_2] : memref<4096xf32, #tpu.memory_space<hbm>> -> memref<128xf32, #tpu.memory_space<hbm>>
      %dma_wait3A_568 = tpu.memref_slice %arg8[%mul3A_2] : memref<4096xf32, #tpu.memory_space<hbm>> -> memref<128xf32, #tpu.memory_space<hbm>>
      tpu.wait_dma2 semaphore(%run_scoped3A_564 : memref<!tpu.dma_semaphore, #tpu.memory_space<semaphore_mem>>) src(%arg22 : memref<128xf32, #tpu.memory_space<vmem>>) dst(%dma_wait3A_568 : memref<128xf32, #tpu.memory_space<hbm>>)
      tpu.yield
    }) : () -> ()
    return
  }
}

</mosaic_0001>

<sc_bundles>
// kernel: kernel.3.cloned.1.call-start
scs
__scs_entry_jumppad:
0x0: {  	(pc) =	sbr.rel $0x88, $3  }
0x1: {  	(tag) =	ssettag $0x0;
	lr =	simm.s32 $0x1  }
0x2: {  	[smem:$0x3F9D] =	sst lr;
	_ =	strace $0xD0000000  }
0x3: {  	_ = 	snop  }
0x4: {  	_ = 	snop  }
0x5: {  	_ = 	snop  }
0x6: {  	_ = 	snop  }
0x7: {  	_ = 	snop  }
__scs_overlays_trampoline_lowered:
0x8: {  	[smem:$0x3FAC] =	sst s0  }
0x9: {  	[smem:$0x3FAD] =	sst s1  }
0xa: {  	[smem:$0x3FAE] =	sst s2  }
0xb: {  	[smem:$0x3FAF] =	sst s3  }
0xc: {  	[smem:$0x3FB0] =	sst s4  }
0xd: {  	[smem:$0x3FB1] =	sst s5  }
0xe: {  	[smem:$0x3FB2] =	sst s6  }
0xf: {  	[smem:$0x3FB3] =	sst s7  }
0x10: {  	[smem:$0x3FB4] =	sst s8  }
0x11: {  	[smem:$0x3FB5] =	sst s9;
	s0 =	simm.s32 @!p0 $0x0  }
0x12: {  	s1 =	sld [smem:$0x3F9B];
	s0 =	simm.s32 @p0 $0x1  }
0x13: {  	[smem:$0x3FB6] =	sst s0;
	s0 =	simm.s32 @!p1 $0x0  }
0x14: {  	s2 =	sld [smem:$0x3F9A];
	s0 =	simm.s32 @p1 $0x1  }
0x15: {  	[smem:$0x3FB7] =	sst s0;
	s0 =	simm.s32 @!p2 $0x0  }
0x16: {  	s3 =	sld [smem:$0x3FDB];
	s0 =	simm.s32 @p2 $0x1  }
0x17: {  	s4 =	simm.s32 $0x1BF5;
	[smem:$0x3FB9] =	sst s0  }
0x18: {  	s0 =	sld [smem:$0x3F9C];
	_ =	swait.ge [sflag:s4], $0x0  }
0x19: {  	s7 =	sld [smem:$0x3F9D]  }
0x1a: {  	s8 =	sadd.s32 $0xFFFFE003, lr  }
0x1b: {  	s9 =	sadd.s32 $0xFFFFFEF7, lr;
	s5 =	simm.s32 $0xFFFFFFFF;
	p2 =	slt.u32 s8, $0xFFFFF086  }
0x1c: {  	p1 =	slt.u32 s9, $0xF7A;
	s5 =	simm.s32 @!p2 $0x0  }
0x1d: {  	s5 =	simm.s32 @p1 $0x1;
	p0 =	seq.s32 s7, s2  }
0x1e: {  	s7 =	smul.u32 @!p0 $0xF7A, s2;
	p2 =	seq.s32 @!p0 s5, $0x0  }
0x1f: {  	s9 =	smul.u32 $0xF7A, s1;
	s8 =	simm.s32 @!p0 $0x1BF5;
	p2 =	por !p2, p0  }
0x20: {  	[sflag:s8] =	ssyncset.s32 @!p0 $0xFFFFF086;
	s6 =	sadd.s32 @!p0 s3, s7;
	s7 =	simm.s32 @!p0 $0x108  }
0x21: {  	s3 =	sadd.s32 s3, s9;
	s6 =	sadd.s32 @!p0 $0x88, s6;
	s7 =	simm.s32 @p2 $0x1082  }
0x22: {  	[simem:s7], [sflag:s8] =	dma.local @!p0 [hbm:s6], $0xF7A  }
0x23: {  	s9 =	sor.u32 $0xD0000000, s2;
	s6 =	simm.s32 $0x108;
	_ =	swait.ge @!p0 [sflag:s8], $0x0  }
0x24: {  	s3 =	sadd.s32 $0x88, s3;
	s6 =	simm.s32 @!p1 $0x1082;
	[sflag:s4] =	ssyncset.s32 $0xFFFFF086  }
0x25: {  	[simem:s6], [sflag:s4] =	dma.local [hbm:s3], $0xF7A  }
0x26: {  	[smem:$0x3F9D] =	sst s1;
	(tag) =	ssettag s2;
	_ =	strace s9  }
0x27: {  	s1 =	sld [smem:$0x3FAD]  }
0x28: {  	s2 =	sld [smem:$0x3FAE]  }
0x29: {  	s4 =	sld [smem:$0x3FB0]  }
0x2a: {  	p0 =	seq.s32 s5, $0x0;
	s5 =	sld [smem:$0x3FB1]  }
0x2b: {  	s6 =	sld [smem:$0x3FB2]  }
0x2c: {  	s7 =	sld [smem:$0x3FB3]  }
0x2d: {  	s3 =	simm.s32 $0x108;
	s8 =	sld [smem:$0x3FB4]  }
0x2e: {  	s3 =	simm.s32 @!p0 $0x1082;
	s9 =	sld [smem:$0x3FB5]  }
0x2f: {  	lr =	sadd.s32 s0, s3;
	s0 =	sld [smem:$0x3FAC]  }
0x30: {  	s3 =	sld [smem:$0x3FAF]  }
0x31: {  	[smem:$0x3FB8] =	sst s10  }
0x32: {  	s10 =	sld [smem:$0x3FB6];
	_ =	sdelay $0x3  }
0x33: {  	p0 =	seq.s32 s10, $0x1;
	s10 =	sld [smem:$0x3FB8];
	_ =	sdelay $0x3  }
0x34: {  	[smem:$0x3FB8] =	sst s10  }
0x35: {  	s10 =	sld [smem:$0x3FB7];
	_ =	sdelay $0x3  }
0x36: {  	p1 =	seq.s32 s10, $0x1;
	s10 =	sld [smem:$0x3FB8];
	_ =	sdelay $0x3  }
0x37: {  	[smem:$0x3FB8] =	sst s10  }
0x38: {  	s10 =	sld [smem:$0x3FB9]  }
0x39: {  	_ = 	snop;
	(pc) =	sbr.ind lr, $3  }
0x3a: {  	_ = 	snop  }
0x3b: {  	_ = 	snop  }
0x3c: {  	p2 =	seq.s32 s10, $0x1;
	s10 =	sld [smem:$0x3FB8]  }
0x3d: {  	_ =	shalt  }
0x3e: {  	_ =	shalt  }
0x3f: {  	_ =	shalt  }
0x40: {  	_ =	shalt  }
0x41: {  	_ =	shalt  }
0x42: {  	_ =	shalt  }
0x43: {  	_ =	shalt  }
0x44: {  	_ =	shalt  }
0x45: {  	_ =	shalt  }
0x46: {  	_ =	shalt  }
0x47: {  	_ =	shalt  }
0x48: {  	_ =	shalt  }
0x49: {  	_ =	shalt  }
0x4a: {  	_ =	shalt  }
0x4b: {  	_ =	shalt  }
0x4c: {  	_ =	shalt  }
0x4d: {  	_ =	shalt  }
0x4e: {  	_ =	shalt  }
0x4f: {  	_ =	shalt  }
0x50: {  	_ =	shalt  }
0x51: {  	_ =	shalt  }
0x52: {  	_ =	shalt  }
0x53: {  	_ =	shalt  }
0x54: {  	_ =	shalt  }
0x55: {  	_ =	shalt  }
0x56: {  	_ =	shalt  }
0x57: {  	_ =	shalt  }
0x58: {  	_ =	shalt  }
0x59: {  	_ =	shalt  }
0x5a: {  	_ =	shalt  }
0x5b: {  	_ =	shalt  }
0x5c: {  	_ =	shalt  }
0x5d: {  	_ =	shalt  }
0x5e: {  	_ =	shalt  }
0x5f: {  	_ =	shalt  }
0x60: {  	_ =	shalt  }
0x61: {  	_ =	shalt  }
0x62: {  	_ =	shalt  }
0x63: {  	_ =	shalt  }
0x64: {  	_ =	shalt  }
0x65: {  	_ =	shalt  }
0x66: {  	_ =	shalt  }
0x67: {  	_ =	shalt  }
0x68: {  	_ =	shalt  }
0x69: {  	_ =	shalt  }
0x6a: {  	_ =	shalt  }
0x6b: {  	_ =	shalt  }
0x6c: {  	_ =	shalt  }
0x6d: {  	_ =	shalt  }
0x6e: {  	_ =	shalt  }
0x6f: {  	_ =	shalt  }
0x70: {  	_ =	shalt  }
0x71: {  	_ =	shalt  }
0x72: {  	_ =	shalt  }
0x73: {  	_ =	shalt  }
0x74: {  	_ =	shalt  }
0x75: {  	_ =	shalt  }
0x76: {  	_ =	shalt  }
0x77: {  	_ =	shalt  }
0x78: {  	_ =	shalt  }
0x79: {  	_ =	shalt  }
0x7a: {  	_ =	shalt  }
0x7b: {  	_ =	shalt  }
0x7c: {  	_ =	shalt  }
0x7d: {  	_ =	shalt  }
0x7e: {  	_ =	shalt  }
0x7f: {  	_ =	shalt  }
0x80: {  	_ =	shalt  }
0x81: {  	_ =	shalt  }
0x82: {  	_ =	shalt  }
0x83: {  	_ =	shalt  }
0x84: {  	_ =	shalt  }
0x85: {  	_ =	shalt  }
0x86: {  	_ =	shalt  }
0x87: {  	_ =	shalt  }
.Lfunc_end0:
.L_simem_size_0:
called_computation.2_lowered:
.L_overlay_start_0:
0x88: {  	s2 =	sld [smem:$0x3FD9]  }
0x89: {  	s3 =	sld [smem:$0x3FFE];
	_ =	sdelay $0x1  }
0x8a: {  	s1 =	srdreg.scid  }
0x8b: {  	s0 =	sand.u32 $0x1, s1  }
0x8c: {  	s17 =	sshll.u32 s0, $0xA;
	s2 =	sadd.s32 s3, s2  }
0x8d: {  	s2 =	sadd.s32 s2, s17  }
0x8e: {  	[smem:$0x3FC4] =	sst s2  }
0x8f: {  	_ = 	snop  }
0x90: {  	s2 =	sld [smem:$0x3FD0];
	(tm) =	ssettm $0x1  }
0x91: {  	s18 =	sld [smem:$0x3FFB];
	_ =	sdelay $0x3  }
0x92: {  	_ =	strace s18  }
0x93: {  	s3 =	sld [smem:$0x3FFC];
	_ =	sdelay $0x3  }
0x94: {  	_ =	strace s3  }
0x95: {  	s3 =	sld [smem:$0x3FFD];
	_ =	sdelay $0x3  }
0x96: {  	_ =	strace s3  }
0x97: {  	_ =	strace $0x8FFFFFFF  }
0x98: {  	s19 =	sld [smem:$0x3FDB];
	_ =	sdelay $0x1  }
0x99: {  	s4 =	simm.s32 $_scs_section_size  }
0x9a: {  	s5 =	simm.s32 $_size__tile_overlayer_lowered;
	s6 =	simm.s32 $_tile_overlayer_lowered  }
0x9b: {  	s22 =	simm.s32 $0x1BFF;
	s21 =	sshll.u32 s6, $0x1;
	s3 =	sadd.s32 s4, s19  }
0x9c: {  	s7 =	simm.s32 $0x0;
	s20 =	sshll.u32 s5, $0x1;
	s5 =	sadd.s32 s21, s3  }
0x9d: {  	[timem:s7], [sflag:s22] =	dma.local [hbm:s5], s20  }
0x9e: {  	_ =	swait.ge [sflag:s22], s20  }
0x9f: {  	s4 =	ssub.s32 $0x0, s20;
	[sflag:s22] =	ssyncset.done $0x0  }
0xa0: {  	[sflag:s22] =	ssyncadd.s32 s4;
	_ =	sdelay $0x1  }
0xa1: {  	s23 =	simm.s32 $0x1B8B  }
0xa2: {  	_ =	swait.ge [sflag:s23], $0x1  }
0xa3: {  	[sflag:s23] =	ssyncset.done $0x0  }
0xa4: {  	s25 =	simm.s32 $0x1B8E;
	s24 =	sld [smem:$0x3FFE];
	[sflag:s23] =	ssyncadd.s32 $0xFFFFFFFF  }
0xa5: {  	s26 =	simm.s32 $execute0_lowered;
	[smem:$0x3FD2] =	sst s25  }
0xa6: {  	s5 =	sshll.u32 s26, $0x1;
	_ =	strace $0x8000004C;
	[dreg:$0x1] =	wrdreg $0xFFFFFFFF  }
0xa7: {  	s28 =	simm.s32 $_size_execute0_lowered;
	s3 =	sadd.s32 s3, s5;
	[dreg:$0x0] =	wrdreg $0x0  }
0xa8: {  	s5 =	sshll.u32 s28, $0x1;
	[dreg:$0x2] =	wrdreg s3  }
0xa9: {  	[dreg:$0x3] =	wrdreg s5  }
0xaa: {  	[dreg:$0x4] =	wrdreg $0xC0  }
0xab: {  	_ =	task [dreg:s7], $0x5FFFF  }
0xac: {  	[dreg:$0x1] =	wrdreg $0xFFFFFFFF  }
0xad: {  	[dreg:$0x0] =	wrdreg $0x60  }
0xae: {  	[dreg:$0x2] =	wrdreg s24  }
0xaf: {  	[dreg:$0x3] =	wrdreg s2  }
0xb0: {  	[dreg:$0x4] =	wrdreg $0x9  }
0xb1: {  	_ =	task.clear_ibuf [dreg:s7], $0x5FFFF;
	_ =	strace $0x9000004C  }
0xb2: {  	s29 =	simm.s32 $0x9;
	_ =	strace $0x8000004E  }
0xb3: {  	_ =	swait.ge [sflag:s29], $0x1  }
0xb4: {  	[sflag:s29] =	ssyncadd.s32 $0xFFFFFFFF  }
0xb5: {  	_ =	strace $0x9000004E  }
0xb6: {  	_ =	sfence  }
0xb7: {  	s30 =	sld [smem:$0x0];
	_ =	sdelay $0x2  }
0xb8: {  	s31 =	sshll.u32 s1, $0xD;
	s1 =	sshrl.u32 s1, $0x2  }
0xb9: {  	s3 =	sand.u32 $0x4000, s31;
	s1 =	sadd.s32 s1, s30  }
0xba: {  	s0 =	sor.u32 s3, s0;
	s1 =	sshll.u32 s1, $0x11  }
0xbb: {  	s0 =	sor.u32 s1, s0  }
0xbc: {  	s0 =	sadd.s32 $0x8F2B, s0  }
0xbd: {  	[sflag:s0] =	ssyncadd.remote.s32 $0x1  }
0xbe: {  	_ =	sfence.sel $0xFFFF  }
0xbf: {  	[dreg:$0x0] =	wrdreg $0xFFFFFFFF;
	(pc) =	sbr.abs _section_cstart, $3  }
0xc0: {  	[dreg:$0x1] =	wrdreg $0xFFFFFFFF  }
0xc1: {  	_ =	task.clear_ibuf [dreg:s7], $0x2FFFF;
	_ =	strace $0x9FFFFFFF  }
0xc2: {  	(tm) =	ssettm $0x7FFFFFFF  }
0xc3: {  	_ =	shalt  }
tec
execute0_lowered:
.L_overlay_start_1:
0x0: {  	(tag) =	ssettag $0x1  }
0x1: {  	s0 =	rddreg [dreg:$0x0]  }
0x2: {  	s2 =	rddreg [dreg:$0x1]  }
0x3: {  	s1 =	simm.s32 $0x0;
	s7 =	srdreg.scid;
	s8 =	stileid.u32  }
0x4: {  	s19 =	simm.s32 $0x3;
	s29 =	simm.s32 $0x5100;
	s30 =	simm.s32 $0xBD00  }
0x5: {  	s31 =	simm.s32 $0x1;
	s20 =	simm.s32 $0x0;
	[smem:$0x7FF] =	sst s1  }
0x6: {  	s3 =	sadd.s32 $0x1B0800, s0;
	s4 =	sadd.s32 $0x800, s0;
	s5 =	sadd.s32 $0x510800, s0  }
0x7: {  	s6 =	sadd.s32 $0x933400, s0;
	s7 =	sand.u32 $0x1, s7;
	s9 =	sadd.s32 $0x721E00, s0  }
0x8: {  	s22 =	sadd.s32 $0x722200, s0;
	_ =	strace $0x8000004D;
	[dreg:$0x3] =	wrdreg s9  }
0x9: {  	s8 =	sshll.u32 s8, $0x1;
	s0 =	sadd.s32 $0x721FB0, s0;
	[dreg:$0x4] =	wrdreg s22  }
0xa: {  	s21 =	ssub.s32 $0x2, s7;
	s7 =	sor.u32 s7, s8;
	[dreg:$0x5] =	wrdreg s0  }
0xb: {  	s0 =	simm.s32 $0x10E10;
	s23 =	sshrl.u32 s21, $0x1;
	s12 =	smul.u32 $0xD800, s7  }
0xc: {  	s24 =	sshll.u32 s7, $0x8;
	s28 =	sshll.u32 s7, $0x4;
	s8 =	ssub.s32 s21, s23  }
0xd: {  	v0 =	vlaneseq.u32;
	s14 =	sor.u32 $0x2, s24;
	s15 =	sor.u32 $0x3, s24;
	s16 =	sadd.s32 s2, s28  }
0xe: {  	v0 =	vmul.u32 $0x8, v0;
	s23 =	simm.s32 $0x2;
	s24 =	simm.s32 $0x6C0;
	s2 =	simm.s32 $0x10E90  }
0xf: {  	v5 =	vimm.f32 $1.000000000e+00;
	s25 =	sadd.s32 s3, s12;
	s11 =	sadd.s32 s4, s12;
	s26 =	sor.u32 $0xD8, s12  }
0x10: {  	v5 =	vand.u32 $0x7FFFFFFF, v5;
	v1 =	vor.u32 $0x3400, v0;
	s17 =	smax.u32 s8, $0x1;
	[dreg:$0x6] =	wrdreg s25;
	s12 =	sadd.s32 s3, s26  }
0x11: {  	v2 =	vor.u32 $0x3480, v0;
	v3 =	vor.u32 $0x3500, v0;
	v4 =	vor.u32 $0x3580, v0;
	s13 =	sadd.s32 s4, s26;
	s25 =	simm.s32 $0x1B00;
	s26 =	simm.s32 $0x8700  }
.LBB2_1:
0x12: {  	s7 =	rddreg [dreg:$0x3];
	s8 =	simm.s32 $0xF300  }
0x13: {  	[tilespmem:s8], [sflag:$0x3] =	stream.linear.gather [hbm4b:s7+s1], $0xD80, $0x38;
	[tilespmem:$0x10F90] =	vst v63  }
0x14: {  	_ =	swait.ge [sflag:s19], $0xD80  }
0x15: {  	[sflag:s19] =	ssyncset.done $0x0  }
0x16: {  	s9 =	simm.s32 $0x10080;
	s8 =	rddreg [dreg:$0x5];
	[sflag:s19] =	ssyncadd.s32 $0xFFFFF280  }
0x17: {  	[tilespmem:s9], [sflag:$0x3] =	stream.linear.gather [hbm4b:s8+s1], $0xD80, $0x38;
	[tilespmem:$0x10F90] =	vst v63  }
0x18: {  	_ =	swait.ge [sflag:s19], $0xD80  }
0x19: {  	[sflag:s19] =	ssyncset.done $0x0  }
0x1a: {  	s18 =	simm.s32 $0x10E00;
	s10 =	rddreg [dreg:$0x4];
	[sflag:s19] =	ssyncadd.s32 $0xFFFFF280  }
0x1b: {  	[tilespmem:s18], [sflag:$0x3] =	stream.linear.gather [hbm4b:s10+s1], $0x10, $0x38;
	[tilespmem:$0x10F90] =	vst v63  }
0x1c: {  	_ =	swait.ge [sflag:s19], $0x10  }
0x1d: {  	[sflag:s19] =	ssyncset.done $0x0  }
0x1e: {  	s21 =	rddreg [dreg:$0x6];
	[sflag:s19] =	ssyncadd.s32 $0xFFFFFFF0  }
0x1f: {  	[tilespmem:s1], [sflag:$0x2] =	stream.linear.gather [hbm4b:s21+s1], $0x6C0, $0x38;
	[tilespmem:$0x10F90] =	vst v63  }
0x20: {  	s22 =	simm.s32 $0xD80  }
0x21: {  	[tilespmem:s22], [sflag:$0x2] =	stream.linear.gather [hbm4b:s11+s1], $0x6C0, $0x38;
	[tilespmem:$0x10F90] =	vst v63  }
0x22: {  	_ =	swait.ge [sflag:s23], $0x6C0  }
0x23: {  	[sflag:s23] =	ssyncset.done $0x0  }
0x24: {  	[sflag:s23] =	ssyncadd.s32 $0xFFFFF940  }
0x25: {  	_ =	swait.ge [sflag:s23], $0x6C0  }
0x26: {  	[sflag:s23] =	ssyncset.done $0x0  }
0x27: {  	[sflag:s23] =	ssyncadd.s32 $0xFFFFF940  }
0x28: {  	[tilespmem:s25], [sflag:$0x1] =	stream.indirect.gather [hbm4b:s5+s24], $0x8, s1, s24, $0xb8;
	[tilespmem:$0x10F90] =	vst v63  }
0x29: {  	_ = 	snop  }
0x2a: {  	[tilespmem:s26], [sflag:$0x1] =	stream.indirect.gather [hbm4b:s6+s24], $0x8, s1, s24, $0xb8;
	[tilespmem:$0x10F90] =	vst v63  }
0x2b: {  	_ = 	snop  }
0x2c: {  	[tilespmem:s24], [sflag:$0x2] =	stream.linear.gather [hbm4b:s12+s1], $0x6C0, $0x38;
	[tilespmem:$0x10F90] =	vst v63  }
0x2d: {  	s28 =	simm.s32 $0x1440;
	s21 =	simm.s32 $0x0  }
0x2e: {  	[tilespmem:s28], [sflag:$0x2] =	stream.linear.gather [hbm4b:s13+s1], $0x6C0, $0x38;
	[tilespmem:$0x10F90] =	vst v63  }
.LBB2_2:
0x2f: {  	_ =	swait.ge [sflag:s23], $0x6C0  }
0x30: {  	[sflag:s23] =	ssyncset.done $0x0  }
0x31: {  	[sflag:s23] =	ssyncadd.s32 $0xFFFFF940  }
0x32: {  	_ =	swait.ge [sflag:s23], $0x6C0  }
0x33: {  	[sflag:s23] =	ssyncset.done $0x0  }
0x34: {  	[sflag:s23] =	ssyncadd.s32 $0xFFFFF940  }
0x35: {  	[tilespmem:s29], [sflag:$0x1] =	stream.indirect.gather [hbm4b:s5+s24], $0x8, s24, s24, $0xb8;
	[tilespmem:$0x10F90] =	vst v63  }
0x36: {  	_ = 	snop  }
0x37: {  	[tilespmem:s30], [sflag:$0x1] =	stream.indirect.gather [hbm4b:s6+s24], $0x8, s24, s24, $0xb8;
	[tilespmem:$0x10F90] =	vst v63  }
0x38: {  	_ =	swait.ge [sflag:s31], $0x3600  }
0x39: {  	[sflag:s31] =	ssyncset.done $0x0  }
0x3a: {  	[sflag:s31] =	ssyncadd.s32 $0xFFFFCA00  }
0x3b: {  	_ =	swait.ge [sflag:s31], $0x3600  }
0x3c: {  	[sflag:s31] =	ssyncset.done $0x0  }
0x3d: {  	s7 =	simm.s32 $0xF340;
	[sflag:s31] =	ssyncadd.s32 $0xFFFFCA00  }
0x3e: {  	v7 =	vld [tilespmem:s7+$0x30]  }
0x3f: {  	s18 =	simm.s32 $0x100C0;
	v8 =	vld [tilespmem:s7+$0x20]  }
0x40: {  	v6 =	vld [tilespmem:s18+$0x20]  }
0x41: {  	v9 =	vld [tilespmem:s7+$0x10]  }
0x42: {  	v12 =	vld [tilespmem:s18+$0x10]  }
0x43: {  	v10 =	vld [tilespmem:s7+$0x0]  }
0x44: {  	v11 =	vld [tilespmem:s18+$0x0]  }
0x45: {  	v13 =	vld [tilespmem:s7+$0xFFFFFFF0]  }
0x46: {  	v14 =	vld [tilespmem:s18+$0xFFFFFFF0]  }
0x47: {  	v15 =	vld [tilespmem:s7+$0xFFFFFFE0]  }
0x48: {  	v17 =	vld [tilespmem:s18+$0xFFFFFFE0]  }
0x49: {  	s22 =	simm.s32 $0xDC0;
	v16 =	vld [tilespmem:s7+$0xFFFFFFD0]  }
0x4a: {  	v18 =	vld [tilespmem:s22+$0xFFFFFFC0]  }
0x4b: {  	v19 =	vld [tilespmem:s18+$0xFFFFFFD0]  }
0x4c: {  	s8 =	simm.s32 $0x0;
	v20 =	vld [tilespmem:s22+$0xFFFFFFD0]  }
0x4d: {  	v21 =	vmov s8;
	v22 =	vld [tilespmem:s22+$0x30]  }
0x4e: {  	s10 =	simm.s32 $0x10;
	v21 =	vshll.u32 v21, $0x3;
	v23 =	vld [tilespmem:s22+$0xFFFFFFE0]  }
0x4f: {  	v25 =	vmov s10;
	v21 =	vor.u32 v0, v21;
	v24 =	vld [tilespmem:s7+$0xFFFFFFC0];
	v18 =	vand.u32 $0x7, v18  }
0x50: {  	s9 =	simm.s32 $0x20;
	v18 =	vor.u32 v21, v18;
	v21 =	vshll.u32 v25, $0x3;
	v25 =	vld [tilespmem:s22+$0xFFFFFFF0]  }
0x51: {  	v27 =	vmov s9;
	v26 =	vld [tilespmem:s18+$0xFFFFFFC0];
	v20 =	vand.u32 $0x7, v20;
	v21 =	vor.u32 v0, v21  }
0x52: {  	s10 =	simm.s32 $0x30;
	v20 =	vor.u32 v21, v20;
	v21 =	vshll.u32 v27, $0x3;
	v27 =	vld [tilespmem:s22+$0x0]  }
0x53: {  	s28 =	simm.s32 $0x70;
	v28 =	vmov s10;
	v29 =	vld [tilespmem:s22+$0x20];
	v23 =	vand.u32 $0x7, v23;
	v21 =	vor.u32 v0, v21  }
0x54: {  	s8 =	simm.s32 $0x40;
	v62 =	vmov s28;
	v58 =	vld [tilespmem:s22+$0x10];
	v21 =	vor.u32 v21, v23;
	v23 =	vshll.u32 v28, $0x3  }
0x55: {  	s9 =	simm.s32 $0x50;
	v31 =	vmov s8;
	v30 =	vld.idx.msk [tilespmem:v18+s25+$0x0], $0xffff;
	v25 =	vand.u32 $0x7, v25;
	v23 =	vor.u32 v0, v23  }
0x56: {  	v32 =	vmov s9;
	s10 =	simm.s32 $0x60;
	v18 =	vld.idx.msk [tilespmem:v18+s26+$0x0], $0xffff;
	v23 =	vor.u32 v23, v25;
	v25 =	vshll.u32 v31, $0x3  }
0x57: {  	v33 =	vmov s10;
	v59 =	vld.idx.msk [tilespmem:v20+s25+$0x0], $0xffff;
	v27 =	vand.u32 $0x7, v27;
	v25 =	vor.u32 v0, v25  }
0x58: {  	v61 =	vshll.u32 v33, $0x3;
	v20 =	vld.idx.msk [tilespmem:v20+s26+$0x0], $0xffff;
	v25 =	vor.u32 v25, v27;
	v27 =	vshll.u32 v32, $0x3  }
0x59: {  	v33 =	vshll.u32 v62, $0x3;
	v28 =	vand.u32 $0x7, v58;
	v60 =	vld.idx.msk [tilespmem:v21+s25+$0x0], $0xffff;
	v27 =	vor.u32 v0, v27  }
0x5a: {  	v63 =	vor.u32 v0, v33;
	v21 =	vld.idx.msk [tilespmem:v21+s26+$0x0], $0xffff;
	v27 =	vor.u32 v27, v28  }
0x5b: {  	v29 =	vand.u32 $0x7, v29;
	v22 =	vand.u32 $0x7, v22;
	v28 =	vor.u32 v0, v61;
	v35 =	vld.idx.msk [tilespmem:v23+s25+$0x0], $0xffff  }
0x5c: {  	v24 =	vmul.f32 v24, v30;
	v18 =	vmul.f32 v26, v18;
	v23 =	vld.idx.msk [tilespmem:v23+s26+$0x0], $0xffff;
	v28 =	vor.u32 v28, v29  }
0x5d: {  	v34 =	vimm.f32 $0.0e+00;
	v29 =	vor.u32 v63, v22;
	v16 =	vmul.f32 v16, v59;
	v26 =	vld.idx.msk [tilespmem:v25+s25+$0x0], $0xffff  }
0x5e: {  	v22 =	vadd.f32 v24, v34;
	v18 =	vadd.f32 v18, v34;
	v19 =	vmul.f32 v19, v20;
	v24 =	vld.idx.msk [tilespmem:v25+s26+$0x0], $0xffff  }
0x5f: {  	v15 =	vmul.f32 v15, v60;
	v20 =	vld.idx.msk [tilespmem:v27+s25+$0x0], $0xffff  }
0x60: {  	v22 =	vadd.f32 v16, v22;
	v18 =	vadd.f32 v19, v18;
	v21 =	vmul.f32 v17, v21;
	v16 =	vld.idx.msk [tilespmem:v27+s26+$0x0], $0xffff  }
0x61: {  	v19 =	vld.idx.msk [tilespmem:v28+s25+$0x0], $0xffff;
	v25 =	vmul.f32 v13, v35  }
0x62: {  	v15 =	vadd.f32 v15, v22;
	v17 =	vld.idx.msk [tilespmem:v28+s26+$0x0], $0xffff;
	v21 =	vadd.f32 v21, v18;
	v14 =	vmul.f32 v14, v23  }
0x63: {  	v18 =	vld.idx.msk [tilespmem:v29+s25+$0x0], $0xffff;
	v13 =	vmul.f32 v10, v26  }
0x64: {  	v22 =	vadd.f32 v25, v15;
	v15 =	vld.idx.msk [tilespmem:v29+s26+$0x0], $0xffff;
	v23 =	vadd.f32 v14, v21;
	v24 =	vmul.f32 v11, v24  }
0x65: {  	s8 =	simm.s32 $0xF3C0;
	s7 =	simm.s32 $0x0;
	v21 =	vmul.f32 v9, v20;
	v20 =	vld [tilespmem:s18+$0x30]  }
.LBB2_3:
0x66: {  	v10 =	vld [tilespmem:s8+$0x30];
	v9 =	vadd.f32 v13, v22;
	v11 =	vadd.f32 v24, v23;
	v12 =	vmul.f32 v12, v16  }
0x67: {  	v13 =	vmul.f32 v8, v19;
	s18 =	sadd.s32 $0x80, s18;
	v8 =	vld [tilespmem:s8+$0x20]  }
0x68: {  	v16 =	vmul.f32 v6, v17;
	v14 =	vadd.f32 v21, v9;
	v11 =	vadd.f32 v12, v11;
	v6 =	vld [tilespmem:s18+$0x20]  }
0x69: {  	v17 =	vmul.f32 v7, v18;
	v9 =	vld [tilespmem:s8+$0x10]  }
0x6a: {  	v12 =	vld [tilespmem:s18+$0x10];
	v13 =	vadd.f32 v13, v14;
	v14 =	vadd.f32 v16, v11;
	v15 =	vmul.f32 v20, v15  }
0x6b: {  	v11 =	vld [tilespmem:s8+$0x0];
	v7 =	vmov v10  }
0x6c: {  	v10 =	vld [tilespmem:s18+$0x0];
	v13 =	vadd.f32 v17, v13;
	v14 =	vadd.f32 v15, v14  }
0x6d: {  	v15 =	vld [tilespmem:s8+$0xFFFFFFF0]  }
0x6e: {  	v17 =	vld [tilespmem:s18+$0xFFFFFFF0]  }
0x6f: {  	v16 =	vld [tilespmem:s8+$0xFFFFFFE0]  }
0x70: {  	v18 =	vld [tilespmem:s18+$0xFFFFFFE0]  }
0x71: {  	s22 =	sadd.s32 $0x80, s22;
	v19 =	vld [tilespmem:s8+$0xFFFFFFD0]  }
0x72: {  	v20 =	vld [tilespmem:s22+$0xFFFFFFC0]  }
0x73: {  	s7 =	sadd.s32 $0x8, s7;
	s28 =	sadd.s32 $0x80, s28;
	v21 =	vld [tilespmem:s18+$0xFFFFFFD0]  }
0x74: {  	s9 =	sadd.s32 $0xFFFFFF90, s28;
	p0 =	slt.u32 s7, $0x60;
	v22 =	vld [tilespmem:s22+$0xFFFFFFD0]  }
0x75: {  	v23 =	vmov s9;
	v24 =	vld [tilespmem:s22+$0x30]  }
0x76: {  	s9 =	sadd.s32 $0xFFFFFFA0, s28;
	v23 =	vshll.u32 v23, $0x3;
	v25 =	vld [tilespmem:s22+$0xFFFFFFE0]  }
0x77: {  	v27 =	vmov s9;
	v23 =	vor.u32 v0, v23;
	v20 =	vand.u32 $0x7, v20;
	v26 =	vld [tilespmem:s8+$0xFFFFFFC0]  }
0x78: {  	s9 =	sadd.s32 $0xFFFFFFB0, s28;
	v20 =	vor.u32 v23, v20;
	v23 =	vshll.u32 v27, $0x3;
	v27 =	vld [tilespmem:s22+$0xFFFFFFF0]  }
0x79: {  	v29 =	vmov s9;
	v28 =	vld [tilespmem:s18+$0xFFFFFFC0];
	v22 =	vand.u32 $0x7, v22;
	v23 =	vor.u32 v0, v23  }
0x7a: {  	s9 =	sadd.s32 $0xFFFFFFC0, s28;
	v22 =	vor.u32 v23, v22;
	v23 =	vshll.u32 v29, $0x3;
	v29 =	vld [tilespmem:s22+$0x0]  }
0x7b: {  	v30 =	vmov s9;
	v25 =	vand.u32 $0x7, v25;
	v23 =	vor.u32 v0, v23;
	v31 =	vld [tilespmem:s22+$0x20]  }
0x7c: {  	s9 =	sadd.s32 $0xFFFFFFD0, s28;
	v23 =	vor.u32 v23, v25;
	v25 =	vshll.u32 v30, $0x3;
	v30 =	vld [tilespmem:s22+$0x10]  }
0x7d: {  	v33 =	vmov s9;
	v32 =	vld.idx.msk [tilespmem:v20+s25+$0x0], $0xffff;
	v27 =	vand.u32 $0x7, v27;
	v25 =	vor.u32 v0, v25  }
0x7e: {  	s9 =	sadd.s32 $0xFFFFFFE0, s28;
	v20 =	vld.idx.msk [tilespmem:v20+s26+$0x0], $0xffff;
	v25 =	vor.u32 v25, v27;
	v27 =	vshll.u32 v33, $0x3;
	v33 =	vmov s28  }
0x7f: {  	v35 =	vmov s9;
	v34 =	vld.idx.msk [tilespmem:v22+s25+$0x0], $0xffff;
	v29 =	vand.u32 $0x7, v29;
	v27 =	vor.u32 v0, v27  }
0x80: {  	s9 =	sadd.s32 $0xFFFFFFF0, s28;
	v33 =	vshll.u32 v33, $0x3;
	v22 =	vld.idx.msk [tilespmem:v22+s26+$0x0], $0xffff;
	v27 =	vor.u32 v27, v29;
	v29 =	vshll.u32 v35, $0x3  }
0x81: {  	v36 =	vmov s9;
	v35 =	vld.idx.msk [tilespmem:v23+s25+$0x0], $0xffff;
	v30 =	vand.u32 $0x7, v30;
	v29 =	vor.u32 v0, v29  }
0x82: {  	v33 =	vor.u32 v0, v33;
	v23 =	vld.idx.msk [tilespmem:v23+s26+$0x0], $0xffff;
	v29 =	vor.u32 v29, v30;
	v30 =	vshll.u32 v36, $0x3  }
0x83: {  	v24 =	vand.u32 $0x7, v24;
	v31 =	vand.u32 $0x7, v31;
	v36 =	vld.idx.msk [tilespmem:v25+s25+$0x0], $0xffff;
	v30 =	vor.u32 v0, v30  }
0x84: {  	v26 =	vmul.f32 v26, v32;
	v20 =	vmul.f32 v28, v20;
	v25 =	vld.idx.msk [tilespmem:v25+s26+$0x0], $0xffff;
	v28 =	vor.u32 v30, v31  }
0x85: {  	v19 =	vmul.f32 v19, v34;
	v31 =	vor.u32 v33, v24;
	v30 =	vld.idx.msk [tilespmem:v27+s25+$0x0], $0xffff  }
0x86: {  	v13 =	vadd.f32 v26, v13;
	v14 =	vadd.f32 v20, v14;
	v20 =	vmul.f32 v21, v22;
	v21 =	vld.idx.msk [tilespmem:v27+s26+$0x0], $0xffff  }
0x87: {  	v22 =	vmul.f32 v16, v35;
	v26 =	vld.idx.msk [tilespmem:v29+s25+$0x0], $0xffff  }
0x88: {  	v13 =	vadd.f32 v19, v13;
	v14 =	vadd.f32 v20, v14;
	v18 =	vmul.f32 v18, v23;
	v16 =	vld.idx.msk [tilespmem:v29+s26+$0x0], $0xffff  }
.Ltmp0:
0x89: {  	v15 =	vmul.f32 v15, v36;
	v19 =	vld.idx.msk [tilespmem:v28+s25+$0x0], $0xffff;
	(pc) =	sbr.rel @p0 .LBB2_3-.Ltmp0, $4  }
0x8a: {  	v20 =	vadd.f32 v22, v13;
	v14 =	vadd.f32 v18, v14;
	v23 =	vmul.f32 v17, v25;
	v17 =	vld.idx.msk [tilespmem:v28+s26+$0x0], $0xffff  }
0x8b: {  	v13 =	vmul.f32 v11, v30;
	v18 =	vld.idx.msk [tilespmem:v31+s25+$0x0], $0xffff  }
0x8c: {  	v22 =	vadd.f32 v15, v20;
	v23 =	vadd.f32 v23, v14;
	v24 =	vmul.f32 v10, v21;
	v15 =	vld.idx.msk [tilespmem:v31+s26+$0x0], $0xffff  }
0x8d: {  	s8 =	sadd.s32 $0x80, s8;
	v21 =	vmul.f32 v9, v26;
	v20 =	vld [tilespmem:s18+$0x30]  }
0x8e: {  	v9 =	vld [tilespmem:$0x1400];
	_ =	sdelay $0x4  }
0x8f: {  	v9 =	vand.u32 $0x7, v9  }
0x90: {  	v9 =	vor.u32 v1, v9  }
0x91: {  	v10 =	vld [tilespmem:$0x1410]  }
0x92: {  	v11 =	vld [tilespmem:$0x1420]  }
0x93: {  	v27 =	vld [tilespmem:$0xF980]  }
0x94: {  	v28 =	vld [tilespmem:$0x10700]  }
0x95: {  	v25 =	vld.idx.msk [tilespmem:v9+s25+$0x0], $0xffff  }
0x96: {  	v26 =	vld.idx.msk [tilespmem:v9+s26+$0x0], $0xffff  }
0x97: {  	v9 =	vld [tilespmem:$0x1430]  }
0x98: {  	v31 =	vld [tilespmem:$0xF990];
	v10 =	vand.u32 $0x7, v10  }
0x99: {  	v32 =	vld [tilespmem:$0x10710];
	v10 =	vor.u32 v2, v10  }
0x9a: {  	v35 =	vld [tilespmem:$0xF9A0];
	v11 =	vand.u32 $0x7, v11  }
0x9b: {  	v36 =	vld [tilespmem:$0x10720];
	v11 =	vor.u32 v3, v11  }
0x9c: {  	v39 =	vld [tilespmem:$0xF9B0];
	v9 =	vand.u32 $0x7, v9  }
0x9d: {  	v40 =	vld [tilespmem:$0x10730];
	v9 =	vor.u32 v4, v9  }
0x9e: {  	s22 =	sshll.u32 s21, $0x1;
	p0 =	seq.s32 s21, $0x7F;
	v29 =	vld.idx.msk [tilespmem:v10+s25+$0x0], $0xffff  }
0x9f: {  	s7 =	sadd.s32 @!p0 s22, s14;
	v30 =	vld.idx.msk [tilespmem:v10+s26+$0x0], $0xffff  }
0xa0: {  	s7 =	smul.u32 @!p0 $0xD8, s7;
	v33 =	vld.idx.msk [tilespmem:v11+s25+$0x0], $0xffff  }
0xa1: {  	v34 =	vld.idx.msk [tilespmem:v11+s26+$0x0], $0xffff  }
0xa2: {  	s9 =	simm.s32 @!p0 $0x0;
	s8 =	sadd.s32 @!p0 s3, s7;
	v37 =	vld.idx.msk [tilespmem:v9+s25+$0x0], $0xffff  }
0xa3: {  	v38 =	vld.idx.msk [tilespmem:v9+s26+$0x0], $0xffff;
	[tilespmem:s9], [sflag:$0x2] =	stream.linear.gather @!p0 [hbm4b:s8+s9], $0x6C0, $0x38  }
0xa4: {  	s7 =	sadd.s32 @!p0 s4, s7;
	s8 =	simm.s32 @!p0 $0xD80  }
0xa5: {  	[tilespmem:s8], [sflag:$0x2] =	stream.linear.gather @!p0 [hbm4b:s7+s9], $0x6C0, $0x38;
	[tilespmem:$0x10F90] =	vst v63  }
0xa6: {  	s7 =	simm.s32 @!p0 $0x2  }
0xa7: {  	_ =	swait.ge @!p0 [sflag:s7], $0x6C0  }
0xa8: {  	[sflag:s7] =	ssyncset.done @!p0 $0x0  }
0xa9: {  	[sflag:s7] =	ssyncadd.s32 @!p0 $0xFFFFF940  }
0xaa: {  	_ =	swait.ge @!p0 [sflag:s7], $0x6C0  }
0xab: {  	[sflag:s7] =	ssyncset.done @!p0 $0x0  }
0xac: {  	s8 =	simm.s32 @!p0 $0x1B00;
	[sflag:s7] =	ssyncadd.s32 @!p0 $0xFFFFF940;
	s7 =	simm.s32 @!p0 $0x6C0  }
0xad: {  	[tilespmem:s8], [sflag:$0x1] =	stream.indirect.gather @!p0 [hbm4b:s5+s7], $0x8, s9, s7, $0xb8;
	[tilespmem:$0x10F90] =	vst v63  }
0xae: {  	s8 =	simm.s32 @!p0 $0x8700  }
0xaf: {  	[tilespmem:s8], [sflag:$0x1] =	stream.indirect.gather @!p0 [hbm4b:s6+s7], $0x8, s9, s7, $0xb8;
	[tilespmem:$0x10F90] =	vst v63  }
0xb0: {  	_ =	swait.ge [sflag:s31], $0x3600  }
0xb1: {  	[sflag:s31] =	ssyncset.done $0x0  }
0xb2: {  	[sflag:s31] =	ssyncadd.s32 $0xFFFFCA00  }
0xb3: {  	_ =	swait.ge [sflag:s31], $0x3600  }
0xb4: {  	[sflag:s31] =	ssyncset.done $0x0  }
0xb5: {  	s7 =	simm.s32 $0xFA30;
	[sflag:s31] =	ssyncadd.s32 $0xFFFFCA00  }
0xb6: {  	v10 =	vld [tilespmem:s7+$0x0]  }
0xb7: {  	s28 =	simm.s32 $0x107B0;
	v11 =	vld [tilespmem:s7+$0xFFFFFFF0]  }
0xb8: {  	v9 =	vld [tilespmem:s28+$0xFFFFFFF0]  }
0xb9: {  	v14 =	vld [tilespmem:s7+$0xFFFFFFE0]  }
0xba: {  	v22 =	vadd.f32 v13, v22;
	v13 =	vld [tilespmem:s28+$0xFFFFFFE0]  }
0xbb: {  	v23 =	vadd.f32 v24, v23;
	v12 =	vmul.f32 v12, v16;
	v24 =	vld [tilespmem:s7+$0xFFFFFFD0]  }
0xbc: {  	v8 =	vmul.f32 v8, v19;
	v16 =	vadd.f32 v21, v22;
	v21 =	vld [tilespmem:s28+$0xFFFFFFD0]  }
0xbd: {  	v6 =	vmul.f32 v6, v17;
	v12 =	vadd.f32 v12, v23;
	v17 =	vld [tilespmem:s7+$0xFFFFFFC0]  }
0xbe: {  	v7 =	vmul.f32 v7, v18;
	v8 =	vadd.f32 v8, v16;
	v18 =	vld [tilespmem:s28+$0xFFFFFFC0]  }
0xbf: {  	v6 =	vadd.f32 v6, v12;
	v12 =	vmul.f32 v20, v15;
	v15 =	vld [tilespmem:s7+$0xFFFFFFB0]  }
0xc0: {  	v7 =	vadd.f32 v7, v8;
	v8 =	vmul.f32 v27, v25;
	v16 =	vld [tilespmem:s28+$0xFFFFFFB0]  }
0xc1: {  	s18 =	simm.s32 $0x1480;
	v6 =	vadd.f32 v12, v6;
	v12 =	vmul.f32 v28, v26;
	v19 =	vld [tilespmem:s7+$0xFFFFFFA0]  }
0xc2: {  	v7 =	vadd.f32 v8, v7;
	v8 =	vmul.f32 v31, v29;
	v20 =	vld [tilespmem:s18+$0xFFFFFFC0]  }
0xc3: {  	s10 =	simm.s32 $0x10;
	v22 =	vmul.f32 v35, v33;
	v6 =	vadd.f32 v12, v6;
	v12 =	vld [tilespmem:s28+$0xFFFFFFA0]  }
0xc4: {  	v33 =	vmov s10;
	s10 =	simm.s32 $0x30;
	v7 =	vadd.f32 v8, v7;
	v8 =	vmul.f32 v32, v30;
	s9 =	simm.s32 $0x0;
	v23 =	vld [tilespmem:s18+$0xFFFFFFD0]  }
0xc5: {  	v35 =	vmul.f32 v36, v34;
	v44 =	vmov s10;
	v61 =	vmov s9;
	v62 =	vld [tilespmem:s18+$0x30]  }
0xc6: {  	s10 =	simm.s32 $0x60;
	v6 =	vadd.f32 v8, v6;
	v7 =	vadd.f32 v22, v7;
	v8 =	vshll.u32 v61, $0x3;
	v22 =	vld [tilespmem:s18+$0xFFFFFFE0]  }
0xc7: {  	v56 =	vmov s10;
	v8 =	vor.u32 v0, v8;
	v63 =	vld [tilespmem:s7+$0xFFFFFF90];
	v20 =	vand.u32 $0x7, v20  }
0xc8: {  	v57 =	vshll.u32 v56, $0x3;
	s9 =	simm.s32 $0x20;
	v36 =	vld [tilespmem:s18+$0xFFFFFFF0];
	v8 =	vor.u32 v8, v20;
	v20 =	vshll.u32 v33, $0x3  }
0xc9: {  	v42 =	vmov s9;
	v41 =	vld [tilespmem:s28+$0xFFFFFF90];
	v23 =	vand.u32 $0x7, v23;
	v20 =	vor.u32 v0, v20  }
0xca: {  	v6 =	vadd.f32 v35, v6;
	v43 =	vld [tilespmem:s18+$0x0];
	v20 =	vor.u32 v20, v23;
	v23 =	vshll.u32 v42, $0x3  }
0xcb: {  	v46 =	vmul.f32 v39, v37;
	v45 =	vld [tilespmem:s18+$0x20];
	v22 =	vand.u32 $0x7, v22;
	v23 =	vor.u32 v0, v23  }
0xcc: {  	v53 =	vmul.f32 v40, v38;
	s8 =	simm.s32 $0x40;
	v47 =	vld [tilespmem:s18+$0x10];
	v22 =	vor.u32 v23, v22;
	v23 =	vshll.u32 v44, $0x3  }
0xcd: {  	v49 =	vmov s8;
	v27 =	vand.u32 $0x7, v36;
	v48 =	vld.idx.msk [tilespmem:v8+s29+$0x0], $0xffff;
	v23 =	vor.u32 v0, v23  }
0xce: {  	v7 =	vadd.f32 v46, v7;
	v50 =	vshll.u32 v49, $0x3;
	s9 =	simm.s32 $0x50;
	v8 =	vld.idx.msk [tilespmem:v8+s30+$0x0], $0xffff;
	v23 =	vor.u32 v23, v27  }
0xcf: {  	v52 =	vmov s9;
	s7 =	simm.s32 $0x70;
	v28 =	vand.u32 $0x7, v43;
	v27 =	vor.u32 v0, v50;
	v51 =	vld.idx.msk [tilespmem:v20+s29+$0x0], $0xffff  }
0xd0: {  	v54 =	vshll.u32 v52, $0x3;
	v58 =	vmov s7;
	v20 =	vld.idx.msk [tilespmem:v20+s30+$0x0], $0xffff;
	v27 =	vor.u32 v27, v28  }
0xd1: {  	v35 =	vshll.u32 v58, $0x3;
	v30 =	vand.u32 $0x7, v47;
	v28 =	vor.u32 v0, v54;
	v55 =	vld.idx.msk [tilespmem:v22+s29+$0x0], $0xffff  }
0xd2: {  	v6 =	vadd.f32 v53, v6;
	v60 =	vor.u32 v0, v35;
	v28 =	vor.u32 v28, v30;
	v22 =	vld.idx.msk [tilespmem:v22+s30+$0x0], $0xffff  }
0xd3: {  	v31 =	vand.u32 $0x7, v45;
	v26 =	vand.u32 $0x7, v62;
	v30 =	vor.u32 v0, v57;
	v59 =	vld.idx.msk [tilespmem:v23+s29+$0x0], $0xffff  }
0xd4: {  	v30 =	vor.u32 v30, v31;
	v25 =	vmul.f32 v63, v48;
	v8 =	vmul.f32 v41, v8;
	v23 =	vld.idx.msk [tilespmem:v23+s30+$0x0], $0xffff  }
0xd5: {  	v26 =	vor.u32 v60, v26;
	v61 =	vld.idx.msk [tilespmem:v27+s29+$0x0], $0xffff;
	v19 =	vmul.f32 v19, v51  }
0xd6: {  	v7 =	vadd.f32 v25, v7;
	v62 =	vld.idx.msk [tilespmem:v27+s30+$0x0], $0xffff;
	v6 =	vadd.f32 v8, v6;
	v8 =	vmul.f32 v12, v20  }
0xd7: {  	v63 =	vld.idx.msk [tilespmem:v28+s29+$0x0], $0xffff;
	v15 =	vmul.f32 v15, v55  }
0xd8: {  	v12 =	vld.idx.msk [tilespmem:v28+s30+$0x0], $0xffff;
	v7 =	vadd.f32 v19, v7;
	v6 =	vadd.f32 v8, v6;
	v8 =	vmul.f32 v16, v22  }
0xd9: {  	v16 =	vld.idx.msk [tilespmem:v30+s29+$0x0], $0xffff;
	v19 =	vmul.f32 v17, v59  }
0xda: {  	v7 =	vadd.f32 v15, v7;
	v15 =	vld.idx.msk [tilespmem:v30+s30+$0x0], $0xffff;
	v6 =	vadd.f32 v8, v6;
	v20 =	vmul.f32 v18, v23  }
0xdb: {  	v8 =	vld.idx.msk [tilespmem:v26+s29+$0x0], $0xffff;
	v17 =	vmul.f32 v24, v61  }
0xdc: {  	v18 =	vadd.f32 v19, v7;
	v7 =	vld.idx.msk [tilespmem:v26+s30+$0x0], $0xffff;
	v19 =	vadd.f32 v20, v6;
	v20 =	vmul.f32 v21, v62  }
0xdd: {  	s8 =	simm.s32 $0x0;
	s9 =	simm.s32 $0xFAB0;
	v6 =	vmul.f32 v14, v63;
	v14 =	vld [tilespmem:s28+$0x0]  }
.LBB2_5:
0xde: {  	v21 =	vld [tilespmem:s9+$0x0];
	v17 =	vadd.f32 v17, v18;
	v18 =	vadd.f32 v20, v19;
	v12 =	vmul.f32 v13, v12  }
0xdf: {  	v16 =	vmul.f32 v11, v16;
	s28 =	sadd.s32 $0x80, s28;
	v11 =	vld [tilespmem:s9+$0xFFFFFFF0]  }
0xe0: {  	v15 =	vmul.f32 v9, v15;
	v17 =	vadd.f32 v6, v17;
	v12 =	vadd.f32 v12, v18;
	v9 =	vld [tilespmem:s28+$0xFFFFFFF0]  }
0xe1: {  	v18 =	vmul.f32 v10, v8;
	v6 =	vld [tilespmem:s9+$0xFFFFFFE0]  }
0xe2: {  	v13 =	vld [tilespmem:s28+$0xFFFFFFE0];
	v16 =	vadd.f32 v16, v17;
	v12 =	vadd.f32 v15, v12;
	v14 =	vmul.f32 v14, v7  }
0xe3: {  	v8 =	vld [tilespmem:s9+$0xFFFFFFD0];
	v10 =	vmov v21  }
0xe4: {  	v7 =	vld [tilespmem:s28+$0xFFFFFFD0];
	v15 =	vadd.f32 v18, v16;
	v12 =	vadd.f32 v14, v12  }
0xe5: {  	v14 =	vld [tilespmem:s9+$0xFFFFFFC0]  }
0xe6: {  	v17 =	vld [tilespmem:s28+$0xFFFFFFC0]  }
0xe7: {  	v16 =	vld [tilespmem:s9+$0xFFFFFFB0]  }
0xe8: {  	v18 =	vld [tilespmem:s28+$0xFFFFFFB0]  }
0xe9: {  	s18 =	sadd.s32 $0x80, s18;
	v19 =	vld [tilespmem:s9+$0xFFFFFFA0]  }
0xea: {  	v20 =	vld [tilespmem:s18+$0xFFFFFFC0]  }
0xeb: {  	s8 =	sadd.s32 $0x8, s8;
	s7 =	sadd.s32 $0x80, s7;
	v21 =	vld [tilespmem:s28+$0xFFFFFFA0]  }
0xec: {  	s10 =	sadd.s32 $0xFFFFFF90, s7;
	p1 =	slt.u32 s8, $0x60;
	v22 =	vld [tilespmem:s18+$0xFFFFFFD0]  }
0xed: {  	v23 =	vmov s10;
	v24 =	vld [tilespmem:s18+$0x30]  }
0xee: {  	s10 =	sadd.s32 $0xFFFFFFA0, s7;
	v23 =	vshll.u32 v23, $0x3;
	v25 =	vld [tilespmem:s18+$0xFFFFFFE0]  }
0xef: {  	v27 =	vmov s10;
	v23 =	vor.u32 v0, v23;
	v20 =	vand.u32 $0x7, v20;
	v26 =	vld [tilespmem:s9+$0xFFFFFF90]  }
0xf0: {  	s10 =	sadd.s32 $0xFFFFFFB0, s7;
	v20 =	vor.u32 v23, v20;
	v23 =	vshll.u32 v27, $0x3;
	v27 =	vld [tilespmem:s18+$0xFFFFFFF0]  }
0xf1: {  	v29 =	vmov s10;
	v28 =	vld [tilespmem:s28+$0xFFFFFF90];
	v22 =	vand.u32 $0x7, v22;
	v23 =	vor.u32 v0, v23  }
0xf2: {  	s10 =	sadd.s32 $0xFFFFFFC0, s7;
	v22 =	vor.u32 v23, v22;
	v23 =	vshll.u32 v29, $0x3;
	v29 =	vld [tilespmem:s18+$0x0]  }
0xf3: {  	v30 =	vmov s10;
	v25 =	vand.u32 $0x7, v25;
	v23 =	vor.u32 v0, v23;
	v31 =	vld [tilespmem:s18+$0x20]  }
0xf4: {  	s10 =	sadd.s32 $0xFFFFFFD0, s7;
	v23 =	vor.u32 v23, v25;
	v25 =	vshll.u32 v30, $0x3;
	v30 =	vld [tilespmem:s18+$0x10]  }
0xf5: {  	v33 =	vmov s10;
	v32 =	vld.idx.msk [tilespmem:v20+s29+$0x0], $0xffff;
	v27 =	vand.u32 $0x7, v27;
	v25 =	vor.u32 v0, v25  }
0xf6: {  	s10 =	sadd.s32 $0xFFFFFFE0, s7;
	v20 =	vld.idx.msk [tilespmem:v20+s30+$0x0], $0xffff;
	v25 =	vor.u32 v25, v27;
	v27 =	vshll.u32 v33, $0x3;
	v33 =	vmov s7  }
0xf7: {  	v35 =	vmov s10;
	v34 =	vld.idx.msk [tilespmem:v22+s29+$0x0], $0xffff;
	v29 =	vand.u32 $0x7, v29;
	v27 =	vor.u32 v0, v27  }
0xf8: {  	s10 =	sadd.s32 $0xFFFFFFF0, s7;
	v33 =	vshll.u32 v33, $0x3;
	v22 =	vld.idx.msk [tilespmem:v22+s30+$0x0], $0xffff;
	v27 =	vor.u32 v27, v29;
	v29 =	vshll.u32 v35, $0x3  }
0xf9: {  	v36 =	vmov s10;
	v35 =	vld.idx.msk [tilespmem:v23+s29+$0x0], $0xffff;
	v30 =	vand.u32 $0x7, v30;
	v29 =	vor.u32 v0, v29  }
0xfa: {  	v33 =	vor.u32 v0, v33;
	v23 =	vld.idx.msk [tilespmem:v23+s30+$0x0], $0xffff;
	v29 =	vor.u32 v29, v30;
	v30 =	vshll.u32 v36, $0x3  }
0xfb: {  	v24 =	vand.u32 $0x7, v24;
	v31 =	vand.u32 $0x7, v31;
	v36 =	vld.idx.msk [tilespmem:v25+s29+$0x0], $0xffff;
	v30 =	vor.u32 v0, v30  }
0xfc: {  	v26 =	vmul.f32 v26, v32;
	v20 =	vmul.f32 v28, v20;
	v25 =	vld.idx.msk [tilespmem:v25+s30+$0x0], $0xffff;
	v28 =	vor.u32 v30, v31  }
0xfd: {  	v24 =	vor.u32 v33, v24;
	v19 =	vmul.f32 v19, v34;
	v30 =	vld.idx.msk [tilespmem:v27+s29+$0x0], $0xffff  }
0xfe: {  	v15 =	vadd.f32 v26, v15;
	v12 =	vadd.f32 v20, v12;
	v20 =	vmul.f32 v21, v22;
	v21 =	vld.idx.msk [tilespmem:v27+s30+$0x0], $0xffff  }
0xff: {  	v22 =	vmul.f32 v16, v35;
	v26 =	vld.idx.msk [tilespmem:v29+s29+$0x0], $0xffff  }
0x100: {  	v15 =	vadd.f32 v19, v15;
	v19 =	vadd.f32 v20, v12;
	v18 =	vmul.f32 v18, v23;
	v12 =	vld.idx.msk [tilespmem:v29+s30+$0x0], $0xffff  }
.Ltmp1:
0x101: {  	v14 =	vmul.f32 v14, v36;
	v16 =	vld.idx.msk [tilespmem:v28+s29+$0x0], $0xffff;
	(pc) =	sbr.rel @p1 .LBB2_5-.Ltmp1, $4  }
0x102: {  	v20 =	vadd.f32 v22, v15;
	v19 =	vadd.f32 v18, v19;
	v22 =	vmul.f32 v17, v25;
	v15 =	vld.idx.msk [tilespmem:v28+s30+$0x0], $0xffff  }
0x103: {  	v17 =	vmul.f32 v8, v30;
	v8 =	vld.idx.msk [tilespmem:v24+s29+$0x0], $0xffff  }
0x104: {  	v18 =	vadd.f32 v14, v20;
	v19 =	vadd.f32 v22, v19;
	v20 =	vmul.f32 v7, v21;
	v7 =	vld.idx.msk [tilespmem:v24+s30+$0x0], $0xffff  }
0x105: {  	s9 =	sadd.s32 $0x80, s9;
	v6 =	vmul.f32 v6, v26;
	v14 =	vld [tilespmem:s28+$0x0]  }
0x106: {  	v21 =	vld [tilespmem:$0x1AC0]  }
0x107: {  	v22 =	vld [tilespmem:$0x1AD0]  }
0x108: {  	v23 =	vld [tilespmem:$0x1AE0]  }
0x109: {  	v25 =	vld [tilespmem:$0x1AF0]  }
0x10a: {  	v26 =	vld [tilespmem:$0x10040]  }
0x10b: {  	v27 =	vld [tilespmem:$0x10DC0]  }
0x10c: {  	v29 =	vld [tilespmem:$0x10050];
	v21 =	vand.u32 $0x7, v21  }
0x10d: {  	v46 =	vld [tilespmem:$0x10DD0];
	v21 =	vor.u32 v1, v21  }
0x10e: {  	v49 =	vld [tilespmem:$0x10060];
	v22 =	vand.u32 $0x7, v22  }
0x10f: {  	v50 =	vld [tilespmem:$0x10DE0];
	v22 =	vor.u32 v2, v22  }
0x110: {  	v55 =	vld [tilespmem:$0x10070];
	v23 =	vand.u32 $0x7, v23  }
0x111: {  	v17 =	vadd.f32 v17, v18;
	v57 =	vld [tilespmem:$0x10DF0];
	v23 =	vor.u32 v3, v23  }
0x112: {  	v19 =	vadd.f32 v20, v19;
	v12 =	vmul.f32 v13, v12;
	v25 =	vand.u32 $0x7, v25;
	v24 =	vld.idx.msk [tilespmem:v21+s29+$0x0], $0xffff  }
0x113: {  	v11 =	vmul.f32 v11, v16;
	v6 =	vadd.f32 v6, v17;
	v25 =	vor.u32 v4, v25;
	v21 =	vld.idx.msk [tilespmem:v21+s30+$0x0], $0xffff  }
0x114: {  	v9 =	vmul.f32 v9, v15;
	v12 =	vadd.f32 v12, v19;
	v28 =	vld.idx.msk [tilespmem:v22+s29+$0x0], $0xffff  }
0x115: {  	v8 =	vmul.f32 v10, v8;
	v6 =	vadd.f32 v11, v6;
	v22 =	vld.idx.msk [tilespmem:v22+s30+$0x0], $0xffff  }
0x116: {  	v9 =	vadd.f32 v9, v12;
	v7 =	vmul.f32 v14, v7;
	v47 =	vld.idx.msk [tilespmem:v23+s29+$0x0], $0xffff  }
0x117: {  	v6 =	vadd.f32 v8, v6;
	v48 =	vld.idx.msk [tilespmem:v23+s30+$0x0], $0xffff;
	v52 =	vmul.f32 v26, v24  }
0x118: {  	v7 =	vadd.f32 v7, v9;
	v51 =	vld.idx.msk [tilespmem:v25+s29+$0x0], $0xffff;
	v54 =	vmul.f32 v27, v21  }
0x119: {  	v53 =	vld.idx.msk [tilespmem:v25+s30+$0x0], $0xffff;
	v56 =	vmul.f32 v29, v28;
	v6 =	vadd.f32 v52, v6  }
0x11a: {  	v58 =	vmul.f32 v46, v22;
	v7 =	vadd.f32 v54, v7  }
0x11b: {  	v59 =	vmul.f32 v49, v47;
	v6 =	vadd.f32 v56, v6  }
0x11c: {  	v60 =	vmul.f32 v50, v48;
	v7 =	vadd.f32 v58, v7  }
0x11d: {  	v61 =	vmul.f32 v55, v51;
	v6 =	vadd.f32 v59, v6  }
0x11e: {  	v62 =	vmul.f32 v57, v53;
	v7 =	vadd.f32 v60, v7  }
0x11f: {  	v6 =	vadd.f32 v61, v6  }
0x120: {  	v7 =	vadd.f32 v62, v7  }
0x121: {  	(xrf2) =	vadd.scan.msk.f32 $0xffff, v6  }
0x122: {  	(xrf2) =	vadd.scan.msk.f32 $0xffff, v7;
	_ =	sdelay $0x1  }
0x123: {  	s7 =	sadd.s32 @!p0 s22, s15  }
0x124: {  	s7 =	smul.u32 @!p0 $0xD8, s7;
	_ =	sdelay $0x1  }
0x125: {  	s9 =	simm.s32 @!p0 $0x0;
	s10 =	simm.s32 @!p0 $0x6C0;
	s8 =	sadd.s32 @!p0 s3, s7  }
0x126: {  	[tilespmem:s10], [sflag:$0x2] =	stream.linear.gather @!p0 [hbm4b:s8+s9], $0x6C0, $0x38;
	[tilespmem:$0x10F90] =	vst v63  }
0x127: {  	s7 =	sadd.s32 @!p0 s4, s7;
	s8 =	simm.s32 @!p0 $0x1440  }
0x128: {  	[tilespmem:s8], [sflag:$0x2] =	stream.linear.gather @!p0 [hbm4b:s7+s9], $0x6C0, $0x38;
	[tilespmem:$0x10F90] =	vst v63  }
0x129: {  	v7 =	vmov s21;
	s21 =	sadd.s32 $0x1, s21;
	v6, _, _ =	vpop (xrf2)  }
0x12a: {  	p0 =	sne.s32 s21, $0x80;
	v6 =	vadd.f32 $0.0e+00, v6;
	v63, _, _ =	vpop (xrf2)  }
.Ltmp2:
0x12b: {  	v8 =	vadd.f32 $0.0e+00, v63;
	(pc) =	sbr.rel @p0 .LBB2_2-.Ltmp2, $4  }
0x12c: {  	v6 =	vbroadcast v6, $0xF  }
0x12d: {  	v8 =	vbroadcast v8, $0xF  }
0x12e: {  	[tilespmem:v7+s0+$0x0] =	vst.idx.msk $0x1, v6  }
0x12f: {  	[tilespmem:v7+s2+$0x0] =	vst.idx.msk $0x1, v8  }
0x130: {  	v6 =	vld [tilespmem:$0x10E10]  }
0x131: {  	v7 =	vld [tilespmem:$0x10E90];
	_ =	sdelay $0x3  }
0x132: {  	v8 =	vadd.f32 $3.000000000e+00, v6  }
0x133: {  	v10 =	vld [tilespmem:$0x10E00];
	v9 =	vadd.f32 $3.000000000e+00, v7  }
0x134: {  	v8 =	vmax.f32 v8, $0.0e+00  }
0x135: {  	v9 =	vmax.f32 v9, $0.0e+00;
	v8 =	vmin.f32 v8, $6.000000000e+00  }
0x136: {  	v9 =	vmin.f32 v9, $6.000000000e+00;
	v6 =	vmul.f32 v8, v6  }
0x137: {  	v7 =	vmul.f32 v9, v7  }
0x138: {  	v8 =	vbroadcast v10, $0x1;
	v6 =	vmul.f32 $1.666666720e-01, v6  }
0x139: {  	v9 =	vmul.f32 $1.666666720e-01, v7;
	v7 =	vbroadcast v10, $0x0  }
0x13a: {  	v11 =	vld [tilespmem:$0x10EA0]  }
0x13b: {  	v20 =	vld [tilespmem:$0x10E20];
	v6 =	vmul.f32 v6, v7;
	v9 =	vmul.f32 v9, v8;
	_ =	sdelay $0x1  }
0x13c: {  	v6 =	vadd.f32 v9, v6;
	_ =	sdelay $0x1  }
0x13d: {  	v13 =	vadd.f32 $3.000000000e+00, v11;
	v9 =	vand.u32 $0x7FFFFFFF, v6  }
0x13e: {  	v12 =	vadd.f32 $3.000000000e+00, v20;
	v9 =	vmul.f32 $-2.000000000e+00, v9  }
0x13f: {  	v13 =	vmax.f32 v13, $0.0e+00  }
0x140: {  	v12 =	vmax.f32 v12, $0.0e+00;
	v22 =	vmin.f32 v13, $6.000000000e+00;
	v9 =	vmul.f32 $1.442695020e+00, v9  }
0x141: {  	v21 =	vmin.f32 v12, $6.000000000e+00;
	v23 =	vmul.f32 v22, v11  }
0x142: {  	(erf) = vpow2.f32 v9;
	v9 =	vmul.f32 v21, v20;
	_ =	sdelay $0x1  }
0x143: {  	v10 =	vmul.f32 $1.666666720e-01, v23;
	v9 =	vmul.f32 $1.666666720e-01, v9  }
0x144: {  	v25 =	vld [tilespmem:$0x10EB0]  }
0x145: {  	v24 =	vld [tilespmem:$0x10E30];
	v10 =	vmul.f32 v10, v8;
	v9 =	vmul.f32 v9, v7;
	_ =	sdelay $0x1  }
0x146: {  	v9 =	vadd.f32 v10, v9;
	_ =	sdelay $0x1  }
0x147: {  	v16 =	vadd.f32 $3.000000000e+00, v25;
	v10 =	vand.u32 $0x7FFFFFFF, v9  }
0x148: {  	v15 =	vadd.f32 $3.000000000e+00, v24;
	v11 =	vpop (erf);
	v10 =	vmul.f32 $-2.000000000e+00, v10  }
0x149: {  	v27 =	vmax.f32 v16, $0.0e+00;
	v14 =	vadd.f32 $1.000000000e+00, v11  }
0x14a: {  	v26 =	vmax.f32 v15, $0.0e+00;
	v29 =	vmin.f32 v27, $6.000000000e+00;
	v10 =	vmul.f32 $1.442695020e+00, v10  }
0x14b: {  	v28 =	vmin.f32 v26, $6.000000000e+00;
	v30 =	vmul.f32 v29, v25;
	(erf) = vrcp.f32 v14  }
0x14c: {  	(erf) = vpow2.f32 v10;
	v10 =	vmul.f32 v28, v24;
	_ =	sdelay $0x1  }
0x14d: {  	v12 =	vmul.f32 $1.666666720e-01, v30;
	v10 =	vmul.f32 $1.666666720e-01, v10  }
0x14e: {  	v32 =	vld [tilespmem:$0x10EC0]  }
0x14f: {  	v31 =	vld [tilespmem:$0x10E40];
	v12 =	vmul.f32 v12, v8;
	v10 =	vmul.f32 v10, v7;
	_ =	sdelay $0x1  }
0x150: {  	v10 =	vadd.f32 v12, v10;
	_ =	sdelay $0x1  }
0x151: {  	v19 =	vadd.f32 $3.000000000e+00, v32;
	v12 =	vpop (erf);
	v33 =	vand.u32 $0x7FFFFFFF, v10  }
0x152: {  	v18 =	vadd.f32 $3.000000000e+00, v31;
	v13 =	vpop (erf);
	v16 =	vmul.f32 $-2.000000000e+00, v33  }
0x153: {  	v35 =	vmax.f32 v19, $0.0e+00;
	v17 =	vadd.f32 $1.000000000e+00, v13  }
0x154: {  	v34 =	vmax.f32 v18, $0.0e+00;
	v37 =	vmin.f32 v35, $6.000000000e+00;
	v16 =	vmul.f32 $1.442695020e+00, v16  }
0x155: {  	v36 =	vmin.f32 v34, $6.000000000e+00;
	v15 =	vmul.f32 v37, v32;
	(erf) = vrcp.f32 v17  }
0x156: {  	v14 =	vmul.f32 v36, v31;
	(erf) = vpow2.f32 v16;
	_ =	sdelay $0x1  }
0x157: {  	v15 =	vmul.f32 $1.666666720e-01, v15;
	v14 =	vmul.f32 $1.666666720e-01, v14  }
0x158: {  	v39 =	vld [tilespmem:$0x10ED0]  }
0x159: {  	v38 =	vld [tilespmem:$0x10E50];
	v15 =	vmul.f32 v15, v8;
	v14 =	vmul.f32 v14, v7;
	_ =	sdelay $0x1  }
0x15a: {  	v14 =	vadd.f32 v15, v14;
	_ =	sdelay $0x1  }
0x15b: {  	v22 =	vadd.f32 $3.000000000e+00, v39;
	v40 =	vand.u32 $0x7FFFFFFF, v14;
	v15 =	vpop (erf)  }
0x15c: {  	v21 =	vadd.f32 $3.000000000e+00, v38;
	v19 =	vmul.f32 $-2.000000000e+00, v40;
	v18 =	vpop (erf)  }
0x15d: {  	v42 =	vmax.f32 v22, $0.0e+00;
	v20 =	vadd.f32 $1.000000000e+00, v18  }
0x15e: {  	v44 =	vmin.f32 v42, $6.000000000e+00;
	v41 =	vmax.f32 v21, $0.0e+00;
	v19 =	vmul.f32 $1.442695020e+00, v19  }
0x15f: {  	v43 =	vmin.f32 v41, $6.000000000e+00;
	v17 =	vmul.f32 v44, v39;
	(erf) = vrcp.f32 v20  }
0x160: {  	v16 =	vmul.f32 v43, v38;
	(erf) = vpow2.f32 v19;
	_ =	sdelay $0x1  }
0x161: {  	v17 =	vmul.f32 $1.666666720e-01, v17;
	v16 =	vmul.f32 $1.666666720e-01, v16  }
0x162: {  	v46 =	vld [tilespmem:$0x10EE0]  }
0x163: {  	v45 =	vld [tilespmem:$0x10E60];
	v17 =	vmul.f32 v17, v8;
	v16 =	vmul.f32 v16, v7;
	_ =	sdelay $0x1  }
0x164: {  	v16 =	vadd.f32 v17, v16;
	_ =	sdelay $0x1  }
0x165: {  	v25 =	vadd.f32 $3.000000000e+00, v46;
	v47 =	vand.u32 $0x7FFFFFFF, v16;
	v17 =	vpop (erf)  }
0x166: {  	v24 =	vadd.f32 $3.000000000e+00, v45;
	v22 =	vmul.f32 $-2.000000000e+00, v47;
	v21 =	vpop (erf)  }
0x167: {  	v49 =	vmax.f32 v25, $0.0e+00;
	v23 =	vadd.f32 $1.000000000e+00, v21  }
0x168: {  	v51 =	vmin.f32 v49, $6.000000000e+00;
	v48 =	vmax.f32 v24, $0.0e+00;
	v22 =	vmul.f32 $1.442695020e+00, v22  }
0x169: {  	v50 =	vmin.f32 v48, $6.000000000e+00;
	v20 =	vmul.f32 v51, v46;
	(erf) = vrcp.f32 v23  }
0x16a: {  	v19 =	vmul.f32 v50, v45;
	(erf) = vpow2.f32 v22;
	_ =	sdelay $0x1  }
0x16b: {  	v20 =	vmul.f32 $1.666666720e-01, v20;
	v19 =	vmul.f32 $1.666666720e-01, v19  }
0x16c: {  	v53 =	vld [tilespmem:$0x10EF0]  }
0x16d: {  	v52 =	vld [tilespmem:$0x10E70];
	v20 =	vmul.f32 v20, v8;
	v19 =	vmul.f32 v19, v7;
	_ =	sdelay $0x1  }
0x16e: {  	v19 =	vadd.f32 v20, v19;
	_ =	sdelay $0x1  }
0x16f: {  	v28 =	vadd.f32 $3.000000000e+00, v53;
	v55 =	vand.u32 $0x7FFFFFFF, v19;
	v54 =	vpop (erf)  }
0x170: {  	v27 =	vadd.f32 $3.000000000e+00, v52;
	v25 =	vmul.f32 $-2.000000000e+00, v55;
	v24 =	vpop (erf)  }
0x171: {  	v57 =	vmax.f32 v28, $0.0e+00;
	v26 =	vadd.f32 $1.000000000e+00, v24  }
0x172: {  	v56 =	vmax.f32 v27, $0.0e+00;
	v59 =	vmin.f32 v57, $6.000000000e+00;
	v25 =	vmul.f32 $1.442695020e+00, v25  }
0x173: {  	v58 =	vmin.f32 v56, $6.000000000e+00;
	v23 =	vmul.f32 v59, v53;
	(erf) = vrcp.f32 v26  }
0x174: {  	v22 =	vmul.f32 v58, v52;
	(erf) = vpow2.f32 v25;
	_ =	sdelay $0x1  }
0x175: {  	v23 =	vmul.f32 $1.666666720e-01, v23;
	v22 =	vmul.f32 $1.666666720e-01, v22  }
0x176: {  	v61 =	vld [tilespmem:$0x10F00]  }
0x177: {  	v60 =	vld [tilespmem:$0x10E80];
	v23 =	vmul.f32 v23, v8;
	v22 =	vmul.f32 v22, v7;
	_ =	sdelay $0x1  }
0x178: {  	v22 =	vadd.f32 v23, v22;
	_ =	sdelay $0x1  }
0x179: {  	v31 =	vadd.f32 $3.000000000e+00, v61;
	v33 =	vand.u32 $0x7FFFFFFF, v22;
	v62 =	vpop (erf)  }
0x17a: {  	v30 =	vadd.f32 $3.000000000e+00, v60;
	v28 =	vmul.f32 $-2.000000000e+00, v33;
	v63 =	vpop (erf)  }
0x17b: {  	v35 =	vmax.f32 v31, $0.0e+00;
	v29 =	vadd.f32 $1.000000000e+00, v63  }
0x17c: {  	v34 =	vmax.f32 v30, $0.0e+00;
	v37 =	vmin.f32 v35, $6.000000000e+00;
	v28 =	vmul.f32 $1.442695020e+00, v28  }
0x17d: {  	v36 =	vmin.f32 v34, $6.000000000e+00;
	v26 =	vmul.f32 v37, v61;
	(erf) = vrcp.f32 v29  }
0x17e: {  	v25 =	vmul.f32 v36, v60;
	(erf) = vpow2.f32 v28;
	_ =	sdelay $0x1  }
0x17f: {  	v26 =	vmul.f32 $1.666666720e-01, v26;
	v25 =	vmul.f32 $1.666666720e-01, v25;
	_ =	sdelay $0x1  }
0x180: {  	v8 =	vmul.f32 v26, v8;
	v7 =	vmul.f32 v25, v7;
	_ =	sdelay $0x1  }
0x181: {  	v7 =	vadd.f32 v8, v7  }
0x182: {  	vm0 =	vlt.f32 v6, $0.0e+00;
	vm1 =	vgt.f32 v6, $0.0e+00  }
0x183: {  	vm0 =	vmor vm1, vm0;
	v40 =	vand.u32 $0x7FFFFFFF, v7;
	v39 =	vpop (erf)  }
0x184: {  	v42 =	vand.u32 $0x80000000, v9;
	vm15 =	vlt.f32 v9, $0.0e+00;
	v26 =	vmul.f32 $-2.000000000e+00, v40;
	v41 =	vpop (erf)  }
0x185: {  	vm4 =	vgt.f32 v9, $0.0e+00;
	v11 =	vsub.f32 $1.000000000e+00, v11;
	v43 =	vadd.f32 $1.000000000e+00, v41  }
0x186: {  	vm7 =	vlt.f32 v14, $0.0e+00;
	vm2 =	vgt.f32 v14, $0.0e+00;
	v26 =	vmul.f32 $1.442695020e+00, v26  }
0x187: {  	vm5 =	vlt.f32 v10, $0.0e+00;
	vm6 =	vgt.f32 v10, $0.0e+00;
	(erf) = vrcp.f32 v43  }
0x188: {  	vm1 =	vmor vm2, vm7;
	v44 =	vsub.f32 $1.000000000e+00, v13;
	(erf) = vpow2.f32 v26  }
0x189: {  	v38 =	vand.u32 $0x80000000, v6;
	vm8 =	vlt.f32 v16, $0.0e+00;
	vm9 =	vgt.f32 v16, $0.0e+00  }
0x18a: {  	v47 =	vand.u32 $0x80000000, v14;
	v45 =	vand.u32 $0x80000000, v10;
	v8 =	vor.u32 v38, v5  }
0x18b: {  	v48 =	vsub.f32 $1.000000000e+00, v18;
	v46 =	vor.u32 v45, v5;
	v6 =	vsel vm0, v8, v6  }
0x18c: {  	vm10 =	vlt.f32 v19, $0.0e+00;
	v55 =	vand.u32 $0x80000000, v19;
	v6 =	vmul.f32 v11, v6  }
0x18d: {  	vm11 =	vgt.f32 v19, $0.0e+00;
	v49 =	vsub.f32 $1.000000000e+00, v21;
	v56 =	vor.u32 v55, v5  }
0x18e: {  	v52 =	vand.u32 $0x80000000, v16;
	v6 =	vmul.f32 v12, v6;
	v12 =	vor.u32 v47, v5  }
0x18f: {  	v13 =	vor.u32 v52, v5;
	v59 =	vand.u32 $0x80000000, v22;
	v50 =	vsel vm1, v12, v14  }
0x190: {  	vm12 =	vlt.f32 v22, $0.0e+00;
	vm13 =	vgt.f32 v22, $0.0e+00;
	v11 =	vmul.f32 v49, v50;
	v51 =	vpop (erf)  }
0x191: {  	v57 =	vsub.f32 $1.000000000e+00, v24;
	v60 =	vor.u32 v59, v5;
	vm0 =	vmor vm4, vm15;
	v53 =	vpop (erf)  }
0x192: {  	vm14 =	vlt.f32 v7, $0.0e+00;
	v11 =	vmul.f32 v54, v11;
	v54 =	vadd.f32 $1.000000000e+00, v53  }
0x193: {  	vm15 =	vgt.f32 v7, $0.0e+00;
	v58 =	vsub.f32 $1.000000000e+00, v63;
	v28 =	vor.u32 v42, v5  }
0x194: {  	v9 =	vsel vm0, v28, v9;
	vm0 =	vmor vm6, vm5;
	(erf) = vrcp.f32 v54  }
0x195: {  	[tilespmem:$0x10F10] =	vst v6;
	v6 =	vand.u32 $0x80000000, v7;
	v9 =	vmul.f32 v44, v9;
	v10 =	vsel vm0, v46, v10  }
0x196: {  	v6 =	vor.u32 v6, v5;
	vm0 =	vmor vm9, vm8;
	v10 =	vmul.f32 v48, v10  }
0x197: {  	v13 =	vsel vm0, v13, v16;
	vm0 =	vmor vm11, vm10;
	v9 =	vmul.f32 v15, v9  }
0x198: {  	v15 =	vsel vm0, v56, v19;
	v13 =	vmul.f32 v57, v13;
	vm0 =	vmor vm13, vm12  }
0x199: {  	v10 =	vmul.f32 v17, v10;
	v15 =	vmul.f32 v58, v15;
	v8 =	vsub.f32 $1.000000000e+00, v41  }
0x19a: {  	[tilespmem:$0x10F40] =	vst v11;
	v16 =	vsel vm0, v60, v22;
	vm0 =	vmor vm15, vm14;
	v61 =	vsub.f32 $1.000000000e+00, v53  }
0x19b: {  	[tilespmem:$0x10F20] =	vst v9;
	v62 =	vmul.f32 v62, v13;
	v6 =	vsel vm0, v6, v7;
	v8 =	vmul.f32 v8, v16  }
0x19c: {  	[tilespmem:$0x10F30] =	vst v10;
	v7 =	vmul.f32 v39, v15;
	v6 =	vmul.f32 v61, v6  }
0x19d: {  	[tilespmem:$0x10F50] =	vst v62;
	v8 =	vmul.f32 v51, v8;
	v63 =	vpop (erf)  }
0x19e: {  	s20 =	sadd.s32 $0x1, s20;
	[tilespmem:$0x10F60] =	vst v7;
	v6 =	vmul.f32 v63, v6  }
0x19f: {  	p0 =	sne.s32 s20, s17;
	[tilespmem:$0x10F70] =	vst v8  }
.Ltmp3:
0x1a0: {  	s7 =	simm.s32 $0x10F10;
	[tilespmem:$0x10F80] =	vst v6;
	(pc) =	sbr.rel @p0 .LBB2_1-.Ltmp3, $4  }
0x1a1: {  	[hbm4b:s16+s1] =	stream.linear.scatter [tilespmem:s7], [sflag:$0x3], $0x80, $0x38;
	[tilespmem:$0x10F90] =	vst v63  }
0x1a2: {  	_ =	swait.ge [sflag:s19], $0x80  }
0x1a3: {  	[sflag:s19] =	ssyncset.done $0x0  }
0x1a4: {  	[sflag:s19] =	ssyncadd.s32 $0xFFFFFF80  }
0x1a5: {  	_ =	sfence.sel $0x180000  }
0x1a6: {  	[bflag:$0x0] =	sbarrier.arrive $0xFFFF  }
0x1a7: {  	_ =	strace $0x9000004D  }
0x1a8: {  	s0 =	stileid.u32;
	[bflag:$0x2] =	sbarrier.arrive $0xFFFF  }
0x1a9: {  	p0 =	sne.s32 s0, $0x0;
	s0 =	rddreg [dreg:$0x2]  }
0x1aa: {  	s0 =	sadd.s32 @!p0 $0x100000, s0  }
0x1ab: {  	[sflag:s0] =	ssyncadd.tile.s32 @!p0 $0x1;
	_ =	shalt  }
.Lfunc_end2:
_tile_overlayer_lowered:
.L_overlay_start_2:
0x1ac: {  	(tag) =	ssettag $0x2  }
0x1ad: {  	s0 =	rddreg [dreg:$0x0];
	s2 =	stileid.u32  }
0x1ae: {  	s1 =	rddreg [dreg:$0x1];
	p0 =	sne.s32 s2, $0x0  }
0x1af: {  	s3 =	rddreg [dreg:$0x2];
	[bflag:$0x3] =	sbarrier.arrive $0xFFFF;
	s2 =	simm.s32 @!p0 $0x1C03  }
0x1b0: {  	[timem:s3], [sflag:s2] =	dma.local @!p0 [hbm:s0], s1  }
0x1b1: {  	s0 =	simm.s32 @!p0 $0x3  }
0x1b2: {  	_ =	swait.ge @!p0 [sflag:s0], s1  }
0x1b3: {  	s1 =	ssub.s32 @!p0 $0x0, s1;
	[sflag:s0] =	ssyncset.done @!p0 $0x0  }
0x1b4: {  	[sflag:s0] =	ssyncadd.s32 @!p0 s1  }
0x1b5: {  	[bflag:$0x3] =	sbarrier.arrive $0xFFFF  }
0x1b6: {  	_ =	shalt  }

// kernel: sparse-core-data-format-call.1.cloned.1.call-start
scs
called_computation.1_lowered:
.L_overlay_start_0:
0x0: {  	s2 =	sld [smem:$0x3FD9]  }
0x1: {  	s3 =	sld [smem:$0x3FFE];
	_ =	sdelay $0x1  }
0x2: {  	s1 =	srdreg.scid  }
0x3: {  	s0 =	sand.u32 $0x1, s1  }
0x4: {  	s18 =	sshll.u32 s0, $0xA;
	s2 =	sadd.s32 s3, s2  }
0x5: {  	s2 =	sadd.s32 s2, s18  }
0x6: {  	[smem:$0x3FC4] =	sst s2  }
0x7: {  	_ = 	snop  }
0x8: {  	(tm) =	ssettm $0x1  }
0x9: {  	s19 =	sld [smem:$0x3FFB];
	_ =	sdelay $0x3  }
0xa: {  	_ =	strace s19  }
0xb: {  	s2 =	sld [smem:$0x3FFC];
	_ =	sdelay $0x3  }
0xc: {  	_ =	strace s2  }
0xd: {  	s2 =	sld [smem:$0x3FFD];
	_ =	sdelay $0x3  }
0xe: {  	_ =	strace s2  }
0xf: {  	_ =	strace $0x8FFFFFFF  }
0x10: {  	s20 =	sld [smem:$0x3FDB];
	_ =	sdelay $0x1  }
0x11: {  	s21 =	simm.s32 $_scs_section_size  }
0x12: {  	s4 =	simm.s32 $_size__tile_overlayer_lowered;
	s5 =	simm.s32 $_tile_overlayer_lowered  }
0x13: {  	s6 =	simm.s32 $0x1BFF;
	s22 =	sshll.u32 s5, $0x1;
	s3 =	sadd.s32 s21, s20  }
0x14: {  	s23 =	simm.s32 $0x0;
	s4 =	sshll.u32 s4, $0x1;
	s5 =	sadd.s32 s22, s3  }
0x15: {  	[timem:s23], [sflag:s6] =	dma.local [hbm:s5], s4  }
0x16: {  	_ =	swait.ge [sflag:s6], s4  }
0x17: {  	s4 =	ssub.s32 $0x0, s4;
	[sflag:s6] =	ssyncset.done $0x0  }
0x18: {  	[sflag:s6] =	ssyncadd.s32 s4;
	_ =	sdelay $0x1  }
0x19: {  	s24 =	simm.s32 $0x1B8B  }
0x1a: {  	_ =	swait.ge [sflag:s24], $0x1  }
0x1b: {  	[sflag:s24] =	ssyncset.done $0x0  }
0x1c: {  	[sflag:s24] =	ssyncadd.s32 $0xFFFFFFFF  }
0x1d: {  	s4 =	sld [smem:$0x0]  }
0x1e: {  	s5 =	sand.u32 $0xFFFFFFFE, s1  }
0x1f: {  	p0 =	sne.s32 s1, s5  }
0x20: {  	s5 =	sshll.u32 @p0 s5, $0xE  }
0x21: {  	s5 =	sadd.s32 @p0 $0x11B8D, s5;
	s6 =	sshll.u32 @p0 s4, $0x11  }
0x22: {  	s5 =	sor.u32 @p0 s6, s5  }
0x23: {  	[sflag:s5] =	ssyncadd.remote.s32 @p0 $0x1;
	_ =	sdelay $0x1  }
0x24: {  	s5 =	simm.s32 @p0 $0x1B8D  }
0x25: {  	_ =	swait.eq @p0 [sflag:s5], $0x1  }
0x26: {  	[sflag:s5] =	ssyncadd.s32 @p0 $0xFFFFFFFF  }
0x27: {  	s6 =	sshll.u32 @!p0 s1, $0xE  }
0x28: {  	s6 =	sor.u32 @!p0 $0x4000, s6;
	s5 =	simm.s32 @!p0 $0x1B8D  }
0x29: {  	s4 =	sshll.u32 @!p0 s4, $0x11;
	s6 =	sadd.s32 @!p0 $0x11B8D, s6;
	_ =	swait.eq @!p0 [sflag:s5], $0x1  }
0x2a: {  	s4 =	sor.u32 @!p0 s4, s6;
	[sflag:s5] =	ssyncadd.s32 @!p0 $0xFFFFFFFF  }
0x2b: {  	s26 =	simm.s32 $0x1B8E;
	s25 =	sld [smem:$0x3FFE];
	[sflag:s4] =	ssyncadd.remote.s32 @!p0 $0x1  }
0x2c: {  	s27 =	simm.s32 $execute0_lowered;
	[smem:$0x3FD2] =	sst s26  }
0x2d: {  	s5 =	sshll.u32 s27, $0x1;
	_ =	strace $0x80000049;
	[dreg:$0x1] =	wrdreg $0xFFFFFFFF  }
0x2e: {  	s28 =	simm.s32 $_size_execute0_lowered;
	s3 =	sadd.s32 s3, s5;
	[dreg:$0x0] =	wrdreg $0x0  }
0x2f: {  	s5 =	sshll.u32 s28, $0x1;
	[dreg:$0x2] =	wrdreg s3  }
0x30: {  	[dreg:$0x3] =	wrdreg s5  }
0x31: {  	[dreg:$0x4] =	wrdreg $0xC0  }
0x32: {  	_ =	task [dreg:s23], $0x5FFFF  }
0x33: {  	[dreg:$0x1] =	wrdreg $0xFFFFFFFF  }
0x34: {  	[dreg:$0x0] =	wrdreg $0x60  }
0x35: {  	[dreg:$0x2] =	wrdreg s25  }
0x36: {  	[dreg:$0x3] =	wrdreg $0xA  }
0x37: {  	_ =	task.clear_ibuf [dreg:s23], $0x4FFFF;
	_ =	strace $0x90000049  }
0x38: {  	s29 =	simm.s32 $0xA;
	_ =	strace $0x8000004B  }
0x39: {  	_ =	swait.ge [sflag:s29], $0x1  }
0x3a: {  	[sflag:s29] =	ssyncadd.s32 $0xFFFFFFFF  }
0x3b: {  	_ =	strace $0x9000004B  }
0x3c: {  	_ =	sfence  }
0x3d: {  	s30 =	sld [smem:$0x0];
	_ =	sdelay $0x2  }
0x3e: {  	s31 =	sshll.u32 s1, $0xD;
	s1 =	sshrl.u32 s1, $0x2  }
0x3f: {  	s4 =	sand.u32 $0x4000, s31;
	s1 =	sadd.s32 s1, s30  }
0x40: {  	s0 =	sor.u32 s4, s0;
	s1 =	sshll.u32 s1, $0x11  }
0x41: {  	s0 =	sor.u32 s1, s0  }
0x42: {  	s0 =	sadd.s32 $0x8F2B, s0  }
0x43: {  	[sflag:s0] =	ssyncadd.remote.s32 $0x1  }
0x44: {  	_ =	sfence.sel $0xFFFF  }
0x45: {  	[dreg:$0x0] =	wrdreg $0xFFFFFFFF;
	(pc) =	sbr.abs _section_cstart, $3  }
0x46: {  	[dreg:$0x1] =	wrdreg $0xFFFFFFFF  }
0x47: {  	_ =	task.clear_ibuf [dreg:s23], $0x2FFFF;
	_ =	strace $0x9FFFFFFF  }
0x48: {  	(tm) =	ssettm $0x7FFFFFFF  }
0x49: {  	_ =	shalt  }
tec
execute0_lowered:
.L_overlay_start_1:
0x0: {  	(tag) =	ssettag $0x1  }
0x1: {  	s0 =	srdreg.scid  }
0x2: {  	s1 =	sshll.u32 s0, $0x4  }
0x3: {  	s0 =	stileid.u32;
	s1 =	sand.u32 $0x10, s1  }
0x4: {  	s4 =	rddreg [dreg:$0x0];
	s7 =	sor.u32 s0, s1  }
0x5: {  	s5 =	simm.s32 $0x1;
	s8 =	simm.s32 $0x2;
	s2 =	sshll.u32 s7, $0x7  }
0x6: {  	s14 =	simm.s32 $0x0;
	s10 =	simm.s32 $0x6C00;
	s3 =	ssub.s32 $0x1000, s2  }
0x7: {  	s13 =	simm.s32 $0x0;
	s11 =	simm.s32 $0x0;
	s31 =	sand.u32 $0xF80, s3  }
0x8: {  	s12 =	simm.s32 $0x0;
	s1 =	rddreg [dreg:$0x1];
	p0 =	sne.s32 s31, $0x0  }
.Ltmp0:
0x9: {  	s6 =	sshrl.u32 s3, $0xC;
	s5 =	simm.s32 @!p0 $0x0;
	(pc) =	sbr.rel .LBB1_1-.Ltmp0, $4  }
0xa: {  	_ =	strace $0x8000004A;
	s7 =	sshll.u32 s7, $0xA;
	s6 =	sadd.s32 s5, s6  }
0xb: {  	s3 =	sadd.s32 $0x1B0800, s4;
	s5 =	simm.s32 $0x1;
	s6 =	smul.u32 $0x1B, s6  }
0xc: {  	s4 =	sadd.s32 $0x360800, s4;
	p0 =	por $0x0, $0x0;
	[sflag:s5] =	ssyncpa.u1 $0x0  }
0xd: {  	[sflag:s8] =	ssyncpa.u1 $0x0;
	s8 =	sand.u32 $0xC00, s7;
	s9 =	sadd.s32 $0x1, s6  }
.LBB1_4:
0xe: {  	s14 =	sshrl.u32 s14, $0x3  }
0xf: {  	v5 =	vld [tilespmem:s18+$0xFFFFFFD0];
	[tilespmem:s17+$0x2040 ss:$0x81] =	vst.msk $0xffff, v4;
	s20 =	sshll.u32 s13, $0x3;
	s14 =	smul.u32 $0x6C00, s14  }
0x10: {  	v58 =	vld [tilespmem:s18+$0xFFFFFFE0];
	[tilespmem:s17+$0x2850 ss:$0x81] =	vst.msk $0xffff, v3;
	s20 =	sand.u32 $0xFFFFFC00, s20  }
0x11: {  	s19 =	sshra.s32 s19, $0x2;
	v59 =	vld [tilespmem:s18+$0xFFFFFFF0];
	[tilespmem:s17+$0x3060 ss:$0x81] =	vst.msk $0xffff, v2;
	s14 =	sadd.s32 s20, s14  }
0x12: {  	v60 =	vld [tilespmem:s18+$0x0];
	[tilespmem:s17+$0x0 ss:$0x81] =	vst.msk $0xffff, v0;
	s16 =	sadd.s32 s19, s16;
	s27 =	sshrl.u32 s14, $0x7  }
0x13: {  	v61 =	vld [tilespmem:s18+$0x10];
	[tilespmem:s16+$0x3870 ss:$0x81] =	vst.msk $0xffff, v1;
	s17 =	smulhi.u32 $0x97B425F, s27  }
0x14: {  	v62 =	vld [tilespmem:s18+$0x20];
	[tilespmem:s16+$0x810 ss:$0x81] =	vst.msk $0xffff, v5  }
0x15: {  	v63 =	vld [tilespmem:s18+$0xFFFFFFC0];
	s28 =	sand.u32 $0x7F, s13;
	[tilespmem:s16+$0x1020 ss:$0x81] =	vst.msk $0xffff, v58;
	s29 =	smul.u32 $0xD80, s17  }
0x16: {  	s13 =	sor.u32 s28, s14;
	[tilespmem:s16+$0x1830 ss:$0x81] =	vst.msk $0xffff, v59  }
0x17: {  	[tilespmem:s16+$0x2040 ss:$0x81] =	vst.msk $0xffff, v60;
	s30 =	sand.u32 $0xFFF, s17;
	s13 =	ssub.s32 s13, s29  }
0x18: {  	[tilespmem:s16+$0x2850 ss:$0x81] =	vst.msk $0xffff, v61;
	s14 =	smul.u32 $0x1B0, s30;
	s31 =	sshrl.u32 s13, $0x3;
	s13 =	sand.u32 $0x7, s13  }
0x19: {  	[tilespmem:s16+$0x3060 ss:$0x81] =	vst.msk $0xffff, v62;
	s17 =	sadd.s32 s4, s31;
	s13 =	sshll.u32 s13, $0x12  }
0x1a: {  	[tilespmem:s16+$0x0 ss:$0x81] =	vst.msk $0xffff, v63;
	s14 =	sadd.s32 s14, s17;
	s13 =	sor.u32 $0x400, s13  }
0x1b: {  	[hbm4b:s14+s13] =	stream.strided.scatter [tilespmem:s15], [sflag:$0x2], $0x4000, s10, s13, $0x20;
	[tilespmem:$0x10100] =	vst v63  }
.LBB1_5:
0x1c: {  	s15 =	sadd.s32 $0x80, s11  }
0x1d: {  	p2 =	sgt.s32 s15, $0xD7F  }
0x1e: {  	s15 =	simm.s32 @p2 $0x0;
	p2 =	sne.s32 s12, s9  }
.Ltmp1:
0x1f: {  	p1 =	slt.u32 s12, $0x2;
	(pc) =	sbr.rel @!p2 .LBB1_6-.Ltmp1, $4  }
0x20: {  	s14 =	simm.s32 @!p1 $0x2  }
0x21: {  	s16 =	sadd.s32 $0x1, s12;
	s13 =	smov.u32 s11;
	_ =	swait.ge @!p1 [sflag:s14], $0x4000  }
0x22: {  	p0 =	por !p0, !p0;
	s12 =	smov.u32 s16;
	[sflag:s14] =	ssyncset.done @!p1 $0x0  }
0x23: {  	s11 =	smov.u32 s15;
	[sflag:s14] =	ssyncadd.s32 @!p1 $0xFFFFC000;
	s14 =	smov.u32 s2  }
.LBB1_1:
0x24: {  	p1 =	sge.u32 s12, s6  }
0x25: {  	s15 =	sshll.u32 @!p1 s11, $0xC  }
0x26: {  	s15 =	sand.u32 @!p1 $0xFFFF8000, s15  }
0x27: {  	s15 =	sor.u32 @!p1 s7, s15  }
0x28: {  	s15 =	sshrl.u32 @!p1 s15, $0xC  }
0x29: {  	s16 =	smulhi.u32 @!p1 $0x12F685, s15  }
0x2a: {  	s17 =	sshll.u32 @!p1 s11, $0x7  }
0x2b: {  	s17 =	sand.u32 @!p1 $0x380, s17;
	s16 =	smul.u32 @!p1 $0xD80, s16  }
0x2c: {  	s31 =	sadd.s32 $0xFFFFFFFF, s12;
	s18 =	sxor.u32 @!p1 $0xFFFFFFFF, s12;
	s17 =	sor.u32 @!p1 s8, s17  }
0x2d: {  	s18 =	sshll.u32 @!p1 s18, $0xE;
	s15 =	ssub.s32 @!p1 s15, s16;
	s16 =	sshrl.u32 @!p1 s17, $0x3  }
0x2e: {  	s17 =	sand.u32 @!p1 $0x4000, s18;
	s15 =	sshll.u32 @!p1 s15, $0x9;
	s16 =	sadd.s32 @!p1 s3, s16  }
0x2f: {  	s18 =	simm.s32 @!p1 $0x8000;
	s15 =	sadd.s32 @!p1 s15, s16;
	s16 =	simm.s32 @!p1 $0x400  }
0x30: {  	[tilespmem:s17], [sflag:$0x1] =	stream.strided.gather @!p1 [hbm4b:s15+s16], $0x4000, s18, s16, $0x38;
	[tilespmem:$0x10100] =	vst v63  }
0x31: {  	p1 =	sge.u32 s31, s6  }
.Ltmp2:
0x32: {  	_ = 	snop;
	(pc) =	sbr.rel @p1 .LBB1_5-.Ltmp2, $1  }
0x33: {  	_ =	sdelay $0x3  }
0x34: {  	s15 =	simm.s32 $0x1  }
0x35: {  	_ =	swait.ge [sflag:s5], $0x4000;
	s15 =	simm.s32 @!p0 $0x0  }
0x36: {  	[sflag:s5] =	ssyncset.done $0x0;
	s16 =	sshll.u32 s15, $0xE  }
0x37: {  	[sflag:s5] =	ssyncadd.s32 $0xFFFFC000;
	s18 =	sor.u32 $0x40, s16  }
0x38: {  	s15 =	smul.u32 $0x10200, s15;
	v0 =	vld [tilespmem:s18+$0x30]  }
0x39: {  	v1 =	vld [tilespmem:s18+$0xFFFFFFD0]  }
0x3a: {  	s15 =	sshrl.u32 s15, $0x2;
	v5 =	vld [tilespmem:s18+$0xFFFFFFE0]  }
0x3b: {  	v6 =	vld [tilespmem:s18+$0xFFFFFFF0];
	s16 =	sor.u32 $0x8000, s15  }
0x3c: {  	s31 =	sand.u32 $0x1, s12;
	v4 =	vld [tilespmem:s18+$0x0];
	s17 =	sadd.s32 $0x0, s16  }
0x3d: {  	v3 =	vld [tilespmem:s18+$0x10];
	s15 =	smul.u32 $0x10200, s31;
	[tilespmem:s17+$0x3870 ss:$0x81] =	vst.msk $0xffff, v0  }
0x3e: {  	v2 =	vld [tilespmem:s18+$0x20];
	[tilespmem:s17+$0x810 ss:$0x81] =	vst.msk $0xffff, v1  }
0x3f: {  	s15 =	sshrl.u32 s15, $0x2;
	v0 =	vld [tilespmem:s18+$0xFFFFFFC0];
	[tilespmem:s17+$0x1020 ss:$0x81] =	vst.msk $0xffff, v5;
	s18 =	sadd.s32 $0x80, s18  }
0x40: {  	s19 =	simm.s32 $0x4;
	s20 =	simm.s32 $0x8;
	s15 =	sor.u32 $0x8000, s15;
	[tilespmem:s17+$0x1830 ss:$0x81] =	vst.msk $0xffff, v6;
	v1 =	vld [tilespmem:s18+$0x30]  }
.LBB1_3:
0x41: {  	p1 =	sne.s32 s20, $0x1FC;
	v5 =	vld [tilespmem:s18+$0xFFFFFFD0];
	[tilespmem:s17+$0x2040 ss:$0x81] =	vst.msk $0xffff, v4  }
0x42: {  	v6 =	vld [tilespmem:s18+$0xFFFFFFE0];
	[tilespmem:s17+$0x2850 ss:$0x81] =	vst.msk $0xffff, v3  }
0x43: {  	s21 =	sshra.s32 s19, $0x2;
	s19 =	smov.u32 s20;
	v7 =	vld [tilespmem:s18+$0xFFFFFFF0];
	[tilespmem:s17+$0x3060 ss:$0x81] =	vst.msk $0xffff, v2  }
.Ltmp3:
0x44: {  	v4 =	vld [tilespmem:s18+$0x0];
	[tilespmem:s17+$0x0 ss:$0x81] =	vst.msk $0xffff, v0;
	s17 =	sadd.s32 s21, s16;
	(pc) =	sbr.rel @p1 .LBB1_3-.Ltmp3, $4  }
0x45: {  	v3 =	vld [tilespmem:s18+$0x10];
	[tilespmem:s17+$0x3870 ss:$0x81] =	vst.msk $0xffff, v1  }
0x46: {  	[tilespmem:s17+$0x810 ss:$0x81] =	vst.msk $0xffff, v5;
	v2 =	vld [tilespmem:s18+$0x20]  }
0x47: {  	v0 =	vld [tilespmem:s18+$0xFFFFFFC0];
	[tilespmem:s17+$0x1020 ss:$0x81] =	vst.msk $0xffff, v6;
	s18 =	sadd.s32 $0x80, s18  }
0x48: {  	s20 =	sadd.s32 $0x4, s20;
	v1 =	vld [tilespmem:s18+$0x30];
	[tilespmem:s17+$0x1830 ss:$0x81] =	vst.msk $0xffff, v7  }
.Ltmp4:
0x49: {  	_ = 	snop;
	(pc) =	sbr.rel .LBB1_4-.Ltmp4, $1  }
0x4a: {  	_ =	sdelay $0x3  }
.LBB1_6:
0x4b: {  	_ =	sfence.sel $0x180000  }
0x4c: {  	s2 =	simm.s32 $0x1;
	[bflag:$0x0] =	sbarrier.arrive $0xFFFF  }
0x4d: {  	s31 =	simm.s32 $0x2;
	[sflag:s2] =	ssyncpa.u1 $0x1  }
0x4e: {  	[sflag:s31] =	ssyncpa.u1 $0x1  }
0x4f: {  	p0 =	sne.s32 s0, $0x0;
	_ =	strace $0x9000004A  }
0x50: {  	s0 =	sadd.s32 @!p0 $0x100000, s1;
	[bflag:$0x2] =	sbarrier.arrive $0xFFFF  }
0x51: {  	[sflag:s0] =	ssyncadd.tile.s32 @!p0 $0x1;
	_ =	shalt  }
.Lfunc_end1:
_tile_overlayer_lowered:
.L_overlay_start_2:
0x52: {  	(tag) =	ssettag $0x2  }
0x53: {  	s0 =	rddreg [dreg:$0x0];
	s2 =	stileid.u32  }
0x54: {  	s1 =	rddreg [dreg:$0x1];
	p0 =	sne.s32 s2, $0x0  }
0x55: {  	s3 =	rddreg [dreg:$0x2];
	[bflag:$0x3] =	sbarrier.arrive $0xFFFF;
	s2 =	simm.s32 @!p0 $0x1C01  }
0x56: {  	[timem:s3], [sflag:s2] =	dma.local @!p0 [hbm:s0], s1  }
0x57: {  	s0 =	simm.s32 @!p0 $0x1  }
0x58: {  	_ =	swait.ge @!p0 [sflag:s0], s1  }
0x59: {  	s1 =	ssub.s32 @!p0 $0x0, s1;
	[sflag:s0] =	ssyncset.done @!p0 $0x0  }
0x5a: {  	[sflag:s0] =	ssyncadd.s32 @!p0 s1  }
0x5b: {  	[bflag:$0x3] =	sbarrier.arrive $0xFFFF  }
0x5c: {  	_ =	shalt  }

// kernel: sparse-core-data-format-call.cloned.1.call-start
scs
called_computation_lowered:
.L_overlay_start_0:
0x0: {  	s2 =	sld [smem:$0x3FD9]  }
0x1: {  	s3 =	sld [smem:$0x3FFE];
	_ =	sdelay $0x1  }
0x2: {  	s1 =	srdreg.scid  }
0x3: {  	s0 =	sand.u32 $0x1, s1  }
0x4: {  	s18 =	sshll.u32 s0, $0xA;
	s2 =	sadd.s32 s3, s2  }
0x5: {  	s2 =	sadd.s32 s2, s18  }
0x6: {  	[smem:$0x3FC4] =	sst s2  }
0x7: {  	_ = 	snop  }
0x8: {  	s2 =	sld [smem:$0x3FC9];
	(tm) =	ssettm $0x1  }
0x9: {  	s19 =	sld [smem:$0x3FFB];
	_ =	sdelay $0x3  }
0xa: {  	_ =	strace s19  }
0xb: {  	s3 =	sld [smem:$0x3FFC];
	_ =	sdelay $0x3  }
0xc: {  	_ =	strace s3  }
0xd: {  	s3 =	sld [smem:$0x3FFD];
	_ =	sdelay $0x3  }
0xe: {  	_ =	strace s3  }
0xf: {  	_ =	strace $0x8FFFFFFF  }
0x10: {  	s20 =	sld [smem:$0x3FDB];
	_ =	sdelay $0x1  }
0x11: {  	s4 =	simm.s32 $_scs_section_size  }
0x12: {  	s5 =	simm.s32 $_size__tile_overlayer_lowered;
	s6 =	simm.s32 $_tile_overlayer_lowered  }
0x13: {  	s23 =	simm.s32 $0x1BFF;
	s22 =	sshll.u32 s6, $0x1;
	s3 =	sadd.s32 s4, s20  }
0x14: {  	s7 =	simm.s32 $0x0;
	s21 =	sshll.u32 s5, $0x1;
	s5 =	sadd.s32 s22, s3  }
0x15: {  	[timem:s7], [sflag:s23] =	dma.local [hbm:s5], s21  }
0x16: {  	_ =	swait.ge [sflag:s23], s21  }
0x17: {  	s4 =	ssub.s32 $0x0, s21;
	[sflag:s23] =	ssyncset.done $0x0  }
0x18: {  	[sflag:s23] =	ssyncadd.s32 s4;
	_ =	sdelay $0x1  }
0x19: {  	s24 =	simm.s32 $0x1B8B  }
0x1a: {  	_ =	swait.ge [sflag:s24], $0x1  }
0x1b: {  	[sflag:s24] =	ssyncset.done $0x0  }
0x1c: {  	s26 =	simm.s32 $0x1B8E;
	s25 =	sld [smem:$0x3FFE];
	[sflag:s24] =	ssyncadd.s32 $0xFFFFFFFF  }
0x1d: {  	s27 =	simm.s32 $execute0_lowered;
	[smem:$0x3FD2] =	sst s26  }
0x1e: {  	s5 =	sshll.u32 s27, $0x1;
	_ =	strace $0x80000046;
	[dreg:$0x1] =	wrdreg $0xFFFFFFFF  }
0x1f: {  	s28 =	simm.s32 $_size_execute0_lowered;
	s3 =	sadd.s32 s3, s5;
	[dreg:$0x0] =	wrdreg $0x0  }
0x20: {  	s5 =	sshll.u32 s28, $0x1;
	[dreg:$0x2] =	wrdreg s3  }
0x21: {  	[dreg:$0x3] =	wrdreg s5  }
0x22: {  	[dreg:$0x4] =	wrdreg $0xC0  }
0x23: {  	_ =	task [dreg:s7], $0x5FFFF  }
0x24: {  	[dreg:$0x1] =	wrdreg $0xFFFFFFFF  }
0x25: {  	[dreg:$0x0] =	wrdreg $0x60  }
0x26: {  	[dreg:$0x2] =	wrdreg s2  }
0x27: {  	[dreg:$0x3] =	wrdreg s25  }
0x28: {  	[dreg:$0x4] =	wrdreg $0x9  }
0x29: {  	_ =	task.clear_ibuf [dreg:s7], $0x5FFFF;
	_ =	strace $0x90000046  }
0x2a: {  	s29 =	simm.s32 $0x9;
	_ =	strace $0x80000048  }
0x2b: {  	_ =	swait.ge [sflag:s29], $0x1  }
0x2c: {  	[sflag:s29] =	ssyncadd.s32 $0xFFFFFFFF  }
0x2d: {  	_ =	strace $0x90000048  }
0x2e: {  	_ =	sfence  }
0x2f: {  	s30 =	sld [smem:$0x0];
	_ =	sdelay $0x2  }
0x30: {  	s31 =	sshll.u32 s1, $0xD;
	s1 =	sshrl.u32 s1, $0x2  }
0x31: {  	s3 =	sand.u32 $0x4000, s31;
	s1 =	sadd.s32 s1, s30  }
0x32: {  	s0 =	sor.u32 s3, s0;
	s1 =	sshll.u32 s1, $0x11  }
0x33: {  	s0 =	sor.u32 s1, s0  }
0x34: {  	s0 =	sadd.s32 $0x8F2B, s0  }
0x35: {  	[sflag:s0] =	ssyncadd.remote.s32 $0x1  }
0x36: {  	_ =	sfence.sel $0xFFFF  }
0x37: {  	[dreg:$0x0] =	wrdreg $0xFFFFFFFF;
	(pc) =	sbr.abs _section_cstart, $3  }
0x38: {  	[dreg:$0x1] =	wrdreg $0xFFFFFFFF  }
0x39: {  	_ =	task.clear_ibuf [dreg:s7], $0x2FFFF;
	_ =	strace $0x9FFFFFFF  }
0x3a: {  	(tm) =	ssettm $0x7FFFFFFF  }
0x3b: {  	_ =	shalt  }
tec
execute0_lowered:
.L_overlay_start_1:
0x0: {  	(tag) =	ssettag $0x1  }
0x1: {  	s0 =	srdreg.scid  }
0x2: {  	s1 =	sshll.u32 s0, $0x4  }
0x3: {  	s0 =	stileid.u32;
	s1 =	sand.u32 $0x10, s1  }
0x4: {  	s3 =	rddreg [dreg:$0x0];
	s7 =	sor.u32 s0, s1  }
0x5: {  	s5 =	rddreg [dreg:$0x1];
	s6 =	simm.s32 $0x1;
	s2 =	sshll.u32 s7, $0x7  }
0x6: {  	s8 =	simm.s32 $0x2;
	s14 =	simm.s32 $0x0;
	s4 =	ssub.s32 $0x1000, s2  }
0x7: {  	s10 =	simm.s32 $0x6C00;
	s13 =	simm.s32 $0x0;
	s31 =	sand.u32 $0xF80, s4  }
0x8: {  	s11 =	simm.s32 $0x0;
	s12 =	simm.s32 $0x0;
	p0 =	sne.s32 s31, $0x0  }
.Ltmp0:
0x9: {  	s4 =	sshrl.u32 s4, $0xC;
	s6 =	simm.s32 @!p0 $0x0;
	(pc) =	sbr.rel .LBB1_1-.Ltmp0, $4  }
0xa: {  	s1 =	rddreg [dreg:$0x2];
	_ =	strace $0x80000047;
	s6 =	sadd.s32 s6, s4  }
0xb: {  	s4 =	sadd.s32 $0x800, s5;
	s5 =	simm.s32 $0x1;
	s6 =	smul.u32 $0x1B, s6  }
0xc: {  	s7 =	sshll.u32 s7, $0xA;
	p0 =	por $0x0, $0x0;
	[sflag:s5] =	ssyncpa.u1 $0x0  }
0xd: {  	[sflag:s8] =	ssyncpa.u1 $0x0;
	s8 =	sand.u32 $0xC00, s7;
	s9 =	sadd.s32 $0x1, s6  }
.LBB1_4:
0xe: {  	s14 =	sshrl.u32 s14, $0x3  }
0xf: {  	v5 =	vld [tilespmem:s18+$0xFFFFFFD0];
	[tilespmem:s17+$0x2040 ss:$0x81] =	vst.msk $0xffff, v4;
	s20 =	sshll.u32 s13, $0x3;
	s14 =	smul.u32 $0x6C00, s14  }
0x10: {  	v58 =	vld [tilespmem:s18+$0xFFFFFFE0];
	[tilespmem:s17+$0x2850 ss:$0x81] =	vst.msk $0xffff, v3;
	s20 =	sand.u32 $0xFFFFFC00, s20  }
0x11: {  	s19 =	sshra.s32 s19, $0x2;
	v59 =	vld [tilespmem:s18+$0xFFFFFFF0];
	[tilespmem:s17+$0x3060 ss:$0x81] =	vst.msk $0xffff, v2;
	s14 =	sadd.s32 s20, s14  }
0x12: {  	v60 =	vld [tilespmem:s18+$0x0];
	[tilespmem:s17+$0x0 ss:$0x81] =	vst.msk $0xffff, v0;
	s16 =	sadd.s32 s19, s16;
	s27 =	sshrl.u32 s14, $0x7  }
0x13: {  	v61 =	vld [tilespmem:s18+$0x10];
	[tilespmem:s16+$0x3870 ss:$0x81] =	vst.msk $0xffff, v1;
	s17 =	smulhi.u32 $0x97B425F, s27  }
0x14: {  	v62 =	vld [tilespmem:s18+$0x20];
	[tilespmem:s16+$0x810 ss:$0x81] =	vst.msk $0xffff, v5  }
0x15: {  	v63 =	vld [tilespmem:s18+$0xFFFFFFC0];
	s28 =	sand.u32 $0x7F, s13;
	[tilespmem:s16+$0x1020 ss:$0x81] =	vst.msk $0xffff, v58;
	s29 =	smul.u32 $0xD80, s17  }
0x16: {  	s13 =	sor.u32 s28, s14;
	[tilespmem:s16+$0x1830 ss:$0x81] =	vst.msk $0xffff, v59  }
0x17: {  	[tilespmem:s16+$0x2040 ss:$0x81] =	vst.msk $0xffff, v60;
	s30 =	sand.u32 $0xFFF, s17;
	s13 =	ssub.s32 s13, s29  }
0x18: {  	[tilespmem:s16+$0x2850 ss:$0x81] =	vst.msk $0xffff, v61;
	s14 =	smul.u32 $0x1B0, s30;
	s31 =	sshrl.u32 s13, $0x3;
	s13 =	sand.u32 $0x7, s13  }
0x19: {  	[tilespmem:s16+$0x3060 ss:$0x81] =	vst.msk $0xffff, v62;
	s17 =	sadd.s32 s4, s31;
	s13 =	sshll.u32 s13, $0x12  }
0x1a: {  	[tilespmem:s16+$0x0 ss:$0x81] =	vst.msk $0xffff, v63;
	s14 =	sadd.s32 s14, s17;
	s13 =	sor.u32 $0x400, s13  }
0x1b: {  	[hbm4b:s14+s13] =	stream.strided.scatter [tilespmem:s15], [sflag:$0x2], $0x4000, s10, s13, $0x20;
	[tilespmem:$0x10100] =	vst v63  }
.LBB1_5:
0x1c: {  	s15 =	sadd.s32 $0x80, s11  }
0x1d: {  	p2 =	sgt.s32 s15, $0xD06  }
0x1e: {  	s15 =	simm.s32 @p2 $0x0;
	p2 =	sne.s32 s12, s9  }
.Ltmp1:
0x1f: {  	p1 =	slt.u32 s12, $0x2;
	(pc) =	sbr.rel @!p2 .LBB1_6-.Ltmp1, $4  }
0x20: {  	s14 =	simm.s32 @!p1 $0x2  }
0x21: {  	s16 =	sadd.s32 $0x1, s12;
	s13 =	smov.u32 s11;
	_ =	swait.ge @!p1 [sflag:s14], $0x4000  }
0x22: {  	p0 =	por !p0, !p0;
	s12 =	smov.u32 s16;
	[sflag:s14] =	ssyncset.done @!p1 $0x0  }
0x23: {  	s11 =	smov.u32 s15;
	[sflag:s14] =	ssyncadd.s32 @!p1 $0xFFFFC000;
	s14 =	smov.u32 s2  }
.LBB1_1:
0x24: {  	p1 =	sge.u32 s12, s6  }
0x25: {  	s15 =	sshll.u32 @!p1 s11, $0xC  }
0x26: {  	s17 =	smov.u32 s11;
	p2 =	sgt.s32 @!p1 s11, $0xC88;
	s15 =	sand.u32 @!p1 $0xFFFF8000, s15  }
0x27: {  	s18 =	sshra.s32 @!p1 s11, $0x1F;
	s19 =	sxor.u32 @!p1 $0xFFFFFFFF, s12;
	s15 =	sor.u32 @!p1 s7, s15  }
0x28: {  	p2 =	por !p2, p1;
	s18 =	sand.u32 @!p1 s18, s11;
	s15 =	sshrl.u32 @!p1 s15, $0xC  }
0x29: {  	s19 =	sshll.u32 @!p1 s19, $0xE;
	s17 =	simm.s32 @p2 $0xC88;
	s16 =	smulhi.u32 @!p1 $0x13A525, s15  }
0x2a: {  	s17 =	ssub.s32 @!p1 s17, s18;
	s18 =	sand.u32 @!p1 $0x4000, s19;
	s19 =	sshll.u32 @!p1 s11, $0x7  }
0x2b: {  	s17 =	sadd.s32 @!p1 $0xFFFFF378, s17;
	s19 =	sand.u32 @!p1 $0x380, s19;
	s16 =	smul.u32 @!p1 $0xD08, s16  }
0x2c: {  	s31 =	sadd.s32 $0xFFFFFFFF, s12;
	s19 =	sor.u32 @!p1 s8, s19;
	p2 =	sgt.s32 @!p1 s17, $0x7F  }
0x2d: {  	p2 =	por !p2, p1;
	s15 =	ssub.s32 @!p1 s15, s16;
	s16 =	sshll.u32 @!p1 s17, $0x7  }
0x2e: {  	s17 =	sshrl.u32 @!p1 s19, $0x3;
	s19 =	simm.s32 @!p1 $0x8000;
	s16 =	ssub.s32 @!p1 $0x4000, s16  }
0x2f: {  	s15 =	sshll.u32 @!p1 s15, $0x9;
	s17 =	sadd.s32 @!p1 s3, s17;
	s16 =	sand.u32 @!p1 $0x3FFFFF80, s16  }
0x30: {  	s15 =	sadd.s32 @!p1 s15, s17;
	s17 =	simm.s32 @!p1 $0x400;
	s16 =	simm.s32 @!p2 $0x0  }
0x31: {  	[tilespmem:s18], [sflag:$0x1] =	stream.strided.gather @!p1 [hbm4b:s15+s17], s16, s19, s17, $0x38;
	[tilespmem:$0x10100] =	vst v63  }
0x32: {  	p1 =	sge.u32 s31, s6  }
.Ltmp2:
0x33: {  	_ = 	snop;
	(pc) =	sbr.rel @p1 .LBB1_5-.Ltmp2, $1  }
0x34: {  	_ =	sdelay $0x3  }
0x35: {  	p1 =	sgt.s32 s13, $0xC88;
	s15 =	smov.u32 s13;
	s16 =	sshra.s32 s13, $0x1F  }
0x36: {  	s15 =	simm.s32 @!p1 $0xC88;
	s16 =	sand.u32 s16, s13  }
0x37: {  	s15 =	ssub.s32 s15, s16  }
0x38: {  	s15 =	sadd.s32 $0xFFFFF378, s15  }
0x39: {  	s29 =	sshll.u32 s15, $0x7  }
0x3a: {  	s16 =	ssub.s32 $0x4000, s29  }
0x3b: {  	p1 =	sgt.s32 s15, $0x7F;
	s15 =	sand.u32 $0x3FFFFF80, s16  }
0x3c: {  	s16 =	simm.s32 $0x1;
	s15 =	simm.s32 @p1 $0x0  }
0x3d: {  	s16 =	simm.s32 @!p0 $0x0;
	_ =	swait.ge [sflag:s5], s15  }
0x3e: {  	s17 =	sshll.u32 s16, $0xE;
	s15 =	ssub.s32 $0x0, s15;
	[sflag:s5] =	ssyncset.done $0x0  }
0x3f: {  	s18 =	sor.u32 $0x40, s17;
	[sflag:s5] =	ssyncadd.s32 s15  }
0x40: {  	s30 =	smul.u32 $0x10200, s16;
	v0 =	vld [tilespmem:s18+$0x30]  }
0x41: {  	v1 =	vld [tilespmem:s18+$0xFFFFFFD0]  }
0x42: {  	s15 =	sshrl.u32 s30, $0x2;
	v5 =	vld [tilespmem:s18+$0xFFFFFFE0]  }
0x43: {  	s16 =	sor.u32 $0x8000, s15;
	v6 =	vld [tilespmem:s18+$0xFFFFFFF0]  }
0x44: {  	s31 =	sand.u32 $0x1, s12;
	v4 =	vld [tilespmem:s18+$0x0];
	s17 =	sadd.s32 $0x0, s16  }
0x45: {  	s15 =	smul.u32 $0x10200, s31;
	v3 =	vld [tilespmem:s18+$0x10];
	[tilespmem:s17+$0x3870 ss:$0x81] =	vst.msk $0xffff, v0  }
0x46: {  	v2 =	vld [tilespmem:s18+$0x20];
	[tilespmem:s17+$0x810 ss:$0x81] =	vst.msk $0xffff, v1  }
0x47: {  	s15 =	sshrl.u32 s15, $0x2;
	v0 =	vld [tilespmem:s18+$0xFFFFFFC0];
	[tilespmem:s17+$0x1020 ss:$0x81] =	vst.msk $0xffff, v5;
	s18 =	sadd.s32 $0x80, s18  }
0x48: {  	s19 =	simm.s32 $0x4;
	s20 =	simm.s32 $0x8;
	s15 =	sor.u32 $0x8000, s15;
	[tilespmem:s17+$0x1830 ss:$0x81] =	vst.msk $0xffff, v6;
	v1 =	vld [tilespmem:s18+$0x30]  }
.LBB1_3:
0x49: {  	p1 =	sne.s32 s20, $0x1FC;
	v5 =	vld [tilespmem:s18+$0xFFFFFFD0];
	[tilespmem:s17+$0x2040 ss:$0x81] =	vst.msk $0xffff, v4  }
0x4a: {  	v6 =	vld [tilespmem:s18+$0xFFFFFFE0];
	[tilespmem:s17+$0x2850 ss:$0x81] =	vst.msk $0xffff, v3  }
0x4b: {  	s21 =	sshra.s32 s19, $0x2;
	s19 =	smov.u32 s20;
	v7 =	vld [tilespmem:s18+$0xFFFFFFF0];
	[tilespmem:s17+$0x3060 ss:$0x81] =	vst.msk $0xffff, v2  }
.Ltmp3:
0x4c: {  	v4 =	vld [tilespmem:s18+$0x0];
	[tilespmem:s17+$0x0 ss:$0x81] =	vst.msk $0xffff, v0;
	s17 =	sadd.s32 s21, s16;
	(pc) =	sbr.rel @p1 .LBB1_3-.Ltmp3, $4  }
0x4d: {  	v3 =	vld [tilespmem:s18+$0x10];
	[tilespmem:s17+$0x3870 ss:$0x81] =	vst.msk $0xffff, v1  }
0x4e: {  	[tilespmem:s17+$0x810 ss:$0x81] =	vst.msk $0xffff, v5;
	v2 =	vld [tilespmem:s18+$0x20]  }
0x4f: {  	v0 =	vld [tilespmem:s18+$0xFFFFFFC0];
	[tilespmem:s17+$0x1020 ss:$0x81] =	vst.msk $0xffff, v6;
	s18 =	sadd.s32 $0x80, s18  }
0x50: {  	s20 =	sadd.s32 $0x4, s20;
	v1 =	vld [tilespmem:s18+$0x30];
	[tilespmem:s17+$0x1830 ss:$0x81] =	vst.msk $0xffff, v7  }
.Ltmp4:
0x51: {  	_ = 	snop;
	(pc) =	sbr.rel .LBB1_4-.Ltmp4, $1  }
0x52: {  	_ =	sdelay $0x3  }
.LBB1_6:
0x53: {  	_ =	sfence.sel $0x180000  }
0x54: {  	s2 =	simm.s32 $0x1;
	[bflag:$0x0] =	sbarrier.arrive $0xFFFF  }
0x55: {  	s31 =	simm.s32 $0x2;
	[sflag:s2] =	ssyncpa.u1 $0x1  }
0x56: {  	[sflag:s31] =	ssyncpa.u1 $0x1  }
0x57: {  	p0 =	sne.s32 s0, $0x0;
	_ =	strace $0x90000047  }
0x58: {  	s0 =	sadd.s32 @!p0 $0x100000, s1;
	[bflag:$0x2] =	sbarrier.arrive $0xFFFF  }
0x59: {  	[sflag:s0] =	ssyncadd.tile.s32 @!p0 $0x1;
	_ =	shalt  }
.Lfunc_end1:
_tile_overlayer_lowered:
.L_overlay_start_2:
0x5a: {  	(tag) =	ssettag $0x2  }
0x5b: {  	s0 =	rddreg [dreg:$0x0];
	s2 =	stileid.u32  }
0x5c: {  	s1 =	rddreg [dreg:$0x1];
	p0 =	sne.s32 s2, $0x0  }
0x5d: {  	s3 =	rddreg [dreg:$0x2];
	[bflag:$0x3] =	sbarrier.arrive $0xFFFF;
	s2 =	simm.s32 @!p0 $0x1C01  }
0x5e: {  	[timem:s3], [sflag:s2] =	dma.local @!p0 [hbm:s0], s1  }
0x5f: {  	s0 =	simm.s32 @!p0 $0x1  }
0x60: {  	_ =	swait.ge @!p0 [sflag:s0], s1  }
0x61: {  	s1 =	ssub.s32 @!p0 $0x0, s1;
	[sflag:s0] =	ssyncset.done @!p0 $0x0  }
0x62: {  	[sflag:s0] =	ssyncadd.s32 @!p0 s1  }
0x63: {  	[bflag:$0x3] =	sbarrier.arrive $0xFFFF  }
0x64: {  	_ =	shalt  }

</sc_bundles>
